<compile_context>
chip_gen: v7x
topology: tpu7x:2x2x1
jax: 0.10.2.dev20260603
libtpu: 0.0.44.dev20260713+nightly
codegen_flags: <defaults>
</compile_context>

<pallas_src>
import functools

import jax
import jax.numpy as jnp
from jax import lax
from jax.experimental import pallas as pl
from jax.experimental.pallas import tpu as pltpu
from jax.experimental.pallas import tpu_sc as plsc

_N, _E, _M = 2048, 8192, 64
_H, _HE = 256, 128
_D = 384
_PW = 272
_ACC_ROWS = 2176
_TRASH = _N
_NC, _NS = 2, 16

_SC_MESH = dict(core_axis_name="c", subcore_axis_name="s",
                num_cores=_NC, num_subcores=_NS)


def _lrelu(x):
    return jnp.where(x >= 0, x, 0.01 * x)


def _gru_math(x, h, wih, whh, bih, bhh):
    gi = jnp.dot(x, wih, preferred_element_type=jnp.float32) + bih
    gh = jnp.dot(h, whh, preferred_element_type=jnp.float32) + bhh
    r = jax.nn.sigmoid(gi[:, :_H] + gh[:, :_H])
    z = jax.nn.sigmoid(gi[:, _H:2 * _H] + gh[:, _H:2 * _H])
    n = jnp.tanh(gi[:, 2 * _H:] + r * gh[:, 2 * _H:])
    return (1.0 - z) * n + z * h



def _proj_body(x_ref, w_ref, b_ref, o_ref):
    o_ref[...] = _lrelu(
        jnp.dot(x_ref[...], w_ref[...], preferred_element_type=jnp.float32)
        + b_ref[...])


def _proj(x, w, b, bm):
    n, k = x.shape
    c = w.shape[1]
    return pl.pallas_call(
        _proj_body,
        grid=(n // bm,),
        in_specs=[pl.BlockSpec((bm, k), lambda i: (i, 0)),
                  pl.BlockSpec((k, c), lambda i: (0, 0)),
                  pl.BlockSpec((1, c), lambda i: (0, 0))],
        out_specs=pl.BlockSpec((bm, c), lambda i: (i, 0)),
        out_shape=jax.ShapeDtypeStruct((n, c), jnp.float32),
    )(x, w, b.reshape(1, c))


def _node_table_body(h_ref, w_ref, wa_ref, o_ref, oa_ref):
    h = h_ref[...]
    o_ref[...] = jnp.dot(h, w_ref[0], preferred_element_type=jnp.float32)
    oa_ref[...] = jnp.dot(h, wa_ref[0],
                          preferred_element_type=jnp.float32).reshape(1, 1, -1)


def _node_table(h, w2, wa2, bm=256):
    return pl.pallas_call(
        _node_table_body,
        grid=(2, _N // bm),
        in_specs=[pl.BlockSpec((bm, _H), lambda g, i: (i, 0)),
                  pl.BlockSpec((1, _H, _D), lambda g, i: (g, 0, 0)),
                  pl.BlockSpec((1, _H, 1), lambda g, i: (g, 0, 0))],
        out_specs=[pl.BlockSpec((bm, _D),
                                lambda g, i: (g * (_N // bm) + i, 0)),
                   pl.BlockSpec((1, 1, bm), lambda g, i: (g, 0, i))],
        out_shape=[jax.ShapeDtypeStruct((2 * _N, _D), jnp.float32),
                   jax.ShapeDtypeStruct((2, 1, _N), jnp.float32)],
    )(h, w2, wa2)


def _edge_fuse_body(g0_ref, g1_ref, e_ref, attp_ref, we_ref, wae_ref, b_ref,
                    pay_ref, eo_ref, msum_ref):
    e = e_ref[...]
    z = (g0_ref[...] + g1_ref[...]
         + jnp.dot(e, we_ref[...], preferred_element_type=jnp.float32)
         + b_ref[...])
    msg = _lrelu(z[:, :_H])
    eo_ref[...] = _lrelu(z[:, _H:_H + _HE])
    bm = msg.shape[0]
    att = (attp_ref[...].reshape(bm, 1)
           + jnp.dot(e, wae_ref[...], preferred_element_type=jnp.float32))
    w = jnp.exp(att)
    pay_ref[...] = jnp.concatenate(
        [w * msg, w, jnp.zeros((bm, _PW - _H - 1), jnp.float32)],
        axis=1).astype(jnp.bfloat16)

    @pl.when(pl.program_id(0) == 0)
    def _():
        msum_ref[...] = jnp.zeros_like(msum_ref)
    msum_ref[...] += jnp.sum(msg, axis=0, keepdims=True)


def _edge_fuse(gat, e, attp2, we, wae, b384, bm=512):
    nb = _E // bm
    return pl.pallas_call(
        _edge_fuse_body,
        grid=(nb,),
        in_specs=[pl.BlockSpec((bm, _D), lambda i: (i, 0)),
                  pl.BlockSpec((bm, _D), lambda i: (i + nb, 0)),
                  pl.BlockSpec((bm, _HE), lambda i: (i, 0)),
                  pl.BlockSpec((1, bm), lambda i: (0, i)),
                  pl.BlockSpec((_HE, _D), lambda i: (0, 0)),
                  pl.BlockSpec((_HE, 1), lambda i: (0, 0)),
                  pl.BlockSpec((1, _D), lambda i: (0, 0))],
        out_specs=[pl.BlockSpec((bm, _PW), lambda i: (i, 0)),
                   pl.BlockSpec((bm, _HE), lambda i: (i, 0)),
                   pl.BlockSpec((1, _H), lambda i: (0, 0))],
        out_shape=[jax.ShapeDtypeStruct((_E, _PW), jnp.bfloat16),
                   jax.ShapeDtypeStruct((_E, _HE), jnp.float32),
                   jax.ShapeDtypeStruct((1, _H), jnp.float32)],
    )(gat, gat, e, attp2, we, wae, b384.reshape(1, _D))


def _nem_matmul_body(nem_ref, p_ref, o_ref):
    o_ref[...] = jnp.dot(nem_ref[...].astype(jnp.bfloat16), p_ref[...],
                         preferred_element_type=jnp.float32)


def _tc_scatter(nem, payload, bm=256):
    return pl.pallas_call(
        _nem_matmul_body,
        grid=(_N // bm,),
        in_specs=[pl.BlockSpec((bm, _E), lambda i: (i, 0)),
                  pl.BlockSpec((_E, _PW), lambda i: (0, 0))],
        out_specs=pl.BlockSpec((bm, _PW), lambda i: (i, 0)),
        out_shape=jax.ShapeDtypeStruct((_N, _PW), jnp.float32),
    )(nem, payload)


def _update_body(relu_flag, acc_ref, h_ref, msum_ref,
                 wih_ref, whh_ref, bih_ref, bhh_ref, o_ref):
    acc = acc_ref[...]
    numer = acc[:, :_H]
    den = acc[:, _H:_H + 1]
    ctx = jnp.where(den > 0.0, numer / den, msum_ref[...] * (1.0 / _E))
    hn = _gru_math(ctx, h_ref[...], wih_ref[...], whh_ref[...],
                   bih_ref[...], bhh_ref[...])
    if relu_flag:
        hn = jnp.maximum(hn, 0.0)
    o_ref[...] = hn


def _update(acc, h, msum, wih, whh, bih, bhh, relu_flag, bm=256):
    return pl.pallas_call(
        functools.partial(_update_body, relu_flag),
        grid=(_N // bm,),
        in_specs=[pl.BlockSpec((bm, _PW), lambda i: (i, 0)),
                  pl.BlockSpec((bm, _H), lambda i: (i, 0)),
                  pl.BlockSpec((1, _H), lambda i: (0, 0)),
                  pl.BlockSpec((_H, 3 * _H), lambda i: (0, 0)),
                  pl.BlockSpec((_H, 3 * _H), lambda i: (0, 0)),
                  pl.BlockSpec((1, 3 * _H), lambda i: (0, 0)),
                  pl.BlockSpec((1, 3 * _H), lambda i: (0, 0))],
        out_specs=pl.BlockSpec((bm, _H), lambda i: (i, 0)),
        out_shape=jax.ShapeDtypeStruct((_N, _H), jnp.float32),
    )(acc, h, msum, wih, whh, bih.reshape(1, -1), bhh.reshape(1, -1))


def _readout_body(h_ref, mnm_ref, mask_ref, wq_ref, bq_ref, wk_ref, bk_ref,
                  wv_ref, bv_ref, wih_ref, whh_ref, bih_ref, bhh_ref,
                  wo_ref, bo_ref, ro_ref, a_ref):
    h = h_ref[...]
    mnm = mnm_ref[...]
    mask = mask_ref[...]
    deg = jnp.clip(jnp.sum(mnm, axis=1, keepdims=True), 1.0, None)
    m = jnp.dot(mnm, h, preferred_element_type=jnp.float32) / deg
    kx = jnp.dot(h, wk_ref[...], preferred_element_type=jnp.float32) + bk_ref[...]
    vx = jnp.dot(h, wv_ref[...], preferred_element_type=jnp.float32) + bv_ref[...]
    a = None
    for _ in range(2):
        q = jnp.dot(m, wq_ref[...], preferred_element_type=jnp.float32) + bq_ref[...]
        logits = lax.dot_general(q, kx, (((1,), (1,)), ((), ())),
                                 preferred_element_type=jnp.float32) * (1.0 / 16.0)
        logits = logits + mask
        mx = jnp.max(logits, axis=1, keepdims=True)
        ex = jnp.exp(logits - mx)
        a = ex / jnp.sum(ex, axis=1, keepdims=True)
        c = jnp.dot(a, vx, preferred_element_type=jnp.float32)
        m = _gru_math(c, m, wih_ref[...], whh_ref[...], bih_ref[...],
                      bhh_ref[...])
    ro_ref[...] = jnp.maximum(
        jnp.dot(m, wo_ref[...], preferred_element_type=jnp.float32)
        + bo_ref[...], 0.0)
    a_ref[...] = a


def _readout(h, mnm, mask, p):
    args = [h, mnm, mask,
            p['R_q'][0], p['R_q'][1].reshape(1, -1),
            p['R_k'][0], p['R_k'][1].reshape(1, -1),
            p['R_v'][0], p['R_v'][1].reshape(1, -1),
            p['R_Wih'], p['R_Whh'],
            p['R_bih'].reshape(1, -1), p['R_bhh'].reshape(1, -1),
            p['R_out'][0], p['R_out'][1].reshape(1, -1)]
    return pl.pallas_call(
        _readout_body,
        out_shape=[jax.ShapeDtypeStruct((_M, _H), jnp.float32),
                   jax.ShapeDtypeStruct((_M, _N), jnp.float32)],
    )(*args)



def _gather_body(tbl_hbm, idx_hbm, patt_hbm, out_hbm, attp_hbm,
                 ibuf, ibu, ibv, rbuf, pbuf, abuf, sem):
    c = lax.axis_index("c")
    s = lax.axis_index("s")
    wid = s * _NC + c
    per = (2 * _E) // (_NC * _NS)
    base0 = wid * per
    for ch in range(per // 128):
        base = base0 + ch * 128
        pltpu.sync_copy(idx_hbm.at[pl.ds(base, 128)], ibuf)
        pltpu.async_copy(tbl_hbm.at[ibuf], rbuf, sem).wait()
        pltpu.sync_copy(rbuf, out_hbm.at[pl.ds(base, 128)])

    @pl.when(wid < _NS)
    def _():
        pltpu.sync_copy(patt_hbm, pbuf)
        pltpu.sync_copy(idx_hbm.at[pl.ds(base0, per)], ibu)
        pltpu.sync_copy(idx_hbm.at[pl.ds(base0 + _E, per)], ibv)

        @plsc.parallel_loop(0, per, step=16)
        def _(k):
            a = (plsc.load_gather(pbuf, [ibu[pl.ds(k, 16)]])
                 + plsc.load_gather(pbuf, [ibv[pl.ds(k, 16)]]))
            abuf[pl.ds(k, 16)] = a

        pltpu.sync_copy(abuf, attp_hbm.at[pl.ds(base0, per)])


def _sc_gather(tbl, idx2, patt):
    per = (2 * _E) // (_NC * _NS)
    return pl.kernel(
        _gather_body,
        out_type=[jax.ShapeDtypeStruct((2 * _E, _D), jnp.float32),
                  jax.ShapeDtypeStruct((_E,), jnp.float32)],
        mesh=plsc.VectorSubcoreMesh(**_SC_MESH),
        compiler_params=pltpu.CompilerParams(needs_layout_passes=False),
        scratch_types=[pltpu.VMEM((128,), jnp.int32),
                       pltpu.VMEM((per,), jnp.int32),
                       pltpu.VMEM((per,), jnp.int32),
                       pltpu.VMEM((128, _D), jnp.float32),
                       pltpu.VMEM((2 * _N,), jnp.float32),
                       pltpu.VMEM((per,), jnp.float32),
                       pltpu.SemaphoreType.DMA],
    )(tbl, idx2, patt)


def _scatter_body(pay_hbm, iu_hbm, iv_hbm, out_hbm, pbuf, ibuf, acc_sh):
    c = lax.axis_index("c")
    s = lax.axis_index("s")
    zr = _ACC_ROWS // _NS
    zero16 = jnp.zeros((16,), jnp.float32)

    def zrow(r, carry):
        for k in range(_PW // 16):
            pbuf[r, pl.ds(k * 16, 16)] = zero16
        return carry

    lax.fori_loop(0, 128, zrow, 0)
    pltpu.sync_copy(pbuf.at[pl.ds(0, 128)], acc_sh.at[pl.ds(s * zr, 128)])
    pltpu.sync_copy(pbuf.at[pl.ds(0, zr - 128)],
                    acc_sh.at[pl.ds(s * zr + 128, zr - 128)])
    plsc.subcore_barrier()

    per = _E // (_NC * _NS)
    base = c * (_E // _NC) + s * per
    for ch in range(per // 128):
        pltpu.sync_copy(pay_hbm.at[pl.ds(base + ch * 128, 128)], pbuf)
        for ih in (iu_hbm, iv_hbm):
            pltpu.sync_copy(ih.at[pl.ds(base + ch * 128, 128)], ibuf)
            pltpu.sync_copy(pbuf, acc_sh.at[ibuf], add=True)
    plsc.subcore_barrier()
    pltpu.sync_copy(acc_sh.at[pl.ds(s * zr, zr)],
                    out_hbm.at[c].at[pl.ds(s * zr, zr)])


def _sc_scatter(payload, idx_u, idx_v):
    return pl.kernel(
        _scatter_body,
        out_type=jax.ShapeDtypeStruct((_NC, _ACC_ROWS, _PW), jnp.float32),
        mesh=plsc.VectorSubcoreMesh(**_SC_MESH),
        scratch_types=[pltpu.VMEM((128, _PW), jnp.float32),
                       pltpu.VMEM((128,), jnp.int32),
                       pltpu.VMEM_SHARED((_ACC_ROWS, _PW), jnp.float32)],
    )(payload, idx_u, idx_v)



def _pack_layer(p, l):
    wm, bm_ = p['M%d_msg' % l]
    wa, ba = p['M%d_att' % l]
    we, be = p['M%d_edge' % l]

    def cols(lo, hi):
        return jnp.concatenate([wm[lo:hi], we[lo:hi]], axis=1)

    w2 = jnp.stack([cols(0, _H), cols(_H, 2 * _H)])
    wa2 = jnp.stack([wa[:_H], wa[_H:2 * _H]])
    wee = cols(2 * _H, 2 * _H + _HE)
    wae = wa[2 * _H:]
    b384 = jnp.concatenate([bm_, be])
    return w2, wa2, wee, wae, b384, ba


def kernel(node_features, edge_features, us, vs, mol_node_matrix,
           mol_node_mask, node_edge_matrix, node_edge_mask, params):
    p = params
    us32 = us.astype(jnp.int32)
    vs32 = vs.astype(jnp.int32)
    idx2 = jnp.concatenate([us32, vs32 + _N])
    idx_v = jnp.where(us32 == vs32, _TRASH, vs32)

    h = _proj(node_features, p['FC_N'][0], p['FC_N'][1], bm=256)
    e = _proj(edge_features, p['FC_E'][0], p['FC_E'][1], bm=512)

    for l in range(2):
        w2, wa2, wee, wae, b384, ba = _pack_layer(p, l)
        tbl, patt = _node_table(h, w2, wa2)
        gat, attp = _sc_gather(tbl, idx2, patt.reshape(2 * _N))
        attp2 = (attp + ba[0]).reshape(1, _E)
        payload, e, msum = _edge_fuse(gat, e, attp2, wee, wae, b384)
        acc = _tc_scatter(node_edge_matrix, payload)
        h = _update(acc, h, msum,
                    p['U%d_Wih' % l], p['U%d_Whh' % l],
                    p['U%d_bih' % l], p['U%d_bhh' % l],
                    relu_flag=(l == 0))

    readout, a = _readout(h, mol_node_matrix, mol_node_mask, p)
    return readout, a

# --- scband reference (transcript-rebuilt; emitter-appended) ---
"""Pipeline reference for scband-ampnn-42279658061910 (READ-ONLY COPY).

The authoritative reference and input builder live on the scoring server;
editing this copy changes nothing except your own understanding.
"""

import jax, jax.numpy as jnp
import numpy as np

N, E, M = 2048, 8192, 64
N_DIM, E_DIM = 128, 16
H, HE, C = 256, 128, 256
LAYERS = 2
RADIUS = 2


def _glorot(key, shape):
    return jax.random.normal(key, shape, dtype=jnp.float32) / jnp.sqrt(shape[0] * 1.0)


def setup_inputs(seed: int = 0) -> dict:
    key = jax.random.key(seed)
    ks = jax.random.split(key, 64)
    node_features = jax.random.normal(ks[0], (N, N_DIM), dtype=jnp.float32)
    edge_features = jax.random.normal(ks[1], (E, E_DIM), dtype=jnp.float32)
    us = jax.random.randint(ks[2], (E,), 0, N)
    vs = jax.random.randint(ks[3], (E,), 0, N)
    oh_u = jax.nn.one_hot(us, N, dtype=jnp.float32).T
    oh_v = jax.nn.one_hot(vs, N, dtype=jnp.float32).T
    node_edge_matrix = jnp.clip(oh_u + oh_v, 0.0, 1.0)
    node_edge_mask = (node_edge_matrix - 1.0) * 1000000.0
    mol_ids = jnp.arange(N) // (N // M)
    mol_node_matrix = jax.nn.one_hot(mol_ids, M, dtype=jnp.float32).T
    mol_node_mask = (mol_node_matrix - 1.0) * 1000000.0
    params = {}
    i = 4

    def lin(shape):
        nonlocal i
        w = _glorot(ks[i], shape)
        i += 1
        b = jnp.zeros((shape[1],), jnp.float32)
        return (w, b)

    params['FC_N'] = lin((N_DIM, H))
    params['FC_E'] = lin((E_DIM, HE))
    in_cat = 2 * H + HE
    for l in range(LAYERS):
        params['M%d_msg' % l] = lin((in_cat, C))
        params['M%d_att' % l] = lin((in_cat, 1))
        params['M%d_edge' % l] = lin((in_cat, HE))
        params['U%d_Wih' % l] = _glorot(ks[i], (C, 3 * H)); i += 1
        params['U%d_Whh' % l] = _glorot(ks[i], (H, 3 * H)); i += 1
        params['U%d_bih' % l] = jnp.zeros((3 * H,), jnp.float32)
        params['U%d_bhh' % l] = jnp.zeros((3 * H,), jnp.float32)
    params['R_q'] = lin((H, H))
    params['R_k'] = lin((H, H))
    params['R_v'] = lin((H, H))
    params['R_Wih'] = _glorot(ks[i], (H, 3 * H)); i += 1
    params['R_Whh'] = _glorot(ks[i], (H, 3 * H)); i += 1
    params['R_bih'] = jnp.zeros((3 * H,), jnp.float32)
    params['R_bhh'] = jnp.zeros((3 * H,), jnp.float32)
    params['R_out'] = lin((H, H))
    return dict(node_features=node_features, edge_features=edge_features, us=us, vs=vs,
                mol_node_matrix=mol_node_matrix, mol_node_mask=mol_node_mask,
                node_edge_matrix=node_edge_matrix, node_edge_mask=node_edge_mask,
                params=params)


def _gru(x, h, Wih, Whh, bih, bhh):
    gi = x @ Wih + bih
    gh = h @ Whh + bhh
    i_r, i_z, i_n = jnp.split(gi, 3, axis=1)
    h_r, h_z, h_n = jnp.split(gh, 3, axis=1)
    r = jax.nn.sigmoid(i_r + h_r)
    z = jax.nn.sigmoid(i_z + h_z)
    n = jnp.tanh(i_n + r * h_n)
    return (1.0 - z) * n + z * h


def _forward(node_features, edge_features, us, vs, mnm, mnmask, nem, nemask, params):
    h = jax.nn.leaky_relu(node_features @ params['FC_N'][0] + params['FC_N'][1])
    e = jax.nn.leaky_relu(edge_features @ params['FC_E'][0] + params['FC_E'][1])
    for l in range(LAYERS):
        u_f = h[us]
        v_f = h[vs]
        hidden = jnp.concatenate([u_f, v_f, e], axis=1)
        msg = jax.nn.leaky_relu(hidden @ params['M%d_msg' % l][0] + params['M%d_msg' % l][1])
        att = (hidden @ params['M%d_att' % l][0] + params['M%d_att' % l][1]).reshape(-1)
        logits = nem * att[None, :] + nemask
        a_ne = jax.nn.softmax(logits, axis=1)
        context = a_ne @ msg
        e = jax.nn.leaky_relu(hidden @ params['M%d_edge' % l][0] + params['M%d_edge' % l][1])
        h_new = _gru(context, h, params['U%d_Wih' % l], params['U%d_Whh' % l], params['U%d_bih' % l], params['U%d_bhh' % l])
        if l != LAYERS - 1:
            h_new = jax.nn.relu(h_new)
        h = h_new
    deg = jnp.clip(jnp.sum(mnm, axis=1, keepdims=True), 1.0, None)
    m = (mnm @ h) / deg
    kx = h @ params['R_k'][0] + params['R_k'][1]
    vx = h @ params['R_v'][0] + params['R_v'][1]
    a = None
    for _ in range(RADIUS):
        q = m @ params['R_q'][0] + params['R_q'][1]
        logits = q @ kx.T / jnp.sqrt(H * 1.0) + mnmask
        a = jax.nn.softmax(logits, axis=1)
        c = a @ vx
        m = _gru(c, m, params['R_Wih'], params['R_Whh'], params['R_bih'], params['R_bhh'])
    readout = jax.nn.relu(m @ params['R_out'][0] + params['R_out'][1])
    return readout, a


def reference(node_features, edge_features, us, vs, mol_node_matrix, mol_node_mask, node_edge_matrix, node_edge_mask, params):
    return _forward(node_features, edge_features, us, vs, mol_node_matrix, mol_node_mask, node_edge_matrix, node_edge_mask, params)

if __name__ == "__main__":
    import jax
    _d = setup_inputs()
    print(jax.jit(kernel)(*tuple(_d.values())))

</pallas_src>

<mosaic_0001>
#map = affine_map<(d0, d1) -> (0, 0)>
#map1 = affine_map<(d0, d1) -> (0)>
module attributes {stable_mosaic.version = 14 : i64} {
  func.func @_gather_body(%arg0: i32, %arg1: i32, %arg2: memref<4096x384xf32, #tpu.memory_space<hbm>>, %arg3: memref<16384xi32, #tpu.memory_space<hbm>>, %arg4: memref<4096xf32, #tpu.memory_space<hbm>>, %arg5: memref<16384x384xf32, #tpu.memory_space<hbm>>, %arg6: memref<8192xf32, #tpu.memory_space<hbm>>, %arg7: memref<128xi32, #tpu.memory_space<vmem>>, %arg8: memref<512xi32, #tpu.memory_space<vmem>>, %arg9: memref<512xi32, #tpu.memory_space<vmem>>, %arg10: memref<128x384xf32, #tpu.memory_space<vmem>>, %arg11: memref<4096xf32, #tpu.memory_space<vmem>>, %arg12: memref<512xf32, #tpu.memory_space<vmem>>, %arg13: memref<!tpu.dma_semaphore, #tpu.memory_space<semaphore_mem>>) attributes {dimension_semantics = [#tpu.dimension_semantics<core_parallel>, #tpu.dimension_semantics<subcore_parallel>], iteration_bounds = array<i64: 2, 16>, scalar_prefetch = 0 : i64, scratch_operands = 7 : i64, tpu.core_type = #tpu.core_type<sc_vector_subcore>, window_params = [{transform_indices = #map}, {transform_indices = #map1}, {transform_indices = #map1}, {transform_indices = #map}, {transform_indices = #map1}]} {
    %mul3A = arith.constant 2 : i32
    %mul3A_0 = arith.muli %arg1, %mul3A : i32
    %add3A = arith.addi %mul3A_0, %arg0 : i32
    %mul3A_1 = arith.constant 512 : i32
    %mul3A_2 = arith.muli %add3A, %mul3A_1 : i32
    %add3A_3 = arith.constant 0 : i32
    %add3A_4 = arith.addi %mul3A_2, %add3A_3 : i32
    "tpu.region"() ({
      %run_scoped3A = tpu.sem_alloc : memref<!tpu.dma_semaphore, #tpu.memory_space<semaphore_mem>>
      %dma_start3A_35 = tpu.memref_slice %arg3[%add3A_4] : memref<16384xi32, #tpu.memory_space<hbm>> -> memref<128xi32, #tpu.memory_space<hbm>>
      %dma_start3A_36 = tpu.memref_slice %arg3[%add3A_4] : memref<16384xi32, #tpu.memory_space<hbm>> -> memref<128xi32, #tpu.memory_space<hbm>>
      tpu.enqueue_dma source(%dma_start3A_36 : memref<128xi32, #tpu.memory_space<hbm>>) target(%arg7 : memref<128xi32, #tpu.memory_space<vmem>>) target_semaphore(%run_scoped3A : memref<!tpu.dma_semaphore, #tpu.memory_space<semaphore_mem>>)
      %dma_wait3A_37 = tpu.memref_slice %arg3[%add3A_4] : memref<16384xi32, #tpu.memory_space<hbm>> -> memref<128xi32, #tpu.memory_space<hbm>>
      %dma_wait3A_38 = tpu.memref_slice %arg3[%add3A_4] : memref<16384xi32, #tpu.memory_space<hbm>> -> memref<128xi32, #tpu.memory_space<hbm>>
      tpu.wait_dma2 semaphore(%run_scoped3A : memref<!tpu.dma_semaphore, #tpu.memory_space<semaphore_mem>>) src(%dma_wait3A_38 : memref<128xi32, #tpu.memory_space<hbm>>) dst(%arg7 : memref<128xi32, #tpu.memory_space<vmem>>)
      tpu.yield
    }) : () -> ()
    %dma_start3A = arith.constant 0 : i32
    %dma_start3A_5 = arith.constant 0 : i32
    %dma_start3A_6 = tpu.memref_slice %arg2[%dma_start3A, %dma_start3A_5] : memref<4096x384xf32, #tpu.memory_space<hbm>> -> memref<4096x384xf32, #tpu.memory_space<hbm>>
    tpu.enqueue_indirect_dma source(%dma_start3A_6 : memref<4096x384xf32, #tpu.memory_space<hbm>>) target(%arg10 : memref<128x384xf32, #tpu.memory_space<vmem>>) offsets(%arg7 : memref<128xi32, #tpu.memory_space<vmem>>) semaphore(%arg13 : memref<!tpu.dma_semaphore, #tpu.memory_space<semaphore_mem>>)
    %dma_wait3A = arith.constant 0 : i32
    %dma_wait3A_7 = arith.constant 0 : i32
    %dma_wait3A_8 = tpu.memref_slice %arg2[%dma_wait3A, %dma_wait3A_7] : memref<4096x384xf32, #tpu.memory_space<hbm>> -> memref<4096x384xf32, #tpu.memory_space<hbm>>
    tpu.wait_indirect_dma semaphore(%arg13 : memref<!tpu.dma_semaphore, #tpu.memory_space<semaphore_mem>>) src(%dma_wait3A_8 : memref<4096x384xf32, #tpu.memory_space<hbm>>) dst(%arg10 : memref<128x384xf32, #tpu.memory_space<vmem>>)
    "tpu.region"() ({
      %run_scoped3A = tpu.sem_alloc : memref<!tpu.dma_semaphore, #tpu.memory_space<semaphore_mem>>
      %dma_start3A_35 = arith.constant 0 : i32
      %dma_start3A_36 = tpu.memref_slice %arg5[%add3A_4, %dma_start3A_35] : memref<16384x384xf32, #tpu.memory_space<hbm>> -> memref<128x384xf32, #tpu.memory_space<hbm>>
      %dma_start3A_37 = arith.constant 0 : i32
      %dma_start3A_38 = tpu.memref_slice %arg5[%add3A_4, %dma_start3A_37] : memref<16384x384xf32, #tpu.memory_space<hbm>> -> memref<128x384xf32, #tpu.memory_space<hbm>>
      tpu.enqueue_dma source(%arg10 : memref<128x384xf32, #tpu.memory_space<vmem>>) target(%dma_start3A_38 : memref<128x384xf32, #tpu.memory_space<hbm>>) target_semaphore(%run_scoped3A : memref<!tpu.dma_semaphore, #tpu.memory_space<semaphore_mem>>)
      %dma_wait3A_39 = arith.constant 0 : i32
      %dma_wait3A_40 = tpu.memref_slice %arg5[%add3A_4, %dma_wait3A_39] : memref<16384x384xf32, #tpu.memory_space<hbm>> -> memref<128x384xf32, #tpu.memory_space<hbm>>
      %dma_wait3A_41 = arith.constant 0 : i32
      %dma_wait3A_42 = tpu.memref_slice %arg5[%add3A_4, %dma_wait3A_41] : memref<16384x384xf32, #tpu.memory_space<hbm>> -> memref<128x384xf32, #tpu.memory_space<hbm>>
      tpu.wait_dma2 semaphore(%run_scoped3A : memref<!tpu.dma_semaphore, #tpu.memory_space<semaphore_mem>>) src(%arg10 : memref<128x384xf32, #tpu.memory_space<vmem>>) dst(%dma_wait3A_42 : memref<128x384xf32, #tpu.memory_space<hbm>>)
      tpu.yield
    }) : () -> ()
    %add3A_9 = arith.constant 128 : i32
    %add3A_10 = arith.addi %mul3A_2, %add3A_9 : i32
    "tpu.region"() ({
      %run_scoped3A = tpu.sem_alloc : memref<!tpu.dma_semaphore, #tpu.memory_space<semaphore_mem>>
      %dma_start3A_35 = tpu.memref_slice %arg3[%add3A_10] : memref<16384xi32, #tpu.memory_space<hbm>> -> memref<128xi32, #tpu.memory_space<hbm>>
      %dma_start3A_36 = tpu.memref_slice %arg3[%add3A_10] : memref<16384xi32, #tpu.memory_space<hbm>> -> memref<128xi32, #tpu.memory_space<hbm>>
      tpu.enqueue_dma source(%dma_start3A_36 : memref<128xi32, #tpu.memory_space<hbm>>) target(%arg7 : memref<128xi32, #tpu.memory_space<vmem>>) target_semaphore(%run_scoped3A : memref<!tpu.dma_semaphore, #tpu.memory_space<semaphore_mem>>)
      %dma_wait3A_37 = tpu.memref_slice %arg3[%add3A_10] : memref<16384xi32, #tpu.memory_space<hbm>> -> memref<128xi32, #tpu.memory_space<hbm>>
      %dma_wait3A_38 = tpu.memref_slice %arg3[%add3A_10] : memref<16384xi32, #tpu.memory_space<hbm>> -> memref<128xi32, #tpu.memory_space<hbm>>
      tpu.wait_dma2 semaphore(%run_scoped3A : memref<!tpu.dma_semaphore, #tpu.memory_space<semaphore_mem>>) src(%dma_wait3A_38 : memref<128xi32, #tpu.memory_space<hbm>>) dst(%arg7 : memref<128xi32, #tpu.memory_space<vmem>>)
      tpu.yield
    }) : () -> ()
    %dma_start3A_11 = arith.constant 0 : i32
    %dma_start3A_12 = arith.constant 0 : i32
    %dma_start3A_13 = tpu.memref_slice %arg2[%dma_start3A_11, %dma_start3A_12] : memref<4096x384xf32, #tpu.memory_space<hbm>> -> memref<4096x384xf32, #tpu.memory_space<hbm>>
    tpu.enqueue_indirect_dma source(%dma_start3A_13 : memref<4096x384xf32, #tpu.memory_space<hbm>>) target(%arg10 : memref<128x384xf32, #tpu.memory_space<vmem>>) offsets(%arg7 : memref<128xi32, #tpu.memory_space<vmem>>) semaphore(%arg13 : memref<!tpu.dma_semaphore, #tpu.memory_space<semaphore_mem>>)
    %dma_wait3A_14 = arith.constant 0 : i32
    %dma_wait3A_15 = arith.constant 0 : i32
    %dma_wait3A_16 = tpu.memref_slice %arg2[%dma_wait3A_14, %dma_wait3A_15] : memref<4096x384xf32, #tpu.memory_space<hbm>> -> memref<4096x384xf32, #tpu.memory_space<hbm>>
    tpu.wait_indirect_dma semaphore(%arg13 : memref<!tpu.dma_semaphore, #tpu.memory_space<semaphore_mem>>) src(%dma_wait3A_16 : memref<4096x384xf32, #tpu.memory_space<hbm>>) dst(%arg10 : memref<128x384xf32, #tpu.memory_space<vmem>>)
    "tpu.region"() ({
      %run_scoped3A = tpu.sem_alloc : memref<!tpu.dma_semaphore, #tpu.memory_space<semaphore_mem>>
      %dma_start3A_35 = arith.constant 0 : i32
      %dma_start3A_36 = tpu.memref_slice %arg5[%add3A_10, %dma_start3A_35] : memref<16384x384xf32, #tpu.memory_space<hbm>> -> memref<128x384xf32, #tpu.memory_space<hbm>>
      %dma_start3A_37 = arith.constant 0 : i32
      %dma_start3A_38 = tpu.memref_slice %arg5[%add3A_10, %dma_start3A_37] : memref<16384x384xf32, #tpu.memory_space<hbm>> -> memref<128x384xf32, #tpu.memory_space<hbm>>
      tpu.enqueue_dma source(%arg10 : memref<128x384xf32, #tpu.memory_space<vmem>>) target(%dma_start3A_38 : memref<128x384xf32, #tpu.memory_space<hbm>>) target_semaphore(%run_scoped3A : memref<!tpu.dma_semaphore, #tpu.memory_space<semaphore_mem>>)
      %dma_wait3A_39 = arith.constant 0 : i32
      %dma_wait3A_40 = tpu.memref_slice %arg5[%add3A_10, %dma_wait3A_39] : memref<16384x384xf32, #tpu.memory_space<hbm>> -> memref<128x384xf32, #tpu.memory_space<hbm>>
      %dma_wait3A_41 = arith.constant 0 : i32
      %dma_wait3A_42 = tpu.memref_slice %arg5[%add3A_10, %dma_wait3A_41] : memref<16384x384xf32, #tpu.memory_space<hbm>> -> memref<128x384xf32, #tpu.memory_space<hbm>>
      tpu.wait_dma2 semaphore(%run_scoped3A : memref<!tpu.dma_semaphore, #tpu.memory_space<semaphore_mem>>) src(%arg10 : memref<128x384xf32, #tpu.memory_space<vmem>>) dst(%dma_wait3A_42 : memref<128x384xf32, #tpu.memory_space<hbm>>)
      tpu.yield
    }) : () -> ()
    %add3A_17 = arith.constant 256 : i32
    %add3A_18 = arith.addi %mul3A_2, %add3A_17 : i32
    "tpu.region"() ({
      %run_scoped3A = tpu.sem_alloc : memref<!tpu.dma_semaphore, #tpu.memory_space<semaphore_mem>>
      %dma_start3A_35 = tpu.memref_slice %arg3[%add3A_18] : memref<16384xi32, #tpu.memory_space<hbm>> -> memref<128xi32, #tpu.memory_space<hbm>>
      %dma_start3A_36 = tpu.memref_slice %arg3[%add3A_18] : memref<16384xi32, #tpu.memory_space<hbm>> -> memref<128xi32, #tpu.memory_space<hbm>>
      tpu.enqueue_dma source(%dma_start3A_36 : memref<128xi32, #tpu.memory_space<hbm>>) target(%arg7 : memref<128xi32, #tpu.memory_space<vmem>>) target_semaphore(%run_scoped3A : memref<!tpu.dma_semaphore, #tpu.memory_space<semaphore_mem>>)
      %dma_wait3A_37 = tpu.memref_slice %arg3[%add3A_18] : memref<16384xi32, #tpu.memory_space<hbm>> -> memref<128xi32, #tpu.memory_space<hbm>>
      %dma_wait3A_38 = tpu.memref_slice %arg3[%add3A_18] : memref<16384xi32, #tpu.memory_space<hbm>> -> memref<128xi32, #tpu.memory_space<hbm>>
      tpu.wait_dma2 semaphore(%run_scoped3A : memref<!tpu.dma_semaphore, #tpu.memory_space<semaphore_mem>>) src(%dma_wait3A_38 : memref<128xi32, #tpu.memory_space<hbm>>) dst(%arg7 : memref<128xi32, #tpu.memory_space<vmem>>)
      tpu.yield
    }) : () -> ()
    %dma_start3A_19 = arith.constant 0 : i32
    %dma_start3A_20 = arith.constant 0 : i32
    %dma_start3A_21 = tpu.memref_slice %arg2[%dma_start3A_19, %dma_start3A_20] : memref<4096x384xf32, #tpu.memory_space<hbm>> -> memref<4096x384xf32, #tpu.memory_space<hbm>>
    tpu.enqueue_indirect_dma source(%dma_start3A_21 : memref<4096x384xf32, #tpu.memory_space<hbm>>) target(%arg10 : memref<128x384xf32, #tpu.memory_space<vmem>>) offsets(%arg7 : memref<128xi32, #tpu.memory_space<vmem>>) semaphore(%arg13 : memref<!tpu.dma_semaphore, #tpu.memory_space<semaphore_mem>>)
    %dma_wait3A_22 = arith.constant 0 : i32
    %dma_wait3A_23 = arith.constant 0 : i32
    %dma_wait3A_24 = tpu.memref_slice %arg2[%dma_wait3A_22, %dma_wait3A_23] : memref<4096x384xf32, #tpu.memory_space<hbm>> -> memref<4096x384xf32, #tpu.memory_space<hbm>>
    tpu.wait_indirect_dma semaphore(%arg13 : memref<!tpu.dma_semaphore, #tpu.memory_space<semaphore_mem>>) src(%dma_wait3A_24 : memref<4096x384xf32, #tpu.memory_space<hbm>>) dst(%arg10 : memref<128x384xf32, #tpu.memory_space<vmem>>)
    "tpu.region"() ({
      %run_scoped3A = tpu.sem_alloc : memref<!tpu.dma_semaphore, #tpu.memory_space<semaphore_mem>>
      %dma_start3A_35 = arith.constant 0 : i32
      %dma_start3A_36 = tpu.memref_slice %arg5[%add3A_18, %dma_start3A_35] : memref<16384x384xf32, #tpu.memory_space<hbm>> -> memref<128x384xf32, #tpu.memory_space<hbm>>
      %dma_start3A_37 = arith.constant 0 : i32
      %dma_start3A_38 = tpu.memref_slice %arg5[%add3A_18, %dma_start3A_37] : memref<16384x384xf32, #tpu.memory_space<hbm>> -> memref<128x384xf32, #tpu.memory_space<hbm>>
      tpu.enqueue_dma source(%arg10 : memref<128x384xf32, #tpu.memory_space<vmem>>) target(%dma_start3A_38 : memref<128x384xf32, #tpu.memory_space<hbm>>) target_semaphore(%run_scoped3A : memref<!tpu.dma_semaphore, #tpu.memory_space<semaphore_mem>>)
      %dma_wait3A_39 = arith.constant 0 : i32
      %dma_wait3A_40 = tpu.memref_slice %arg5[%add3A_18, %dma_wait3A_39] : memref<16384x384xf32, #tpu.memory_space<hbm>> -> memref<128x384xf32, #tpu.memory_space<hbm>>
      %dma_wait3A_41 = arith.constant 0 : i32
      %dma_wait3A_42 = tpu.memref_slice %arg5[%add3A_18, %dma_wait3A_41] : memref<16384x384xf32, #tpu.memory_space<hbm>> -> memref<128x384xf32, #tpu.memory_space<hbm>>
      tpu.wait_dma2 semaphore(%run_scoped3A : memref<!tpu.dma_semaphore, #tpu.memory_space<semaphore_mem>>) src(%arg10 : memref<128x384xf32, #tpu.memory_space<vmem>>) dst(%dma_wait3A_42 : memref<128x384xf32, #tpu.memory_space<hbm>>)
      tpu.yield
    }) : () -> ()
    %add3A_25 = arith.constant 384 : i32
    %add3A_26 = arith.addi %mul3A_2, %add3A_25 : i32
    "tpu.region"() ({
      %run_scoped3A = tpu.sem_alloc : memref<!tpu.dma_semaphore, #tpu.memory_space<semaphore_mem>>
      %dma_start3A_35 = tpu.memref_slice %arg3[%add3A_26] : memref<16384xi32, #tpu.memory_space<hbm>> -> memref<128xi32, #tpu.memory_space<hbm>>
      %dma_start3A_36 = tpu.memref_slice %arg3[%add3A_26] : memref<16384xi32, #tpu.memory_space<hbm>> -> memref<128xi32, #tpu.memory_space<hbm>>
      tpu.enqueue_dma source(%dma_start3A_36 : memref<128xi32, #tpu.memory_space<hbm>>) target(%arg7 : memref<128xi32, #tpu.memory_space<vmem>>) target_semaphore(%run_scoped3A : memref<!tpu.dma_semaphore, #tpu.memory_space<semaphore_mem>>)
      %dma_wait3A_37 = tpu.memref_slice %arg3[%add3A_26] : memref<16384xi32, #tpu.memory_space<hbm>> -> memref<128xi32, #tpu.memory_space<hbm>>
      %dma_wait3A_38 = tpu.memref_slice %arg3[%add3A_26] : memref<16384xi32, #tpu.memory_space<hbm>> -> memref<128xi32, #tpu.memory_space<hbm>>
      tpu.wait_dma2 semaphore(%run_scoped3A : memref<!tpu.dma_semaphore, #tpu.memory_space<semaphore_mem>>) src(%dma_wait3A_38 : memref<128xi32, #tpu.memory_space<hbm>>) dst(%arg7 : memref<128xi32, #tpu.memory_space<vmem>>)
      tpu.yield
    }) : () -> ()
    %dma_start3A_27 = arith.constant 0 : i32
    %dma_start3A_28 = arith.constant 0 : i32
    %dma_start3A_29 = tpu.memref_slice %arg2[%dma_start3A_27, %dma_start3A_28] : memref<4096x384xf32, #tpu.memory_space<hbm>> -> memref<4096x384xf32, #tpu.memory_space<hbm>>
    tpu.enqueue_indirect_dma source(%dma_start3A_29 : memref<4096x384xf32, #tpu.memory_space<hbm>>) target(%arg10 : memref<128x384xf32, #tpu.memory_space<vmem>>) offsets(%arg7 : memref<128xi32, #tpu.memory_space<vmem>>) semaphore(%arg13 : memref<!tpu.dma_semaphore, #tpu.memory_space<semaphore_mem>>)
    %dma_wait3A_30 = arith.constant 0 : i32
    %dma_wait3A_31 = arith.constant 0 : i32
    %dma_wait3A_32 = tpu.memref_slice %arg2[%dma_wait3A_30, %dma_wait3A_31] : memref<4096x384xf32, #tpu.memory_space<hbm>> -> memref<4096x384xf32, #tpu.memory_space<hbm>>
    tpu.wait_indirect_dma semaphore(%arg13 : memref<!tpu.dma_semaphore, #tpu.memory_space<semaphore_mem>>) src(%dma_wait3A_32 : memref<4096x384xf32, #tpu.memory_space<hbm>>) dst(%arg10 : memref<128x384xf32, #tpu.memory_space<vmem>>)
    "tpu.region"() ({
      %run_scoped3A = tpu.sem_alloc : memref<!tpu.dma_semaphore, #tpu.memory_space<semaphore_mem>>
      %dma_start3A_35 = arith.constant 0 : i32
      %dma_start3A_36 = tpu.memref_slice %arg5[%add3A_26, %dma_start3A_35] : memref<16384x384xf32, #tpu.memory_space<hbm>> -> memref<128x384xf32, #tpu.memory_space<hbm>>
      %dma_start3A_37 = arith.constant 0 : i32
      %dma_start3A_38 = tpu.memref_slice %arg5[%add3A_26, %dma_start3A_37] : memref<16384x384xf32, #tpu.memory_space<hbm>> -> memref<128x384xf32, #tpu.memory_space<hbm>>
      tpu.enqueue_dma source(%arg10 : memref<128x384xf32, #tpu.memory_space<vmem>>) target(%dma_start3A_38 : memref<128x384xf32, #tpu.memory_space<hbm>>) target_semaphore(%run_scoped3A : memref<!tpu.dma_semaphore, #tpu.memory_space<semaphore_mem>>)
      %dma_wait3A_39 = arith.constant 0 : i32
      %dma_wait3A_40 = tpu.memref_slice %arg5[%add3A_26, %dma_wait3A_39] : memref<16384x384xf32, #tpu.memory_space<hbm>> -> memref<128x384xf32, #tpu.memory_space<hbm>>
      %dma_wait3A_41 = arith.constant 0 : i32
      %dma_wait3A_42 = tpu.memref_slice %arg5[%add3A_26, %dma_wait3A_41] : memref<16384x384xf32, #tpu.memory_space<hbm>> -> memref<128x384xf32, #tpu.memory_space<hbm>>
      tpu.wait_dma2 semaphore(%run_scoped3A : memref<!tpu.dma_semaphore, #tpu.memory_space<semaphore_mem>>) src(%arg10 : memref<128x384xf32, #tpu.memory_space<vmem>>) dst(%dma_wait3A_42 : memref<128x384xf32, #tpu.memory_space<hbm>>)
      tpu.yield
    }) : () -> ()
    %lt3A = arith.constant 16 : i32
    %lt3A_33 = arith.cmpi slt, %add3A, %lt3A : i32
    %convert_element_type3A = arith.extui %lt3A_33 : i1 to i32
    %cond3A = arith.constant 0 : i32
    %cond3A_34 = arith.cmpi ne, %convert_element_type3A, %cond3A : i32
    scf.if %cond3A_34 {
      "tpu.region"() ({
        %run_scoped3A = tpu.sem_alloc : memref<!tpu.dma_semaphore, #tpu.memory_space<semaphore_mem>>
        tpu.enqueue_dma source(%arg4 : memref<4096xf32, #tpu.memory_space<hbm>>) target(%arg11 : memref<4096xf32, #tpu.memory_space<vmem>>) target_semaphore(%run_scoped3A : memref<!tpu.dma_semaphore, #tpu.memory_space<semaphore_mem>>)
        tpu.wait_dma2 semaphore(%run_scoped3A : memref<!tpu.dma_semaphore, #tpu.memory_space<semaphore_mem>>) src(%arg4 : memref<4096xf32, #tpu.memory_space<hbm>>) dst(%arg11 : memref<4096xf32, #tpu.memory_space<vmem>>)
        tpu.yield
      }) : () -> ()
      "tpu.region"() ({
        %run_scoped3A = tpu.sem_alloc : memref<!tpu.dma_semaphore, #tpu.memory_space<semaphore_mem>>
        %dma_start3A_39 = tpu.memref_slice %arg3[%mul3A_2] : memref<16384xi32, #tpu.memory_space<hbm>> -> memref<512xi32, #tpu.memory_space<hbm>>
        %dma_start3A_40 = tpu.memref_slice %arg3[%mul3A_2] : memref<16384xi32, #tpu.memory_space<hbm>> -> memref<512xi32, #tpu.memory_space<hbm>>
        tpu.enqueue_dma source(%dma_start3A_40 : memref<512xi32, #tpu.memory_space<hbm>>) target(%arg8 : memref<512xi32, #tpu.memory_space<vmem>>) target_semaphore(%run_scoped3A : memref<!tpu.dma_semaphore, #tpu.memory_space<semaphore_mem>>)
        %dma_wait3A_41 = tpu.memref_slice %arg3[%mul3A_2] : memref<16384xi32, #tpu.memory_space<hbm>> -> memref<512xi32, #tpu.memory_space<hbm>>
        %dma_wait3A_42 = tpu.memref_slice %arg3[%mul3A_2] : memref<16384xi32, #tpu.memory_space<hbm>> -> memref<512xi32, #tpu.memory_space<hbm>>
        tpu.wait_dma2 semaphore(%run_scoped3A : memref<!tpu.dma_semaphore, #tpu.memory_space<semaphore_mem>>) src(%dma_wait3A_42 : memref<512xi32, #tpu.memory_space<hbm>>) dst(%arg8 : memref<512xi32, #tpu.memory_space<vmem>>)
        tpu.yield
      }) : () -> ()
      %add3A_35 = arith.constant 8192 : i32
      %add3A_36 = arith.addi %mul3A_2, %add3A_35 : i32
      "tpu.region"() ({
        %run_scoped3A = tpu.sem_alloc : memref<!tpu.dma_semaphore, #tpu.memory_space<semaphore_mem>>
        %dma_start3A_39 = tpu.memref_slice %arg3[%add3A_36] : memref<16384xi32, #tpu.memory_space<hbm>> -> memref<512xi32, #tpu.memory_space<hbm>>
        %dma_start3A_40 = tpu.memref_slice %arg3[%add3A_36] : memref<16384xi32, #tpu.memory_space<hbm>> -> memref<512xi32, #tpu.memory_space<hbm>>
        tpu.enqueue_dma source(%dma_start3A_40 : memref<512xi32, #tpu.memory_space<hbm>>) target(%arg9 : memref<512xi32, #tpu.memory_space<vmem>>) target_semaphore(%run_scoped3A : memref<!tpu.dma_semaphore, #tpu.memory_space<semaphore_mem>>)
        %dma_wait3A_41 = tpu.memref_slice %arg3[%add3A_36] : memref<16384xi32, #tpu.memory_space<hbm>> -> memref<512xi32, #tpu.memory_space<hbm>>
        %dma_wait3A_42 = tpu.memref_slice %arg3[%add3A_36] : memref<16384xi32, #tpu.memory_space<hbm>> -> memref<512xi32, #tpu.memory_space<hbm>>
        tpu.wait_dma2 semaphore(%run_scoped3A : memref<!tpu.dma_semaphore, #tpu.memory_space<semaphore_mem>>) src(%dma_wait3A_42 : memref<512xi32, #tpu.memory_space<hbm>>) dst(%arg9 : memref<512xi32, #tpu.memory_space<vmem>>)
        tpu.yield
      }) : () -> ()
      %parallel_loop3A = arith.constant 0 : i32
      %parallel_loop3A_37 = arith.constant 512 : i32
      %parallel_loop3A_38 = arith.constant 16 : i32
      scf.for %parallel_loop3A_39 = %parallel_loop3A to %parallel_loop3A_37 step %parallel_loop3A_38  : i32 {
        %parallel_loop3A_40 = arith.index_cast %parallel_loop3A_39 : i32 to index
        %parallel_loop3A_41 = tpu.vector_load %arg8[%parallel_loop3A_40] {strides = array<i32>} : memref<512xi32, #tpu.memory_space<vmem>>, vector<16xi32>,
        %parallel_loop3A_42 = tpu.vector_load_idx %arg11[%parallel_loop3A_41] : memref<4096xf32, #tpu.memory_space<vmem>>[vector<16xi32>], vector<16xf32>,
        %parallel_loop3A_43 = arith.index_cast %parallel_loop3A_39 : i32 to index
        %parallel_loop3A_44 = tpu.vector_load %arg9[%parallel_loop3A_43] {strides = array<i32>} : memref<512xi32, #tpu.memory_space<vmem>>, vector<16xi32>,
        %parallel_loop3A_45 = tpu.vector_load_idx %arg11[%parallel_loop3A_44] : memref<4096xf32, #tpu.memory_space<vmem>>[vector<16xi32>], vector<16xf32>,
        %parallel_loop3A_46 = arith.addf %parallel_loop3A_42, %parallel_loop3A_45 : vector<16xf32>
        %parallel_loop3A_47 = arith.index_cast %parallel_loop3A_39 : i32 to index
        %parallel_loop3A_48 = tpu.vector_load %arg12[%parallel_loop3A_47] {strides = array<i32>} : memref<512xf32, #tpu.memory_space<vmem>>, vector<16xf32>,
        tpu.vector_store %arg12[%parallel_loop3A_47], %parallel_loop3A_46 {strides = array<i32>} : memref<512xf32, #tpu.memory_space<vmem>>, vector<16xf32>,
      } {sc.loop_unroll_factor = 1 : i64, sc.parallel_access}
      "tpu.region"() ({
        %run_scoped3A = tpu.sem_alloc : memref<!tpu.dma_semaphore, #tpu.memory_space<semaphore_mem>>
        %dma_start3A_39 = tpu.memref_slice %arg6[%mul3A_2] : memref<8192xf32, #tpu.memory_space<hbm>> -> memref<512xf32, #tpu.memory_space<hbm>>
        %dma_start3A_40 = tpu.memref_slice %arg6[%mul3A_2] : memref<8192xf32, #tpu.memory_space<hbm>> -> memref<512xf32, #tpu.memory_space<hbm>>
        tpu.enqueue_dma source(%arg12 : memref<512xf32, #tpu.memory_space<vmem>>) target(%dma_start3A_40 : memref<512xf32, #tpu.memory_space<hbm>>) target_semaphore(%run_scoped3A : memref<!tpu.dma_semaphore, #tpu.memory_space<semaphore_mem>>)
        %dma_wait3A_41 = tpu.memref_slice %arg6[%mul3A_2] : memref<8192xf32, #tpu.memory_space<hbm>> -> memref<512xf32, #tpu.memory_space<hbm>>
        %dma_wait3A_42 = tpu.memref_slice %arg6[%mul3A_2] : memref<8192xf32, #tpu.memory_space<hbm>> -> memref<512xf32, #tpu.memory_space<hbm>>
        tpu.wait_dma2 semaphore(%run_scoped3A : memref<!tpu.dma_semaphore, #tpu.memory_space<semaphore_mem>>) src(%arg12 : memref<512xf32, #tpu.memory_space<vmem>>) dst(%dma_wait3A_42 : memref<512xf32, #tpu.memory_space<hbm>>)
        tpu.yield
      }) : () -> ()
    } else {
    }
    return
  }
}

#map = affine_map<(d0, d1) -> (0, 0)>
#map1 = affine_map<(d0, d1) -> (0)>
module attributes {stable_mosaic.version = 14 : i64} {
  func.func @_gather_body(%arg0: i32, %arg1: i32, %arg2: memref<4096x384xf32, #tpu.memory_space<hbm>>, %arg3: memref<16384xi32, #tpu.memory_space<hbm>>, %arg4: memref<4096xf32, #tpu.memory_space<hbm>>, %arg5: memref<16384x384xf32, #tpu.memory_space<hbm>>, %arg6: memref<8192xf32, #tpu.memory_space<hbm>>, %arg7: memref<128xi32, #tpu.memory_space<vmem>>, %arg8: memref<512xi32, #tpu.memory_space<vmem>>, %arg9: memref<512xi32, #tpu.memory_space<vmem>>, %arg10: memref<128x384xf32, #tpu.memory_space<vmem>>, %arg11: memref<4096xf32, #tpu.memory_space<vmem>>, %arg12: memref<512xf32, #tpu.memory_space<vmem>>, %arg13: memref<!tpu.dma_semaphore, #tpu.memory_space<semaphore_mem>>) attributes {dimension_semantics = [#tpu.dimension_semantics<core_parallel>, #tpu.dimension_semantics<subcore_parallel>], iteration_bounds = array<i64: 2, 16>, scalar_prefetch = 0 : i64, scratch_operands = 7 : i64, tpu.core_type = #tpu.core_type<sc_vector_subcore>, window_params = [{transform_indices = #map}, {transform_indices = #map1}, {transform_indices = #map1}, {transform_indices = #map}, {transform_indices = #map1}]} {
    %mul3A = arith.constant 2 : i32
    %mul3A_0 = arith.muli %arg1, %mul3A : i32
    %add3A = arith.addi %mul3A_0, %arg0 : i32
    %mul3A_1 = arith.constant 512 : i32
    %mul3A_2 = arith.muli %add3A, %mul3A_1 : i32
    %add3A_3 = arith.constant 0 : i32
    %add3A_4 = arith.addi %mul3A_2, %add3A_3 : i32
    "tpu.region"() ({
      %run_scoped3A = tpu.sem_alloc : memref<!tpu.dma_semaphore, #tpu.memory_space<semaphore_mem>>
      %dma_start3A_35 = tpu.memref_slice %arg3[%add3A_4] : memref<16384xi32, #tpu.memory_space<hbm>> -> memref<128xi32, #tpu.memory_space<hbm>>
      %dma_start3A_36 = tpu.memref_slice %arg3[%add3A_4] : memref<16384xi32, #tpu.memory_space<hbm>> -> memref<128xi32, #tpu.memory_space<hbm>>
      tpu.enqueue_dma source(%dma_start3A_36 : memref<128xi32, #tpu.memory_space<hbm>>) target(%arg7 : memref<128xi32, #tpu.memory_space<vmem>>) target_semaphore(%run_scoped3A : memref<!tpu.dma_semaphore, #tpu.memory_space<semaphore_mem>>)
      %dma_wait3A_37 = tpu.memref_slice %arg3[%add3A_4] : memref<16384xi32, #tpu.memory_space<hbm>> -> memref<128xi32, #tpu.memory_space<hbm>>
      %dma_wait3A_38 = tpu.memref_slice %arg3[%add3A_4] : memref<16384xi32, #tpu.memory_space<hbm>> -> memref<128xi32, #tpu.memory_space<hbm>>
      tpu.wait_dma2 semaphore(%run_scoped3A : memref<!tpu.dma_semaphore, #tpu.memory_space<semaphore_mem>>) src(%dma_wait3A_38 : memref<128xi32, #tpu.memory_space<hbm>>) dst(%arg7 : memref<128xi32, #tpu.memory_space<vmem>>)
      tpu.yield
    }) : () -> ()
    %dma_start3A = arith.constant 0 : i32
    %dma_start3A_5 = arith.constant 0 : i32
    %dma_start3A_6 = tpu.memref_slice %arg2[%dma_start3A, %dma_start3A_5] : memref<4096x384xf32, #tpu.memory_space<hbm>> -> memref<4096x384xf32, #tpu.memory_space<hbm>>
    tpu.enqueue_indirect_dma source(%dma_start3A_6 : memref<4096x384xf32, #tpu.memory_space<hbm>>) target(%arg10 : memref<128x384xf32, #tpu.memory_space<vmem>>) offsets(%arg7 : memref<128xi32, #tpu.memory_space<vmem>>) semaphore(%arg13 : memref<!tpu.dma_semaphore, #tpu.memory_space<semaphore_mem>>)
    %dma_wait3A = arith.constant 0 : i32
    %dma_wait3A_7 = arith.constant 0 : i32
    %dma_wait3A_8 = tpu.memref_slice %arg2[%dma_wait3A, %dma_wait3A_7] : memref<4096x384xf32, #tpu.memory_space<hbm>> -> memref<4096x384xf32, #tpu.memory_space<hbm>>
    tpu.wait_indirect_dma semaphore(%arg13 : memref<!tpu.dma_semaphore, #tpu.memory_space<semaphore_mem>>) src(%dma_wait3A_8 : memref<4096x384xf32, #tpu.memory_space<hbm>>) dst(%arg10 : memref<128x384xf32, #tpu.memory_space<vmem>>)
    "tpu.region"() ({
      %run_scoped3A = tpu.sem_alloc : memref<!tpu.dma_semaphore, #tpu.memory_space<semaphore_mem>>
      %dma_start3A_35 = arith.constant 0 : i32
      %dma_start3A_36 = tpu.memref_slice %arg5[%add3A_4, %dma_start3A_35] : memref<16384x384xf32, #tpu.memory_space<hbm>> -> memref<128x384xf32, #tpu.memory_space<hbm>>
      %dma_start3A_37 = arith.constant 0 : i32
      %dma_start3A_38 = tpu.memref_slice %arg5[%add3A_4, %dma_start3A_37] : memref<16384x384xf32, #tpu.memory_space<hbm>> -> memref<128x384xf32, #tpu.memory_space<hbm>>
      tpu.enqueue_dma source(%arg10 : memref<128x384xf32, #tpu.memory_space<vmem>>) target(%dma_start3A_38 : memref<128x384xf32, #tpu.memory_space<hbm>>) target_semaphore(%run_scoped3A : memref<!tpu.dma_semaphore, #tpu.memory_space<semaphore_mem>>)
      %dma_wait3A_39 = arith.constant 0 : i32
      %dma_wait3A_40 = tpu.memref_slice %arg5[%add3A_4, %dma_wait3A_39] : memref<16384x384xf32, #tpu.memory_space<hbm>> -> memref<128x384xf32, #tpu.memory_space<hbm>>
      %dma_wait3A_41 = arith.constant 0 : i32
      %dma_wait3A_42 = tpu.memref_slice %arg5[%add3A_4, %dma_wait3A_41] : memref<16384x384xf32, #tpu.memory_space<hbm>> -> memref<128x384xf32, #tpu.memory_space<hbm>>
      tpu.wait_dma2 semaphore(%run_scoped3A : memref<!tpu.dma_semaphore, #tpu.memory_space<semaphore_mem>>) src(%arg10 : memref<128x384xf32, #tpu.memory_space<vmem>>) dst(%dma_wait3A_42 : memref<128x384xf32, #tpu.memory_space<hbm>>)
      tpu.yield
    }) : () -> ()
    %add3A_9 = arith.constant 128 : i32
    %add3A_10 = arith.addi %mul3A_2, %add3A_9 : i32
    "tpu.region"() ({
      %run_scoped3A = tpu.sem_alloc : memref<!tpu.dma_semaphore, #tpu.memory_space<semaphore_mem>>
      %dma_start3A_35 = tpu.memref_slice %arg3[%add3A_10] : memref<16384xi32, #tpu.memory_space<hbm>> -> memref<128xi32, #tpu.memory_space<hbm>>
      %dma_start3A_36 = tpu.memref_slice %arg3[%add3A_10] : memref<16384xi32, #tpu.memory_space<hbm>> -> memref<128xi32, #tpu.memory_space<hbm>>
      tpu.enqueue_dma source(%dma_start3A_36 : memref<128xi32, #tpu.memory_space<hbm>>) target(%arg7 : memref<128xi32, #tpu.memory_space<vmem>>) target_semaphore(%run_scoped3A : memref<!tpu.dma_semaphore, #tpu.memory_space<semaphore_mem>>)
      %dma_wait3A_37 = tpu.memref_slice %arg3[%add3A_10] : memref<16384xi32, #tpu.memory_space<hbm>> -> memref<128xi32, #tpu.memory_space<hbm>>
      %dma_wait3A_38 = tpu.memref_slice %arg3[%add3A_10] : memref<16384xi32, #tpu.memory_space<hbm>> -> memref<128xi32, #tpu.memory_space<hbm>>
      tpu.wait_dma2 semaphore(%run_scoped3A : memref<!tpu.dma_semaphore, #tpu.memory_space<semaphore_mem>>) src(%dma_wait3A_38 : memref<128xi32, #tpu.memory_space<hbm>>) dst(%arg7 : memref<128xi32, #tpu.memory_space<vmem>>)
      tpu.yield
    }) : () -> ()
    %dma_start3A_11 = arith.constant 0 : i32
    %dma_start3A_12 = arith.constant 0 : i32
    %dma_start3A_13 = tpu.memref_slice %arg2[%dma_start3A_11, %dma_start3A_12] : memref<4096x384xf32, #tpu.memory_space<hbm>> -> memref<4096x384xf32, #tpu.memory_space<hbm>>
    tpu.enqueue_indirect_dma source(%dma_start3A_13 : memref<4096x384xf32, #tpu.memory_space<hbm>>) target(%arg10 : memref<128x384xf32, #tpu.memory_space<vmem>>) offsets(%arg7 : memref<128xi32, #tpu.memory_space<vmem>>) semaphore(%arg13 : memref<!tpu.dma_semaphore, #tpu.memory_space<semaphore_mem>>)
    %dma_wait3A_14 = arith.constant 0 : i32
    %dma_wait3A_15 = arith.constant 0 : i32
    %dma_wait3A_16 = tpu.memref_slice %arg2[%dma_wait3A_14, %dma_wait3A_15] : memref<4096x384xf32, #tpu.memory_space<hbm>> -> memref<4096x384xf32, #tpu.memory_space<hbm>>
    tpu.wait_indirect_dma semaphore(%arg13 : memref<!tpu.dma_semaphore, #tpu.memory_space<semaphore_mem>>) src(%dma_wait3A_16 : memref<4096x384xf32, #tpu.memory_space<hbm>>) dst(%arg10 : memref<128x384xf32, #tpu.memory_space<vmem>>)
    "tpu.region"() ({
      %run_scoped3A = tpu.sem_alloc : memref<!tpu.dma_semaphore, #tpu.memory_space<semaphore_mem>>
      %dma_start3A_35 = arith.constant 0 : i32
      %dma_start3A_36 = tpu.memref_slice %arg5[%add3A_10, %dma_start3A_35] : memref<16384x384xf32, #tpu.memory_space<hbm>> -> memref<128x384xf32, #tpu.memory_space<hbm>>
      %dma_start3A_37 = arith.constant 0 : i32
      %dma_start3A_38 = tpu.memref_slice %arg5[%add3A_10, %dma_start3A_37] : memref<16384x384xf32, #tpu.memory_space<hbm>> -> memref<128x384xf32, #tpu.memory_space<hbm>>
      tpu.enqueue_dma source(%arg10 : memref<128x384xf32, #tpu.memory_space<vmem>>) target(%dma_start3A_38 : memref<128x384xf32, #tpu.memory_space<hbm>>) target_semaphore(%run_scoped3A : memref<!tpu.dma_semaphore, #tpu.memory_space<semaphore_mem>>)
      %dma_wait3A_39 = arith.constant 0 : i32
      %dma_wait3A_40 = tpu.memref_slice %arg5[%add3A_10, %dma_wait3A_39] : memref<16384x384xf32, #tpu.memory_space<hbm>> -> memref<128x384xf32, #tpu.memory_space<hbm>>
      %dma_wait3A_41 = arith.constant 0 : i32
      %dma_wait3A_42 = tpu.memref_slice %arg5[%add3A_10, %dma_wait3A_41] : memref<16384x384xf32, #tpu.memory_space<hbm>> -> memref<128x384xf32, #tpu.memory_space<hbm>>
      tpu.wait_dma2 semaphore(%run_scoped3A : memref<!tpu.dma_semaphore, #tpu.memory_space<semaphore_mem>>) src(%arg10 : memref<128x384xf32, #tpu.memory_space<vmem>>) dst(%dma_wait3A_42 : memref<128x384xf32, #tpu.memory_space<hbm>>)
      tpu.yield
    }) : () -> ()
    %add3A_17 = arith.constant 256 : i32
    %add3A_18 = arith.addi %mul3A_2, %add3A_17 : i32
    "tpu.region"() ({
      %run_scoped3A = tpu.sem_alloc : memref<!tpu.dma_semaphore, #tpu.memory_space<semaphore_mem>>
      %dma_start3A_35 = tpu.memref_slice %arg3[%add3A_18] : memref<16384xi32, #tpu.memory_space<hbm>> -> memref<128xi32, #tpu.memory_space<hbm>>
      %dma_start3A_36 = tpu.memref_slice %arg3[%add3A_18] : memref<16384xi32, #tpu.memory_space<hbm>> -> memref<128xi32, #tpu.memory_space<hbm>>
      tpu.enqueue_dma source(%dma_start3A_36 : memref<128xi32, #tpu.memory_space<hbm>>) target(%arg7 : memref<128xi32, #tpu.memory_space<vmem>>) target_semaphore(%run_scoped3A : memref<!tpu.dma_semaphore, #tpu.memory_space<semaphore_mem>>)
      %dma_wait3A_37 = tpu.memref_slice %arg3[%add3A_18] : memref<16384xi32, #tpu.memory_space<hbm>> -> memref<128xi32, #tpu.memory_space<hbm>>
      %dma_wait3A_38 = tpu.memref_slice %arg3[%add3A_18] : memref<16384xi32, #tpu.memory_space<hbm>> -> memref<128xi32, #tpu.memory_space<hbm>>
      tpu.wait_dma2 semaphore(%run_scoped3A : memref<!tpu.dma_semaphore, #tpu.memory_space<semaphore_mem>>) src(%dma_wait3A_38 : memref<128xi32, #tpu.memory_space<hbm>>) dst(%arg7 : memref<128xi32, #tpu.memory_space<vmem>>)
      tpu.yield
    }) : () -> ()
    %dma_start3A_19 = arith.constant 0 : i32
    %dma_start3A_20 = arith.constant 0 : i32
    %dma_start3A_21 = tpu.memref_slice %arg2[%dma_start3A_19, %dma_start3A_20] : memref<4096x384xf32, #tpu.memory_space<hbm>> -> memref<4096x384xf32, #tpu.memory_space<hbm>>
    tpu.enqueue_indirect_dma source(%dma_start3A_21 : memref<4096x384xf32, #tpu.memory_space<hbm>>) target(%arg10 : memref<128x384xf32, #tpu.memory_space<vmem>>) offsets(%arg7 : memref<128xi32, #tpu.memory_space<vmem>>) semaphore(%arg13 : memref<!tpu.dma_semaphore, #tpu.memory_space<semaphore_mem>>)
    %dma_wait3A_22 = arith.constant 0 : i32
    %dma_wait3A_23 = arith.constant 0 : i32
    %dma_wait3A_24 = tpu.memref_slice %arg2[%dma_wait3A_22, %dma_wait3A_23] : memref<4096x384xf32, #tpu.memory_space<hbm>> -> memref<4096x384xf32, #tpu.memory_space<hbm>>
    tpu.wait_indirect_dma semaphore(%arg13 : memref<!tpu.dma_semaphore, #tpu.memory_space<semaphore_mem>>) src(%dma_wait3A_24 : memref<4096x384xf32, #tpu.memory_space<hbm>>) dst(%arg10 : memref<128x384xf32, #tpu.memory_space<vmem>>)
    "tpu.region"() ({
      %run_scoped3A = tpu.sem_alloc : memref<!tpu.dma_semaphore, #tpu.memory_space<semaphore_mem>>
      %dma_start3A_35 = arith.constant 0 : i32
      %dma_start3A_36 = tpu.memref_slice %arg5[%add3A_18, %dma_start3A_35] : memref<16384x384xf32, #tpu.memory_space<hbm>> -> memref<128x384xf32, #tpu.memory_space<hbm>>
      %dma_start3A_37 = arith.constant 0 : i32
      %dma_start3A_38 = tpu.memref_slice %arg5[%add3A_18, %dma_start3A_37] : memref<16384x384xf32, #tpu.memory_space<hbm>> -> memref<128x384xf32, #tpu.memory_space<hbm>>
      tpu.enqueue_dma source(%arg10 : memref<128x384xf32, #tpu.memory_space<vmem>>) target(%dma_start3A_38 : memref<128x384xf32, #tpu.memory_space<hbm>>) target_semaphore(%run_scoped3A : memref<!tpu.dma_semaphore, #tpu.memory_space<semaphore_mem>>)
      %dma_wait3A_39 = arith.constant 0 : i32
      %dma_wait3A_40 = tpu.memref_slice %arg5[%add3A_18, %dma_wait3A_39] : memref<16384x384xf32, #tpu.memory_space<hbm>> -> memref<128x384xf32, #tpu.memory_space<hbm>>
      %dma_wait3A_41 = arith.constant 0 : i32
      %dma_wait3A_42 = tpu.memref_slice %arg5[%add3A_18, %dma_wait3A_41] : memref<16384x384xf32, #tpu.memory_space<hbm>> -> memref<128x384xf32, #tpu.memory_space<hbm>>
      tpu.wait_dma2 semaphore(%run_scoped3A : memref<!tpu.dma_semaphore, #tpu.memory_space<semaphore_mem>>) src(%arg10 : memref<128x384xf32, #tpu.memory_space<vmem>>) dst(%dma_wait3A_42 : memref<128x384xf32, #tpu.memory_space<hbm>>)
      tpu.yield
    }) : () -> ()
    %add3A_25 = arith.constant 384 : i32
    %add3A_26 = arith.addi %mul3A_2, %add3A_25 : i32
    "tpu.region"() ({
      %run_scoped3A = tpu.sem_alloc : memref<!tpu.dma_semaphore, #tpu.memory_space<semaphore_mem>>
      %dma_start3A_35 = tpu.memref_slice %arg3[%add3A_26] : memref<16384xi32, #tpu.memory_space<hbm>> -> memref<128xi32, #tpu.memory_space<hbm>>
      %dma_start3A_36 = tpu.memref_slice %arg3[%add3A_26] : memref<16384xi32, #tpu.memory_space<hbm>> -> memref<128xi32, #tpu.memory_space<hbm>>
      tpu.enqueue_dma source(%dma_start3A_36 : memref<128xi32, #tpu.memory_space<hbm>>) target(%arg7 : memref<128xi32, #tpu.memory_space<vmem>>) target_semaphore(%run_scoped3A : memref<!tpu.dma_semaphore, #tpu.memory_space<semaphore_mem>>)
      %dma_wait3A_37 = tpu.memref_slice %arg3[%add3A_26] : memref<16384xi32, #tpu.memory_space<hbm>> -> memref<128xi32, #tpu.memory_space<hbm>>
      %dma_wait3A_38 = tpu.memref_slice %arg3[%add3A_26] : memref<16384xi32, #tpu.memory_space<hbm>> -> memref<128xi32, #tpu.memory_space<hbm>>
      tpu.wait_dma2 semaphore(%run_scoped3A : memref<!tpu.dma_semaphore, #tpu.memory_space<semaphore_mem>>) src(%dma_wait3A_38 : memref<128xi32, #tpu.memory_space<hbm>>) dst(%arg7 : memref<128xi32, #tpu.memory_space<vmem>>)
      tpu.yield
    }) : () -> ()
    %dma_start3A_27 = arith.constant 0 : i32
    %dma_start3A_28 = arith.constant 0 : i32
    %dma_start3A_29 = tpu.memref_slice %arg2[%dma_start3A_27, %dma_start3A_28] : memref<4096x384xf32, #tpu.memory_space<hbm>> -> memref<4096x384xf32, #tpu.memory_space<hbm>>
    tpu.enqueue_indirect_dma source(%dma_start3A_29 : memref<4096x384xf32, #tpu.memory_space<hbm>>) target(%arg10 : memref<128x384xf32, #tpu.memory_space<vmem>>) offsets(%arg7 : memref<128xi32, #tpu.memory_space<vmem>>) semaphore(%arg13 : memref<!tpu.dma_semaphore, #tpu.memory_space<semaphore_mem>>)
    %dma_wait3A_30 = arith.constant 0 : i32
    %dma_wait3A_31 = arith.constant 0 : i32
    %dma_wait3A_32 = tpu.memref_slice %arg2[%dma_wait3A_30, %dma_wait3A_31] : memref<4096x384xf32, #tpu.memory_space<hbm>> -> memref<4096x384xf32, #tpu.memory_space<hbm>>
    tpu.wait_indirect_dma semaphore(%arg13 : memref<!tpu.dma_semaphore, #tpu.memory_space<semaphore_mem>>) src(%dma_wait3A_32 : memref<4096x384xf32, #tpu.memory_space<hbm>>) dst(%arg10 : memref<128x384xf32, #tpu.memory_space<vmem>>)
    "tpu.region"() ({
      %run_scoped3A = tpu.sem_alloc : memref<!tpu.dma_semaphore, #tpu.memory_space<semaphore_mem>>
      %dma_start3A_35 = arith.constant 0 : i32
      %dma_start3A_36 = tpu.memref_slice %arg5[%add3A_26, %dma_start3A_35] : memref<16384x384xf32, #tpu.memory_space<hbm>> -> memref<128x384xf32, #tpu.memory_space<hbm>>
      %dma_start3A_37 = arith.constant 0 : i32
      %dma_start3A_38 = tpu.memref_slice %arg5[%add3A_26, %dma_start3A_37] : memref<16384x384xf32, #tpu.memory_space<hbm>> -> memref<128x384xf32, #tpu.memory_space<hbm>>
      tpu.enqueue_dma source(%arg10 : memref<128x384xf32, #tpu.memory_space<vmem>>) target(%dma_start3A_38 : memref<128x384xf32, #tpu.memory_space<hbm>>) target_semaphore(%run_scoped3A : memref<!tpu.dma_semaphore, #tpu.memory_space<semaphore_mem>>)
      %dma_wait3A_39 = arith.constant 0 : i32
      %dma_wait3A_40 = tpu.memref_slice %arg5[%add3A_26, %dma_wait3A_39] : memref<16384x384xf32, #tpu.memory_space<hbm>> -> memref<128x384xf32, #tpu.memory_space<hbm>>
      %dma_wait3A_41 = arith.constant 0 : i32
      %dma_wait3A_42 = tpu.memref_slice %arg5[%add3A_26, %dma_wait3A_41] : memref<16384x384xf32, #tpu.memory_space<hbm>> -> memref<128x384xf32, #tpu.memory_space<hbm>>
      tpu.wait_dma2 semaphore(%run_scoped3A : memref<!tpu.dma_semaphore, #tpu.memory_space<semaphore_mem>>) src(%arg10 : memref<128x384xf32, #tpu.memory_space<vmem>>) dst(%dma_wait3A_42 : memref<128x384xf32, #tpu.memory_space<hbm>>)
      tpu.yield
    }) : () -> ()
    %lt3A = arith.constant 16 : i32
    %lt3A_33 = arith.cmpi slt, %add3A, %lt3A : i32
    %convert_element_type3A = arith.extui %lt3A_33 : i1 to i32
    %cond3A = arith.constant 0 : i32
    %cond3A_34 = arith.cmpi ne, %convert_element_type3A, %cond3A : i32
    scf.if %cond3A_34 {
      "tpu.region"() ({
        %run_scoped3A = tpu.sem_alloc : memref<!tpu.dma_semaphore, #tpu.memory_space<semaphore_mem>>
        tpu.enqueue_dma source(%arg4 : memref<4096xf32, #tpu.memory_space<hbm>>) target(%arg11 : memref<4096xf32, #tpu.memory_space<vmem>>) target_semaphore(%run_scoped3A : memref<!tpu.dma_semaphore, #tpu.memory_space<semaphore_mem>>)
        tpu.wait_dma2 semaphore(%run_scoped3A : memref<!tpu.dma_semaphore, #tpu.memory_space<semaphore_mem>>) src(%arg4 : memref<4096xf32, #tpu.memory_space<hbm>>) dst(%arg11 : memref<4096xf32, #tpu.memory_space<vmem>>)
        tpu.yield
      }) : () -> ()
      "tpu.region"() ({
        %run_scoped3A = tpu.sem_alloc : memref<!tpu.dma_semaphore, #tpu.memory_space<semaphore_mem>>
        %dma_start3A_39 = tpu.memref_slice %arg3[%mul3A_2] : memref<16384xi32, #tpu.memory_space<hbm>> -> memref<512xi32, #tpu.memory_space<hbm>>
        %dma_start3A_40 = tpu.memref_slice %arg3[%mul3A_2] : memref<16384xi32, #tpu.memory_space<hbm>> -> memref<512xi32, #tpu.memory_space<hbm>>
        tpu.enqueue_dma source(%dma_start3A_40 : memref<512xi32, #tpu.memory_space<hbm>>) target(%arg8 : memref<512xi32, #tpu.memory_space<vmem>>) target_semaphore(%run_scoped3A : memref<!tpu.dma_semaphore, #tpu.memory_space<semaphore_mem>>)
        %dma_wait3A_41 = tpu.memref_slice %arg3[%mul3A_2] : memref<16384xi32, #tpu.memory_space<hbm>> -> memref<512xi32, #tpu.memory_space<hbm>>
        %dma_wait3A_42 = tpu.memref_slice %arg3[%mul3A_2] : memref<16384xi32, #tpu.memory_space<hbm>> -> memref<512xi32, #tpu.memory_space<hbm>>
        tpu.wait_dma2 semaphore(%run_scoped3A : memref<!tpu.dma_semaphore, #tpu.memory_space<semaphore_mem>>) src(%dma_wait3A_42 : memref<512xi32, #tpu.memory_space<hbm>>) dst(%arg8 : memref<512xi32, #tpu.memory_space<vmem>>)
        tpu.yield
      }) : () -> ()
      %add3A_35 = arith.constant 8192 : i32
      %add3A_36 = arith.addi %mul3A_2, %add3A_35 : i32
      "tpu.region"() ({
        %run_scoped3A = tpu.sem_alloc : memref<!tpu.dma_semaphore, #tpu.memory_space<semaphore_mem>>
        %dma_start3A_39 = tpu.memref_slice %arg3[%add3A_36] : memref<16384xi32, #tpu.memory_space<hbm>> -> memref<512xi32, #tpu.memory_space<hbm>>
        %dma_start3A_40 = tpu.memref_slice %arg3[%add3A_36] : memref<16384xi32, #tpu.memory_space<hbm>> -> memref<512xi32, #tpu.memory_space<hbm>>
        tpu.enqueue_dma source(%dma_start3A_40 : memref<512xi32, #tpu.memory_space<hbm>>) target(%arg9 : memref<512xi32, #tpu.memory_space<vmem>>) target_semaphore(%run_scoped3A : memref<!tpu.dma_semaphore, #tpu.memory_space<semaphore_mem>>)
        %dma_wait3A_41 = tpu.memref_slice %arg3[%add3A_36] : memref<16384xi32, #tpu.memory_space<hbm>> -> memref<512xi32, #tpu.memory_space<hbm>>
        %dma_wait3A_42 = tpu.memref_slice %arg3[%add3A_36] : memref<16384xi32, #tpu.memory_space<hbm>> -> memref<512xi32, #tpu.memory_space<hbm>>
        tpu.wait_dma2 semaphore(%run_scoped3A : memref<!tpu.dma_semaphore, #tpu.memory_space<semaphore_mem>>) src(%dma_wait3A_42 : memref<512xi32, #tpu.memory_space<hbm>>) dst(%arg9 : memref<512xi32, #tpu.memory_space<vmem>>)
        tpu.yield
      }) : () -> ()
      %parallel_loop3A = arith.constant 0 : i32
      %parallel_loop3A_37 = arith.constant 512 : i32
      %parallel_loop3A_38 = arith.constant 16 : i32
      scf.for %parallel_loop3A_39 = %parallel_loop3A to %parallel_loop3A_37 step %parallel_loop3A_38  : i32 {
        %parallel_loop3A_40 = arith.index_cast %parallel_loop3A_39 : i32 to index
        %parallel_loop3A_41 = tpu.vector_load %arg8[%parallel_loop3A_40] {strides = array<i32>} : memref<512xi32, #tpu.memory_space<vmem>>, vector<16xi32>,
        %parallel_loop3A_42 = tpu.vector_load_idx %arg11[%parallel_loop3A_41] : memref<4096xf32, #tpu.memory_space<vmem>>[vector<16xi32>], vector<16xf32>,
        %parallel_loop3A_43 = arith.index_cast %parallel_loop3A_39 : i32 to index
        %parallel_loop3A_44 = tpu.vector_load %arg9[%parallel_loop3A_43] {strides = array<i32>} : memref<512xi32, #tpu.memory_space<vmem>>, vector<16xi32>,
        %parallel_loop3A_45 = tpu.vector_load_idx %arg11[%parallel_loop3A_44] : memref<4096xf32, #tpu.memory_space<vmem>>[vector<16xi32>], vector<16xf32>,
        %parallel_loop3A_46 = arith.addf %parallel_loop3A_42, %parallel_loop3A_45 : vector<16xf32>
        %parallel_loop3A_47 = arith.index_cast %parallel_loop3A_39 : i32 to index
        %parallel_loop3A_48 = tpu.vector_load %arg12[%parallel_loop3A_47] {strides = array<i32>} : memref<512xf32, #tpu.memory_space<vmem>>, vector<16xf32>,
        tpu.vector_store %arg12[%parallel_loop3A_47], %parallel_loop3A_46 {strides = array<i32>} : memref<512xf32, #tpu.memory_space<vmem>>, vector<16xf32>,
      } {sc.loop_unroll_factor = 1 : i64, sc.parallel_access}
      "tpu.region"() ({
        %run_scoped3A = tpu.sem_alloc : memref<!tpu.dma_semaphore, #tpu.memory_space<semaphore_mem>>
        %dma_start3A_39 = tpu.memref_slice %arg6[%mul3A_2] : memref<8192xf32, #tpu.memory_space<hbm>> -> memref<512xf32, #tpu.memory_space<hbm>>
        %dma_start3A_40 = tpu.memref_slice %arg6[%mul3A_2] : memref<8192xf32, #tpu.memory_space<hbm>> -> memref<512xf32, #tpu.memory_space<hbm>>
        tpu.enqueue_dma source(%arg12 : memref<512xf32, #tpu.memory_space<vmem>>) target(%dma_start3A_40 : memref<512xf32, #tpu.memory_space<hbm>>) target_semaphore(%run_scoped3A : memref<!tpu.dma_semaphore, #tpu.memory_space<semaphore_mem>>)
        %dma_wait3A_41 = tpu.memref_slice %arg6[%mul3A_2] : memref<8192xf32, #tpu.memory_space<hbm>> -> memref<512xf32, #tpu.memory_space<hbm>>
        %dma_wait3A_42 = tpu.memref_slice %arg6[%mul3A_2] : memref<8192xf32, #tpu.memory_space<hbm>> -> memref<512xf32, #tpu.memory_space<hbm>>
        tpu.wait_dma2 semaphore(%run_scoped3A : memref<!tpu.dma_semaphore, #tpu.memory_space<semaphore_mem>>) src(%arg12 : memref<512xf32, #tpu.memory_space<vmem>>) dst(%dma_wait3A_42 : memref<512xf32, #tpu.memory_space<hbm>>)
        tpu.yield
      }) : () -> ()
    } else {
    }
    return
  }
}

module attributes {stable_mosaic.version = 14 : i64} {
  func.func @_proj_body(%arg0: i32, %arg1: memref<256x128xf32, #tpu.memory_space<vmem>>, %arg2: memref<128x256xf32, #tpu.memory_space<vmem>>, %arg3: memref<1x256xf32, #tpu.memory_space<vmem>>, %arg4: memref<256x256xf32, #tpu.memory_space<vmem>>) attributes {dimension_semantics = [#tpu.dimension_semantics<arbitrary>], iteration_bounds = array<i64: 8>, scalar_prefetch = 0 : i64, scratch_operands = 0 : i64, tpu.core_type = #tpu.core_type<tc>, window_params = [{transform_indices = @transform_0, window_bounds = array<i64: 256, 128>}, {pipeline_mode = #tpu.pipeline_mode<synchronous>, transform_indices = @transform_1, window_bounds = array<i64: 128, 256>}, {pipeline_mode = #tpu.pipeline_mode<synchronous>, transform_indices = @transform_2, window_bounds = array<i64: 1, 256>}, {transform_indices = @transform_3, window_bounds = array<i64: 256, 256>}]} {
    %get3A = arith.constant 0 : index
    %get3A_0 = arith.constant 0 : index
    %get3A_1 = vector.load %arg1[%get3A, %get3A_0] : memref<256x128xf32, #tpu.memory_space<vmem>>, vector<256x128xf32>
    %get3A_2 = arith.constant 0 : index
    %get3A_3 = arith.constant 0 : index
    %get3A_4 = vector.load %arg2[%get3A_2, %get3A_3] : memref<128x256xf32, #tpu.memory_space<vmem>>, vector<128x256xf32>
    %dot_general3A = arith.constant dense<0.000000e+00> : vector<256x256xf32>
    %dot_general3A_5 = tpu.matmul %get3A_1, %get3A_4, %dot_general3A {dimension_numbers = #tpu.dot_dimension_numbers<[1], [0], [0], [1], [0, 0, 1, 1], [], []>, transpose_lhs_hint = false} : vector<256x128xf32>, vector<128x256xf32>, vector<256x256xf32> -> vector<256x256xf32>
    %get3A_6 = arith.constant 0 : index
    %get3A_7 = arith.constant 0 : index
    %get3A_8 = vector.load %arg3[%get3A_6, %get3A_7] : memref<1x256xf32, #tpu.memory_space<vmem>>, vector<1x256xf32>
    %add3A = vector.broadcast %get3A_8 : vector<1x256xf32> to vector<256x256xf32>
    %add3A_9 = arith.addf %dot_general3A_5, %add3A : vector<256x256xf32>
    %ge3A = arith.constant 0.000000e+00 : f32
    %ge3A_10 = vector.broadcast %ge3A : f32 to vector<256x256xf32>
    %ge3A_11 = arith.cmpf oge, %add3A_9, %ge3A_10 : vector<256x256xf32>
    %mul3A = arith.constant 0.00999999977 : f32
    %mul3A_12 = vector.broadcast %mul3A : f32 to vector<256x256xf32>
    %mul3A_13 = arith.mulf %mul3A_12, %add3A_9 : vector<256x256xf32>
    %select_n3A = arith.select %ge3A_11, %add3A_9, %mul3A_13 : vector<256x256xi1>, vector<256x256xf32>
    %swap3A = arith.constant 0 : index
    %swap3A_14 = arith.constant 0 : index
    %swap3A_15 = vector.load %arg4[%swap3A, %swap3A_14] : memref<256x256xf32, #tpu.memory_space<vmem>>, vector<256x256xf32>
    tpu.vector_store %arg4[%swap3A, %swap3A_14], %select_n3A {strides = array<i32>} : memref<256x256xf32, #tpu.memory_space<vmem>>, vector<256x256xf32>,
    return
  }
  func.func @transform_0(%arg0: i32) -> (i32, i32) {
    %c0_i32 = arith.constant 0 : i32
    %c0_i32_0 = arith.constant 0 : i32
    return %arg0, %c0_i32 : i32, i32
  }
  func.func @transform_1(%arg0: i32) -> (i32, i32) {
    %c0_i32 = arith.constant 0 : i32
    %c0_i32_0 = arith.constant 0 : i32
    %c0_i32_1 = arith.constant 0 : i32
    return %c0_i32, %c0_i32_0 : i32, i32
  }
  func.func @transform_2(%arg0: i32) -> (i32, i32) {
    %c0_i32 = arith.constant 0 : i32
    %c0_i32_0 = arith.constant 0 : i32
    %c0_i32_1 = arith.constant 0 : i32
    return %c0_i32, %c0_i32_0 : i32, i32
  }
  func.func @transform_3(%arg0: i32) -> (i32, i32) {
    %c0_i32 = arith.constant 0 : i32
    %c0_i32_0 = arith.constant 0 : i32
    return %arg0, %c0_i32 : i32, i32
  }
}

module attributes {stable_mosaic.version = 14 : i64} {
  func.func @_node_table_body(%arg0: i32, %arg1: i32, %arg2: memref<256x256xf32, #tpu.memory_space<vmem>>, %arg3: memref<1x256x384xf32, #tpu.memory_space<vmem>>, %arg4: memref<1x256x1xf32, #tpu.memory_space<vmem>>, %arg5: memref<256x384xf32, #tpu.memory_space<vmem>>, %arg6: memref<1x1x256xf32, #tpu.memory_space<vmem>>) attributes {dimension_semantics = [#tpu.dimension_semantics<arbitrary>, #tpu.dimension_semantics<arbitrary>], iteration_bounds = array<i64: 2, 8>, scalar_prefetch = 0 : i64, scratch_operands = 0 : i64, tpu.core_type = #tpu.core_type<tc>, window_params = [{transform_indices = @transform_0, window_bounds = array<i64: 256, 256>}, {transform_indices = @transform_1, window_bounds = array<i64: 1, 256, 384>}, {transform_indices = @transform_2, window_bounds = array<i64: 1, 256, 1>}, {transform_indices = @transform_3, window_bounds = array<i64: 256, 384>}, {transform_indices = @transform_4, window_bounds = array<i64: 1, 1, 256>}]} {
    %get3A = arith.constant 0 : index
    %get3A_0 = arith.constant 0 : index
    %get3A_1 = vector.load %arg2[%get3A, %get3A_0] : memref<256x256xf32, #tpu.memory_space<vmem>>, vector<256x256xf32>
    %get3A_2 = arith.constant 0 : index
    %get3A_3 = arith.constant 0 : index
    %get3A_4 = arith.constant 0 : index
    %get3A_5 = vector.load %arg3[%get3A_2, %get3A_3, %get3A_4] : memref<1x256x384xf32, #tpu.memory_space<vmem>>, vector<1x256x384xf32>
    %get3A_6 = vector.shape_cast %get3A_5 : vector<1x256x384xf32> to vector<256x384xf32>
    %dot_general3A = arith.constant dense<0.000000e+00> : vector<256x384xf32>
    %dot_general3A_7 = tpu.matmul %get3A_1, %get3A_6, %dot_general3A {dimension_numbers = #tpu.dot_dimension_numbers<[1], [0], [0], [1], [0, 0, 1, 1], [], []>, transpose_lhs_hint = false} : vector<256x256xf32>, vector<256x384xf32>, vector<256x384xf32> -> vector<256x384xf32>
    %swap3A = arith.constant 0 : index
    %swap3A_8 = arith.constant 0 : index
    %swap3A_9 = vector.load %arg5[%swap3A, %swap3A_8] : memref<256x384xf32, #tpu.memory_space<vmem>>, vector<256x384xf32>
    tpu.vector_store %arg5[%swap3A, %swap3A_8], %dot_general3A_7 {strides = array<i32>} : memref<256x384xf32, #tpu.memory_space<vmem>>, vector<256x384xf32>,
    %get3A_10 = arith.constant 0 : index
    %get3A_11 = arith.constant 0 : index
    %get3A_12 = arith.constant 0 : index
    %get3A_13 = vector.load %arg4[%get3A_10, %get3A_11, %get3A_12] : memref<1x256x1xf32, #tpu.memory_space<vmem>>, vector<1x256x1xf32>
    %get3A_14 = vector.shape_cast %get3A_13 : vector<1x256x1xf32> to vector<256x1xf32>
    %dot_general3A_15 = arith.constant dense<0.000000e+00> : vector<256x1xf32>
    %dot_general3A_16 = tpu.matmul %get3A_1, %get3A_14, %dot_general3A_15 {dimension_numbers = #tpu.dot_dimension_numbers<[1], [0], [0], [1], [0, 0, 1, 1], [], []>, transpose_lhs_hint = false} : vector<256x256xf32>, vector<256x1xf32>, vector<256x1xf32> -> vector<256x1xf32>
    %reshape3A = vector.shape_cast %dot_general3A_16 : vector<256x1xf32> to vector<1x1x256xf32>
    %swap3A_17 = arith.constant 0 : index
    %swap3A_18 = arith.constant 0 : index
    %swap3A_19 = arith.constant 0 : index
    %swap3A_20 = vector.load %arg6[%swap3A_17, %swap3A_18, %swap3A_19] : memref<1x1x256xf32, #tpu.memory_space<vmem>>, vector<1x1x256xf32>
    tpu.vector_store %arg6[%swap3A_17, %swap3A_18, %swap3A_19], %reshape3A {strides = array<i32>} : memref<1x1x256xf32, #tpu.memory_space<vmem>>, vector<1x1x256xf32>,
    return
  }
  func.func @transform_0(%arg0: i32, %arg1: i32) -> (i32, i32) {
    %c0_i32 = arith.constant 0 : i32
    %c0_i32_0 = arith.constant 0 : i32
    return %arg1, %c0_i32 : i32, i32
  }
  func.func @transform_1(%arg0: i32, %arg1: i32) -> (i32, i32, i32) {
    %c0_i32 = arith.constant 0 : i32
    %c0_i32_0 = arith.constant 0 : i32
    %c0_i32_1 = arith.constant 0 : i32
    return %arg0, %c0_i32, %c0_i32_0 : i32, i32, i32
  }
  func.func @transform_2(%arg0: i32, %arg1: i32) -> (i32, i32, i32) {
    %c0_i32 = arith.constant 0 : i32
    %c0_i32_0 = arith.constant 0 : i32
    %c0_i32_1 = arith.constant 0 : i32
    return %arg0, %c0_i32, %c0_i32_0 : i32, i32, i32
  }
  func.func @transform_3(%arg0: i32, %arg1: i32) -> (i32, i32) {
    %mul3A = arith.constant 8 : i32
    %mul3A_0 = arith.muli %arg0, %mul3A : i32
    %add3A = arith.addi %mul3A_0, %arg1 : i32
    %c0_i32 = arith.constant 0 : i32
    %c0_i32_1 = arith.constant 0 : i32
    return %add3A, %c0_i32 : i32, i32
  }
  func.func @transform_4(%arg0: i32, %arg1: i32) -> (i32, i32, i32) {
    %c0_i32 = arith.constant 0 : i32
    %c0_i32_0 = arith.constant 0 : i32
    return %arg0, %c0_i32, %arg1 : i32, i32, i32
  }
}

module attributes {stable_mosaic.version = 14 : i64} {
  func.func @_proj_body(%arg0: i32, %arg1: memref<512x16xf32, #tpu.memory_space<vmem>>, %arg2: memref<16x128xf32, #tpu.memory_space<vmem>>, %arg3: memref<1x128xf32, #tpu.memory_space<vmem>>, %arg4: memref<512x128xf32, #tpu.memory_space<vmem>>) attributes {dimension_semantics = [#tpu.dimension_semantics<arbitrary>], iteration_bounds = array<i64: 16>, scalar_prefetch = 0 : i64, scratch_operands = 0 : i64, tpu.core_type = #tpu.core_type<tc>, window_params = [{transform_indices = @transform_0, window_bounds = array<i64: 512, 16>}, {pipeline_mode = #tpu.pipeline_mode<synchronous>, transform_indices = @transform_1, window_bounds = array<i64: 16, 128>}, {pipeline_mode = #tpu.pipeline_mode<synchronous>, transform_indices = @transform_2, window_bounds = array<i64: 1, 128>}, {transform_indices = @transform_3, window_bounds = array<i64: 512, 128>}]} {
    %get3A = arith.constant 0 : index
    %get3A_0 = arith.constant 0 : index
    %get3A_1 = vector.load %arg1[%get3A, %get3A_0] : memref<512x16xf32, #tpu.memory_space<vmem>>, vector<512x16xf32>
    %get3A_2 = arith.constant 0 : index
    %get3A_3 = arith.constant 0 : index
    %get3A_4 = vector.load %arg2[%get3A_2, %get3A_3] : memref<16x128xf32, #tpu.memory_space<vmem>>, vector<16x128xf32>
    %dot_general3A = arith.constant dense<0.000000e+00> : vector<512x128xf32>
    %dot_general3A_5 = tpu.matmul %get3A_1, %get3A_4, %dot_general3A {dimension_numbers = #tpu.dot_dimension_numbers<[1], [0], [0], [1], [0, 0, 1, 1], [], []>, transpose_lhs_hint = false} : vector<512x16xf32>, vector<16x128xf32>, vector<512x128xf32> -> vector<512x128xf32>
    %get3A_6 = arith.constant 0 : index
    %get3A_7 = arith.constant 0 : index
    %get3A_8 = vector.load %arg3[%get3A_6, %get3A_7] : memref<1x128xf32, #tpu.memory_space<vmem>>, vector<1x128xf32>
    %add3A = vector.broadcast %get3A_8 : vector<1x128xf32> to vector<512x128xf32>
    %add3A_9 = arith.addf %dot_general3A_5, %add3A : vector<512x128xf32>
    %ge3A = arith.constant 0.000000e+00 : f32
    %ge3A_10 = vector.broadcast %ge3A : f32 to vector<512x128xf32>
    %ge3A_11 = arith.cmpf oge, %add3A_9, %ge3A_10 : vector<512x128xf32>
    %mul3A = arith.constant 0.00999999977 : f32
    %mul3A_12 = vector.broadcast %mul3A : f32 to vector<512x128xf32>
    %mul3A_13 = arith.mulf %mul3A_12, %add3A_9 : vector<512x128xf32>
    %select_n3A = arith.select %ge3A_11, %add3A_9, %mul3A_13 : vector<512x128xi1>, vector<512x128xf32>
    %swap3A = arith.constant 0 : index
    %swap3A_14 = arith.constant 0 : index
    %swap3A_15 = vector.load %arg4[%swap3A, %swap3A_14] : memref<512x128xf32, #tpu.memory_space<vmem>>, vector<512x128xf32>
    tpu.vector_store %arg4[%swap3A, %swap3A_14], %select_n3A {strides = array<i32>} : memref<512x128xf32, #tpu.memory_space<vmem>>, vector<512x128xf32>,
    return
  }
  func.func @transform_0(%arg0: i32) -> (i32, i32) {
    %c0_i32 = arith.constant 0 : i32
    %c0_i32_0 = arith.constant 0 : i32
    return %arg0, %c0_i32 : i32, i32
  }
  func.func @transform_1(%arg0: i32) -> (i32, i32) {
    %c0_i32 = arith.constant 0 : i32
    %c0_i32_0 = arith.constant 0 : i32
    %c0_i32_1 = arith.constant 0 : i32
    return %c0_i32, %c0_i32_0 : i32, i32
  }
  func.func @transform_2(%arg0: i32) -> (i32, i32) {
    %c0_i32 = arith.constant 0 : i32
    %c0_i32_0 = arith.constant 0 : i32
    %c0_i32_1 = arith.constant 0 : i32
    return %c0_i32, %c0_i32_0 : i32, i32
  }
  func.func @transform_3(%arg0: i32) -> (i32, i32) {
    %c0_i32 = arith.constant 0 : i32
    %c0_i32_0 = arith.constant 0 : i32
    return %arg0, %c0_i32 : i32, i32
  }
}

module attributes {stable_mosaic.version = 14 : i64} {
  func.func @_edge_fuse_body(%arg0: i32, %arg1: memref<512x384xf32, #tpu.memory_space<vmem>>, %arg2: memref<512x384xf32, #tpu.memory_space<vmem>>, %arg3: memref<512x128xf32, #tpu.memory_space<vmem>>, %arg4: memref<1x512xf32, #tpu.memory_space<vmem>>, %arg5: memref<128x384xf32, #tpu.memory_space<vmem>>, %arg6: memref<128x1xf32, #tpu.memory_space<vmem>>, %arg7: memref<1x384xf32, #tpu.memory_space<vmem>>, %arg8: memref<512x272xbf16, #tpu.memory_space<vmem>>, %arg9: memref<512x128xf32, #tpu.memory_space<vmem>>, %arg10: memref<1x256xf32, #tpu.memory_space<vmem>>) attributes {dimension_semantics = [#tpu.dimension_semantics<arbitrary>], iteration_bounds = array<i64: 16>, scalar_prefetch = 0 : i64, scratch_operands = 0 : i64, tpu.core_type = #tpu.core_type<tc>, window_params = [{transform_indices = @transform_0, window_bounds = array<i64: 512, 384>}, {transform_indices = @transform_1, window_bounds = array<i64: 512, 384>}, {transform_indices = @transform_2, window_bounds = array<i64: 512, 128>}, {transform_indices = @transform_3, window_bounds = array<i64: 1, 512>}, {pipeline_mode = #tpu.pipeline_mode<synchronous>, transform_indices = @transform_4, window_bounds = array<i64: 128, 384>}, {pipeline_mode = #tpu.pipeline_mode<synchronous>, transform_indices = @transform_5, window_bounds = array<i64: 128, 1>}, {pipeline_mode = #tpu.pipeline_mode<synchronous>, transform_indices = @transform_6, window_bounds = array<i64: 1, 384>}, {transform_indices = @transform_7, window_bounds = array<i64: 512, 272>}, {transform_indices = @transform_8, window_bounds = array<i64: 512, 128>}, {pipeline_mode = #tpu.pipeline_mode<synchronous>, transform_indices = @transform_9, window_bounds = array<i64: 1, 256>}]} {
    %get3A = arith.constant 0 : index
    %get3A_0 = arith.constant 0 : index
    %get3A_1 = vector.load %arg3[%get3A, %get3A_0] : memref<512x128xf32, #tpu.memory_space<vmem>>, vector<512x128xf32>
    %get3A_2 = arith.constant 0 : index
    %get3A_3 = arith.constant 0 : index
    %get3A_4 = vector.load %arg1[%get3A_2, %get3A_3] : memref<512x384xf32, #tpu.memory_space<vmem>>, vector<512x384xf32>
    %get3A_5 = arith.constant 0 : index
    %get3A_6 = arith.constant 0 : index
    %get3A_7 = vector.load %arg2[%get3A_5, %get3A_6] : memref<512x384xf32, #tpu.memory_space<vmem>>, vector<512x384xf32>
    %add3A = arith.addf %get3A_4, %get3A_7 : vector<512x384xf32>
    %get3A_8 = arith.constant 0 : index
    %get3A_9 = arith.constant 0 : index
    %get3A_10 = vector.load %arg5[%get3A_8, %get3A_9] : memref<128x384xf32, #tpu.memory_space<vmem>>, vector<128x384xf32>
    %dot_general3A = arith.constant dense<0.000000e+00> : vector<512x384xf32>
    %dot_general3A_11 = tpu.matmul %get3A_1, %get3A_10, %dot_general3A {dimension_numbers = #tpu.dot_dimension_numbers<[1], [0], [0], [1], [0, 0, 1, 1], [], []>, transpose_lhs_hint = false} : vector<512x128xf32>, vector<128x384xf32>, vector<512x384xf32> -> vector<512x384xf32>
    %add3A_12 = arith.addf %add3A, %dot_general3A_11 : vector<512x384xf32>
    %get3A_13 = arith.constant 0 : index
    %get3A_14 = arith.constant 0 : index
    %get3A_15 = vector.load %arg7[%get3A_13, %get3A_14] : memref<1x384xf32, #tpu.memory_space<vmem>>, vector<1x384xf32>
    %add3A_16 = vector.broadcast %get3A_15 : vector<1x384xf32> to vector<512x384xf32>
    %add3A_17 = arith.addf %add3A_12, %add3A_16 : vector<512x384xf32>
    %slice3A = vector.extract_strided_slice %add3A_17 {offsets = [0, 0], sizes = [512, 256], strides = [1, 1]} : vector<512x384xf32> to vector<512x256xf32>
    %ge3A = arith.constant 0.000000e+00 : f32
    %ge3A_18 = vector.broadcast %ge3A : f32 to vector<512x256xf32>
    %ge3A_19 = arith.cmpf oge, %slice3A, %ge3A_18 : vector<512x256xf32>
    %mul3A = arith.constant 0.00999999977 : f32
    %mul3A_20 = vector.broadcast %mul3A : f32 to vector<512x256xf32>
    %mul3A_21 = arith.mulf %mul3A_20, %slice3A : vector<512x256xf32>
    %select_n3A = arith.select %ge3A_19, %slice3A, %mul3A_21 : vector<512x256xi1>, vector<512x256xf32>
    %slice3A_22 = vector.extract_strided_slice %add3A_17 {offsets = [0, 256], sizes = [512, 128], strides = [1, 1]} : vector<512x384xf32> to vector<512x128xf32>
    %ge3A_23 = arith.constant 0.000000e+00 : f32
    %ge3A_24 = vector.broadcast %ge3A_23 : f32 to vector<512x128xf32>
    %ge3A_25 = arith.cmpf oge, %slice3A_22, %ge3A_24 : vector<512x128xf32>
    %mul3A_26 = arith.constant 0.00999999977 : f32
    %mul3A_27 = vector.broadcast %mul3A_26 : f32 to vector<512x128xf32>
    %mul3A_28 = arith.mulf %mul3A_27, %slice3A_22 : vector<512x128xf32>
    %select_n3A_29 = arith.select %ge3A_25, %slice3A_22, %mul3A_28 : vector<512x128xi1>, vector<512x128xf32>
    %swap3A = arith.constant 0 : index
    %swap3A_30 = arith.constant 0 : index
    %swap3A_31 = vector.load %arg9[%swap3A, %swap3A_30] : memref<512x128xf32, #tpu.memory_space<vmem>>, vector<512x128xf32>
    tpu.vector_store %arg9[%swap3A, %swap3A_30], %select_n3A_29 {strides = array<i32>} : memref<512x128xf32, #tpu.memory_space<vmem>>, vector<512x128xf32>,
    %get3A_32 = arith.constant 0 : index
    %get3A_33 = arith.constant 0 : index
    %get3A_34 = vector.load %arg4[%get3A_32, %get3A_33] : memref<1x512xf32, #tpu.memory_space<vmem>>, vector<1x512xf32>
    %reshape3A = vector.shape_cast %get3A_34 : vector<1x512xf32> to vector<512x1xf32>
    %get3A_35 = arith.constant 0 : index
    %get3A_36 = arith.constant 0 : index
    %get3A_37 = vector.load %arg6[%get3A_35, %get3A_36] : memref<128x1xf32, #tpu.memory_space<vmem>>, vector<128x1xf32>
    %dot_general3A_38 = arith.constant dense<0.000000e+00> : vector<512x1xf32>
    %dot_general3A_39 = tpu.matmul %get3A_1, %get3A_37, %dot_general3A_38 {dimension_numbers = #tpu.dot_dimension_numbers<[1], [0], [0], [1], [0, 0, 1, 1], [], []>, transpose_lhs_hint = false} : vector<512x128xf32>, vector<128x1xf32>, vector<512x1xf32> -> vector<512x1xf32>
    %add3A_40 = arith.addf %reshape3A, %dot_general3A_39 : vector<512x1xf32>
    %exp3A = math.exp %add3A_40 : vector<512x1xf32>
    %mul3A_41 = vector.broadcast %exp3A : vector<512x1xf32> to vector<512x256xf32>
    %mul3A_42 = arith.mulf %mul3A_41, %select_n3A : vector<512x256xf32>
    %broadcast_in_dim3A = arith.constant 0.000000e+00 : f32
    %broadcast_in_dim3A_43 = vector.broadcast %broadcast_in_dim3A : f32 to vector<512x15xf32>
    %concatenate3A = tpu.concatenate %mul3A_42, %exp3A, %broadcast_in_dim3A_43 in 1 : vector<512x256xf32>, vector<512x1xf32>, vector<512x15xf32> -> vector<512x272xf32>
    %convert_element_type3A = arith.truncf %concatenate3A : vector<512x272xf32> to vector<512x272xbf16>
    %swap3A_44 = arith.constant 0 : index
    %swap3A_45 = arith.constant 0 : index
    %swap3A_46 = vector.load %arg8[%swap3A_44, %swap3A_45] : memref<512x272xbf16, #tpu.memory_space<vmem>>, vector<512x272xbf16>
    tpu.vector_store %arg8[%swap3A_44, %swap3A_45], %convert_element_type3A {strides = array<i32>} : memref<512x272xbf16, #tpu.memory_space<vmem>>, vector<512x272xbf16>,
    %eq3A = arith.constant 0 : i32
    %eq3A_47 = arith.cmpi eq, %arg0, %eq3A : i32
    %convert_element_type3A_48 = arith.extui %eq3A_47 : i1 to i32
    %cond3A = arith.constant 0 : i32
    %cond3A_49 = arith.cmpi ne, %convert_element_type3A_48, %cond3A : i32
    scf.if %cond3A_49 {
      %broadcast_in_dim3A_59 = arith.constant 0.000000e+00 : f32
      %broadcast_in_dim3A_60 = vector.broadcast %broadcast_in_dim3A_59 : f32 to vector<1x256xf32>
      %swap3A_61 = arith.constant 0 : index
      %swap3A_62 = arith.constant 0 : index
      %swap3A_63 = vector.load %arg10[%swap3A_61, %swap3A_62] : memref<1x256xf32, #tpu.memory_space<vmem>>, vector<1x256xf32>
      tpu.vector_store %arg10[%swap3A_61, %swap3A_62], %broadcast_in_dim3A_60 {strides = array<i32>} : memref<1x256xf32, #tpu.memory_space<vmem>>, vector<1x256xf32>,
    } else {
    }
    %get3A_50 = arith.constant 0 : index
    %get3A_51 = arith.constant 0 : index
    %get3A_52 = vector.load %arg10[%get3A_50, %get3A_51] : memref<1x256xf32, #tpu.memory_space<vmem>>, vector<1x256xf32>
    %reduce_sum3A = arith.constant dense<0.000000e+00> : vector<256xf32>
    %reduce_sum3A_53 = vector.multi_reduction <add>, %select_n3A, %reduce_sum3A [0] : vector<512x256xf32> to vector<256xf32>
    %broadcast_in_dim3A_54 = vector.shape_cast %reduce_sum3A_53 : vector<256xf32> to vector<1x256xf32>
    %add3A_55 = arith.addf %get3A_52, %broadcast_in_dim3A_54 : vector<1x256xf32>
    %swap3A_56 = arith.constant 0 : index
    %swap3A_57 = arith.constant 0 : index
    %swap3A_58 = vector.load %arg10[%swap3A_56, %swap3A_57] : memref<1x256xf32, #tpu.memory_space<vmem>>, vector<1x256xf32>
    tpu.vector_store %arg10[%swap3A_56, %swap3A_57], %add3A_55 {strides = array<i32>} : memref<1x256xf32, #tpu.memory_space<vmem>>, vector<1x256xf32>,
    return
  }
  func.func @transform_0(%arg0: i32) -> (i32, i32) {
    %c0_i32 = arith.constant 0 : i32
    %c0_i32_0 = arith.constant 0 : i32
    return %arg0, %c0_i32 : i32, i32
  }
  func.func @transform_1(%arg0: i32) -> (i32, i32) {
    %add3A = arith.constant 16 : i32
    %add3A_0 = arith.addi %arg0, %add3A : i32
    %c0_i32 = arith.constant 0 : i32
    %c0_i32_1 = arith.constant 0 : i32
    return %add3A_0, %c0_i32 : i32, i32
  }
  func.func @transform_2(%arg0: i32) -> (i32, i32) {
    %c0_i32 = arith.constant 0 : i32
    %c0_i32_0 = arith.constant 0 : i32
    return %arg0, %c0_i32 : i32, i32
  }
  func.func @transform_3(%arg0: i32) -> (i32, i32) {
    %c0_i32 = arith.constant 0 : i32
    %c0_i32_0 = arith.constant 0 : i32
    return %c0_i32, %arg0 : i32, i32
  }
  func.func @transform_4(%arg0: i32) -> (i32, i32) {
    %c0_i32 = arith.constant 0 : i32
    %c0_i32_0 = arith.constant 0 : i32
    %c0_i32_1 = arith.constant 0 : i32
    return %c0_i32, %c0_i32_0 : i32, i32
  }
  func.func @transform_5(%arg0: i32) -> (i32, i32) {
    %c0_i32 = arith.constant 0 : i32
    %c0_i32_0 = arith.constant 0 : i32
    %c0_i32_1 = arith.constant 0 : i32
    return %c0_i32, %c0_i32_0 : i32, i32
  }
  func.func @transform_6(%arg0: i32) -> (i32, i32) {
    %c0_i32 = arith.constant 0 : i32
    %c0_i32_0 = arith.constant 0 : i32
    %c0_i32_1 = arith.constant 0 : i32
    return %c0_i32, %c0_i32_0 : i32, i32
  }
  func.func @transform_7(%arg0: i32) -> (i32, i32) {
    %c0_i32 = arith.constant 0 : i32
    %c0_i32_0 = arith.constant 0 : i32
    return %arg0, %c0_i32 : i32, i32
  }
  func.func @transform_8(%arg0: i32) -> (i32, i32) {
    %c0_i32 = arith.constant 0 : i32
    %c0_i32_0 = arith.constant 0 : i32
    return %arg0, %c0_i32 : i32, i32
  }
  func.func @transform_9(%arg0: i32) -> (i32, i32) {
    %c0_i32 = arith.constant 0 : i32
    %c0_i32_0 = arith.constant 0 : i32
    %c0_i32_1 = arith.constant 0 : i32
    return %c0_i32, %c0_i32_0 : i32, i32
  }
}

module attributes {stable_mosaic.version = 14 : i64} {
  func.func @_nem_matmul_body(%arg0: i32, %arg1: memref<256x8192xf32, #tpu.memory_space<vmem>>, %arg2: memref<8192x272xbf16, #tpu.memory_space<vmem>>, %arg3: memref<256x272xf32, #tpu.memory_space<vmem>>) attributes {dimension_semantics = [#tpu.dimension_semantics<arbitrary>], iteration_bounds = array<i64: 8>, scalar_prefetch = 0 : i64, scratch_operands = 0 : i64, tpu.core_type = #tpu.core_type<tc>, window_params = [{transform_indices = @transform_0, window_bounds = array<i64: 256, 8192>}, {pipeline_mode = #tpu.pipeline_mode<synchronous>, transform_indices = @transform_1, window_bounds = array<i64: 8192, 272>}, {transform_indices = @transform_2, window_bounds = array<i64: 256, 272>}]} {
    %get3A = arith.constant 0 : index
    %get3A_0 = arith.constant 0 : index
    %get3A_1 = vector.load %arg1[%get3A, %get3A_0] : memref<256x8192xf32, #tpu.memory_space<vmem>>, vector<256x8192xf32>
    %convert_element_type3A = arith.truncf %get3A_1 : vector<256x8192xf32> to vector<256x8192xbf16>
    %get3A_2 = arith.constant 0 : index
    %get3A_3 = arith.constant 0 : index
    %get3A_4 = vector.load %arg2[%get3A_2, %get3A_3] : memref<8192x272xbf16, #tpu.memory_space<vmem>>, vector<8192x272xbf16>
    %dot_general3A = arith.constant dense<0.000000e+00> : vector<256x272xf32>
    %dot_general3A_5 = tpu.matmul %convert_element_type3A, %get3A_4, %dot_general3A {dimension_numbers = #tpu.dot_dimension_numbers<[1], [0], [0], [1], [0, 0, 1, 1], [], []>, transpose_lhs_hint = false} : vector<256x8192xbf16>, vector<8192x272xbf16>, vector<256x272xf32> -> vector<256x272xf32>
    %swap3A = arith.constant 0 : index
    %swap3A_6 = arith.constant 0 : index
    %swap3A_7 = vector.load %arg3[%swap3A, %swap3A_6] : memref<256x272xf32, #tpu.memory_space<vmem>>, vector<256x272xf32>
    tpu.vector_store %arg3[%swap3A, %swap3A_6], %dot_general3A_5 {strides = array<i32>} : memref<256x272xf32, #tpu.memory_space<vmem>>, vector<256x272xf32>,
    return
  }
  func.func @transform_0(%arg0: i32) -> (i32, i32) {
    %c0_i32 = arith.constant 0 : i32
    %c0_i32_0 = arith.constant 0 : i32
    return %arg0, %c0_i32 : i32, i32
  }
  func.func @transform_1(%arg0: i32) -> (i32, i32) {
    %c0_i32 = arith.constant 0 : i32
    %c0_i32_0 = arith.constant 0 : i32
    %c0_i32_1 = arith.constant 0 : i32
    return %c0_i32, %c0_i32_0 : i32, i32
  }
  func.func @transform_2(%arg0: i32) -> (i32, i32) {
    %c0_i32 = arith.constant 0 : i32
    %c0_i32_0 = arith.constant 0 : i32
    return %arg0, %c0_i32 : i32, i32
  }
}

module attributes {stable_mosaic.version = 14 : i64} {
  func.func @_update_body(%arg0: i32, %arg1: memref<256x272xf32, #tpu.memory_space<vmem>>, %arg2: memref<256x256xf32, #tpu.memory_space<vmem>>, %arg3: memref<1x256xf32, #tpu.memory_space<vmem>>, %arg4: memref<256x768xf32, #tpu.memory_space<vmem>>, %arg5: memref<256x768xf32, #tpu.memory_space<vmem>>, %arg6: memref<1x768xf32, #tpu.memory_space<vmem>>, %arg7: memref<1x768xf32, #tpu.memory_space<vmem>>, %arg8: memref<256x256xf32, #tpu.memory_space<vmem>>) attributes {dimension_semantics = [#tpu.dimension_semantics<arbitrary>], iteration_bounds = array<i64: 8>, scalar_prefetch = 0 : i64, scratch_operands = 0 : i64, tpu.core_type = #tpu.core_type<tc>, window_params = [{transform_indices = @transform_0, window_bounds = array<i64: 256, 272>}, {transform_indices = @transform_1, window_bounds = array<i64: 256, 256>}, {pipeline_mode = #tpu.pipeline_mode<synchronous>, transform_indices = @transform_2, window_bounds = array<i64: 1, 256>}, {pipeline_mode = #tpu.pipeline_mode<synchronous>, transform_indices = @transform_3, window_bounds = array<i64: 256, 768>}, {pipeline_mode = #tpu.pipeline_mode<synchronous>, transform_indices = @transform_4, window_bounds = array<i64: 256, 768>}, {pipeline_mode = #tpu.pipeline_mode<synchronous>, transform_indices = @transform_5, window_bounds = array<i64: 1, 768>}, {pipeline_mode = #tpu.pipeline_mode<synchronous>, transform_indices = @transform_6, window_bounds = array<i64: 1, 768>}, {transform_indices = @transform_7, window_bounds = array<i64: 256, 256>}]} {
    %get3A = arith.constant 0 : index
    %get3A_0 = arith.constant 0 : index
    %get3A_1 = vector.load %arg1[%get3A, %get3A_0] : memref<256x272xf32, #tpu.memory_space<vmem>>, vector<256x272xf32>
    %slice3A = vector.extract_strided_slice %get3A_1 {offsets = [0, 0], sizes = [256, 256], strides = [1, 1]} : vector<256x272xf32> to vector<256x256xf32>
    %slice3A_2 = vector.extract_strided_slice %get3A_1 {offsets = [0, 256], sizes = [256, 1], strides = [1, 1]} : vector<256x272xf32> to vector<256x1xf32>
    %gt3A = arith.constant 0.000000e+00 : f32
    %gt3A_3 = vector.broadcast %gt3A : f32 to vector<256x1xf32>
    %gt3A_4 = arith.cmpf ogt, %slice3A_2, %gt3A_3 : vector<256x1xf32>
    %div3A = vector.broadcast %slice3A_2 : vector<256x1xf32> to vector<256x256xf32>
    %div3A_5 = arith.divf %slice3A, %div3A : vector<256x256xf32>
    %get3A_6 = arith.constant 0 : index
    %get3A_7 = arith.constant 0 : index
    %get3A_8 = vector.load %arg3[%get3A_6, %get3A_7] : memref<1x256xf32, #tpu.memory_space<vmem>>, vector<1x256xf32>
    %mul3A = arith.constant 1.22070313E-4 : f32
    %mul3A_9 = vector.broadcast %mul3A : f32 to vector<1x256xf32>
    %mul3A_10 = arith.mulf %get3A_8, %mul3A_9 : vector<1x256xf32>
    %broadcast_in_dim3A = vector.shape_cast %gt3A_4 : vector<256x1xi1> to vector<256x1xi1>
    %broadcast_in_dim3A_11 = vector.broadcast %broadcast_in_dim3A : vector<256x1xi1> to vector<256x256xi1>
    %broadcast_in_dim3A_12 = vector.shape_cast %mul3A_10 : vector<1x256xf32> to vector<1x256xf32>
    %broadcast_in_dim3A_13 = vector.broadcast %broadcast_in_dim3A_12 : vector<1x256xf32> to vector<256x256xf32>
    %select_n3A = arith.select %broadcast_in_dim3A_11, %div3A_5, %broadcast_in_dim3A_13 : vector<256x256xi1>, vector<256x256xf32>
    %get3A_14 = arith.constant 0 : index
    %get3A_15 = arith.constant 0 : index
    %get3A_16 = vector.load %arg2[%get3A_14, %get3A_15] : memref<256x256xf32, #tpu.memory_space<vmem>>, vector<256x256xf32>
    %get3A_17 = arith.constant 0 : index
    %get3A_18 = arith.constant 0 : index
    %get3A_19 = vector.load %arg4[%get3A_17, %get3A_18] : memref<256x768xf32, #tpu.memory_space<vmem>>, vector<256x768xf32>
    %get3A_20 = arith.constant 0 : index
    %get3A_21 = arith.constant 0 : index
    %get3A_22 = vector.load %arg5[%get3A_20, %get3A_21] : memref<256x768xf32, #tpu.memory_space<vmem>>, vector<256x768xf32>
    %get3A_23 = arith.constant 0 : index
    %get3A_24 = arith.constant 0 : index
    %get3A_25 = vector.load %arg6[%get3A_23, %get3A_24] : memref<1x768xf32, #tpu.memory_space<vmem>>, vector<1x768xf32>
    %get3A_26 = arith.constant 0 : index
    %get3A_27 = arith.constant 0 : index
    %get3A_28 = vector.load %arg7[%get3A_26, %get3A_27] : memref<1x768xf32, #tpu.memory_space<vmem>>, vector<1x768xf32>
    %dot_general3A = arith.constant dense<0.000000e+00> : vector<256x768xf32>
    %dot_general3A_29 = tpu.matmul %select_n3A, %get3A_19, %dot_general3A {dimension_numbers = #tpu.dot_dimension_numbers<[1], [0], [0], [1], [0, 0, 1, 1], [], []>, transpose_lhs_hint = false} : vector<256x256xf32>, vector<256x768xf32>, vector<256x768xf32> -> vector<256x768xf32>
    %add3A = vector.broadcast %get3A_25 : vector<1x768xf32> to vector<256x768xf32>
    %add3A_30 = arith.addf %dot_general3A_29, %add3A : vector<256x768xf32>
    %dot_general3A_31 = arith.constant dense<0.000000e+00> : vector<256x768xf32>
    %dot_general3A_32 = tpu.matmul %get3A_16, %get3A_22, %dot_general3A_31 {dimension_numbers = #tpu.dot_dimension_numbers<[1], [0], [0], [1], [0, 0, 1, 1], [], []>, transpose_lhs_hint = false} : vector<256x256xf32>, vector<256x768xf32>, vector<256x768xf32> -> vector<256x768xf32>
    %add3A_33 = vector.broadcast %get3A_28 : vector<1x768xf32> to vector<256x768xf32>
    %add3A_34 = arith.addf %dot_general3A_32, %add3A_33 : vector<256x768xf32>
    %slice3A_35 = vector.extract_strided_slice %add3A_30 {offsets = [0, 0], sizes = [256, 256], strides = [1, 1]} : vector<256x768xf32> to vector<256x256xf32>
    %slice3A_36 = vector.extract_strided_slice %add3A_34 {offsets = [0, 0], sizes = [256, 256], strides = [1, 1]} : vector<256x768xf32> to vector<256x256xf32>
    %add3A_37 = arith.addf %slice3A_35, %slice3A_36 : vector<256x256xf32>
    %logistic3A = arith.negf %add3A_37 : vector<256x256xf32>
    %logistic3A_38 = math.exp %logistic3A : vector<256x256xf32>
    %logistic3A_39 = arith.constant 1.000000e+00 : f32
    %logistic3A_40 = vector.broadcast %logistic3A_39 : f32 to vector<256x256xf32>
    %logistic3A_41 = arith.addf %logistic3A_40, %logistic3A_38 : vector<256x256xf32>
    %logistic3A_42 = arith.divf %logistic3A_40, %logistic3A_41 : vector<256x256xf32>
    %slice3A_43 = vector.extract_strided_slice %add3A_30 {offsets = [0, 256], sizes = [256, 256], strides = [1, 1]} : vector<256x768xf32> to vector<256x256xf32>
    %slice3A_44 = vector.extract_strided_slice %add3A_34 {offsets = [0, 256], sizes = [256, 256], strides = [1, 1]} : vector<256x768xf32> to vector<256x256xf32>
    %add3A_45 = arith.addf %slice3A_43, %slice3A_44 : vector<256x256xf32>
    %logistic3A_46 = arith.negf %add3A_45 : vector<256x256xf32>
    %logistic3A_47 = math.exp %logistic3A_46 : vector<256x256xf32>
    %logistic3A_48 = arith.constant 1.000000e+00 : f32
    %logistic3A_49 = vector.broadcast %logistic3A_48 : f32 to vector<256x256xf32>
    %logistic3A_50 = arith.addf %logistic3A_49, %logistic3A_47 : vector<256x256xf32>
    %logistic3A_51 = arith.divf %logistic3A_49, %logistic3A_50 : vector<256x256xf32>
    %slice3A_52 = vector.extract_strided_slice %add3A_30 {offsets = [0, 512], sizes = [256, 256], strides = [1, 1]} : vector<256x768xf32> to vector<256x256xf32>
    %slice3A_53 = vector.extract_strided_slice %add3A_34 {offsets = [0, 512], sizes = [256, 256], strides = [1, 1]} : vector<256x768xf32> to vector<256x256xf32>
    %mul3A_54 = arith.mulf %logistic3A_42, %slice3A_53 : vector<256x256xf32>
    %add3A_55 = arith.addf %slice3A_52, %mul3A_54 : vector<256x256xf32>
    %tanh3A = math.tanh %add3A_55 : vector<256x256xf32>
    %sub3A = arith.constant 1.000000e+00 : f32
    %sub3A_56 = vector.broadcast %sub3A : f32 to vector<256x256xf32>
    %sub3A_57 = arith.subf %sub3A_56, %logistic3A_51 : vector<256x256xf32>
    %mul3A_58 = arith.mulf %sub3A_57, %tanh3A : vector<256x256xf32>
    %mul3A_59 = arith.mulf %logistic3A_51, %get3A_16 : vector<256x256xf32>
    %add3A_60 = arith.addf %mul3A_58, %mul3A_59 : vector<256x256xf32>
    %max3A = arith.constant 0.000000e+00 : f32
    %max3A_61 = vector.broadcast %max3A : f32 to vector<256x256xf32>
    %max3A_62 = arith.maximumf %add3A_60, %max3A_61 : vector<256x256xf32>
    %swap3A = arith.constant 0 : index
    %swap3A_63 = arith.constant 0 : index
    %swap3A_64 = vector.load %arg8[%swap3A, %swap3A_63] : memref<256x256xf32, #tpu.memory_space<vmem>>, vector<256x256xf32>
    tpu.vector_store %arg8[%swap3A, %swap3A_63], %max3A_62 {strides = array<i32>} : memref<256x256xf32, #tpu.memory_space<vmem>>, vector<256x256xf32>,
    return
  }
  func.func @transform_0(%arg0: i32) -> (i32, i32) {
    %c0_i32 = arith.constant 0 : i32
    %c0_i32_0 = arith.constant 0 : i32
    return %arg0, %c0_i32 : i32, i32
  }
  func.func @transform_1(%arg0: i32) -> (i32, i32) {
    %c0_i32 = arith.constant 0 : i32
    %c0_i32_0 = arith.constant 0 : i32
    return %arg0, %c0_i32 : i32, i32
  }
  func.func @transform_2(%arg0: i32) -> (i32, i32) {
    %c0_i32 = arith.constant 0 : i32
    %c0_i32_0 = arith.constant 0 : i32
    %c0_i32_1 = arith.constant 0 : i32
    return %c0_i32, %c0_i32_0 : i32, i32
  }
  func.func @transform_3(%arg0: i32) -> (i32, i32) {
    %c0_i32 = arith.constant 0 : i32
    %c0_i32_0 = arith.constant 0 : i32
    %c0_i32_1 = arith.constant 0 : i32
    return %c0_i32, %c0_i32_0 : i32, i32
  }
  func.func @transform_4(%arg0: i32) -> (i32, i32) {
    %c0_i32 = arith.constant 0 : i32
    %c0_i32_0 = arith.constant 0 : i32
    %c0_i32_1 = arith.constant 0 : i32
    return %c0_i32, %c0_i32_0 : i32, i32
  }
  func.func @transform_5(%arg0: i32) -> (i32, i32) {
    %c0_i32 = arith.constant 0 : i32
    %c0_i32_0 = arith.constant 0 : i32
    %c0_i32_1 = arith.constant 0 : i32
    return %c0_i32, %c0_i32_0 : i32, i32
  }
  func.func @transform_6(%arg0: i32) -> (i32, i32) {
    %c0_i32 = arith.constant 0 : i32
    %c0_i32_0 = arith.constant 0 : i32
    %c0_i32_1 = arith.constant 0 : i32
    return %c0_i32, %c0_i32_0 : i32, i32
  }
  func.func @transform_7(%arg0: i32) -> (i32, i32) {
    %c0_i32 = arith.constant 0 : i32
    %c0_i32_0 = arith.constant 0 : i32
    return %arg0, %c0_i32 : i32, i32
  }
}

module attributes {stable_mosaic.version = 14 : i64} {
  func.func @_edge_fuse_body(%arg0: i32, %arg1: memref<512x384xf32, #tpu.memory_space<vmem>>, %arg2: memref<512x384xf32, #tpu.memory_space<vmem>>, %arg3: memref<512x128xf32, #tpu.memory_space<vmem>>, %arg4: memref<1x512xf32, #tpu.memory_space<vmem>>, %arg5: memref<128x384xf32, #tpu.memory_space<vmem>>, %arg6: memref<128x1xf32, #tpu.memory_space<vmem>>, %arg7: memref<1x384xf32, #tpu.memory_space<vmem>>, %arg8: memref<512x272xbf16, #tpu.memory_space<vmem>>, %arg9: memref<512x128xf32, #tpu.memory_space<vmem>>, %arg10: memref<1x256xf32, #tpu.memory_space<vmem>>) attributes {dimension_semantics = [#tpu.dimension_semantics<arbitrary>], iteration_bounds = array<i64: 16>, scalar_prefetch = 0 : i64, scratch_operands = 0 : i64, tpu.core_type = #tpu.core_type<tc>, window_params = [{transform_indices = @transform_0, window_bounds = array<i64: 512, 384>}, {transform_indices = @transform_1, window_bounds = array<i64: 512, 384>}, {transform_indices = @transform_2, window_bounds = array<i64: 512, 128>}, {transform_indices = @transform_3, window_bounds = array<i64: 1, 512>}, {pipeline_mode = #tpu.pipeline_mode<synchronous>, transform_indices = @transform_4, window_bounds = array<i64: 128, 384>}, {pipeline_mode = #tpu.pipeline_mode<synchronous>, transform_indices = @transform_5, window_bounds = array<i64: 128, 1>}, {pipeline_mode = #tpu.pipeline_mode<synchronous>, transform_indices = @transform_6, window_bounds = array<i64: 1, 384>}, {transform_indices = @transform_7, window_bounds = array<i64: 512, 272>}, {transform_indices = @transform_8, window_bounds = array<i64: 512, 128>}, {pipeline_mode = #tpu.pipeline_mode<synchronous>, transform_indices = @transform_9, window_bounds = array<i64: 1, 256>}]} {
    %get3A = arith.constant 0 : index
    %get3A_0 = arith.constant 0 : index
    %get3A_1 = vector.load %arg3[%get3A, %get3A_0] : memref<512x128xf32, #tpu.memory_space<vmem>>, vector<512x128xf32>
    %get3A_2 = arith.constant 0 : index
    %get3A_3 = arith.constant 0 : index
    %get3A_4 = vector.load %arg1[%get3A_2, %get3A_3] : memref<512x384xf32, #tpu.memory_space<vmem>>, vector<512x384xf32>
    %get3A_5 = arith.constant 0 : index
    %get3A_6 = arith.constant 0 : index
    %get3A_7 = vector.load %arg2[%get3A_5, %get3A_6] : memref<512x384xf32, #tpu.memory_space<vmem>>, vector<512x384xf32>
    %add3A = arith.addf %get3A_4, %get3A_7 : vector<512x384xf32>
    %get3A_8 = arith.constant 0 : index
    %get3A_9 = arith.constant 0 : index
    %get3A_10 = vector.load %arg5[%get3A_8, %get3A_9] : memref<128x384xf32, #tpu.memory_space<vmem>>, vector<128x384xf32>
    %dot_general3A = arith.constant dense<0.000000e+00> : vector<512x384xf32>
    %dot_general3A_11 = tpu.matmul %get3A_1, %get3A_10, %dot_general3A {dimension_numbers = #tpu.dot_dimension_numbers<[1], [0], [0], [1], [0, 0, 1, 1], [], []>, transpose_lhs_hint = false} : vector<512x128xf32>, vector<128x384xf32>, vector<512x384xf32> -> vector<512x384xf32>
    %add3A_12 = arith.addf %add3A, %dot_general3A_11 : vector<512x384xf32>
    %get3A_13 = arith.constant 0 : index
    %get3A_14 = arith.constant 0 : index
    %get3A_15 = vector.load %arg7[%get3A_13, %get3A_14] : memref<1x384xf32, #tpu.memory_space<vmem>>, vector<1x384xf32>
    %add3A_16 = vector.broadcast %get3A_15 : vector<1x384xf32> to vector<512x384xf32>
    %add3A_17 = arith.addf %add3A_12, %add3A_16 : vector<512x384xf32>
    %slice3A = vector.extract_strided_slice %add3A_17 {offsets = [0, 0], sizes = [512, 256], strides = [1, 1]} : vector<512x384xf32> to vector<512x256xf32>
    %ge3A = arith.constant 0.000000e+00 : f32
    %ge3A_18 = vector.broadcast %ge3A : f32 to vector<512x256xf32>
    %ge3A_19 = arith.cmpf oge, %slice3A, %ge3A_18 : vector<512x256xf32>
    %mul3A = arith.constant 0.00999999977 : f32
    %mul3A_20 = vector.broadcast %mul3A : f32 to vector<512x256xf32>
    %mul3A_21 = arith.mulf %mul3A_20, %slice3A : vector<512x256xf32>
    %select_n3A = arith.select %ge3A_19, %slice3A, %mul3A_21 : vector<512x256xi1>, vector<512x256xf32>
    %slice3A_22 = vector.extract_strided_slice %add3A_17 {offsets = [0, 256], sizes = [512, 128], strides = [1, 1]} : vector<512x384xf32> to vector<512x128xf32>
    %ge3A_23 = arith.constant 0.000000e+00 : f32
    %ge3A_24 = vector.broadcast %ge3A_23 : f32 to vector<512x128xf32>
    %ge3A_25 = arith.cmpf oge, %slice3A_22, %ge3A_24 : vector<512x128xf32>
    %mul3A_26 = arith.constant 0.00999999977 : f32
    %mul3A_27 = vector.broadcast %mul3A_26 : f32 to vector<512x128xf32>
    %mul3A_28 = arith.mulf %mul3A_27, %slice3A_22 : vector<512x128xf32>
    %select_n3A_29 = arith.select %ge3A_25, %slice3A_22, %mul3A_28 : vector<512x128xi1>, vector<512x128xf32>
    %swap3A = arith.constant 0 : index
    %swap3A_30 = arith.constant 0 : index
    %swap3A_31 = vector.load %arg9[%swap3A, %swap3A_30] : memref<512x128xf32, #tpu.memory_space<vmem>>, vector<512x128xf32>
    tpu.vector_store %arg9[%swap3A, %swap3A_30], %select_n3A_29 {strides = array<i32>} : memref<512x128xf32, #tpu.memory_space<vmem>>, vector<512x128xf32>,
    %get3A_32 = arith.constant 0 : index
    %get3A_33 = arith.constant 0 : index
    %get3A_34 = vector.load %arg4[%get3A_32, %get3A_33] : memref<1x512xf32, #tpu.memory_space<vmem>>, vector<1x512xf32>
    %reshape3A = vector.shape_cast %get3A_34 : vector<1x512xf32> to vector<512x1xf32>
    %get3A_35 = arith.constant 0 : index
    %get3A_36 = arith.constant 0 : index
    %get3A_37 = vector.load %arg6[%get3A_35, %get3A_36] : memref<128x1xf32, #tpu.memory_space<vmem>>, vector<128x1xf32>
    %dot_general3A_38 = arith.constant dense<0.000000e+00> : vector<512x1xf32>
    %dot_general3A_39 = tpu.matmul %get3A_1, %get3A_37, %dot_general3A_38 {dimension_numbers = #tpu.dot_dimension_numbers<[1], [0], [0], [1], [0, 0, 1, 1], [], []>, transpose_lhs_hint = false} : vector<512x128xf32>, vector<128x1xf32>, vector<512x1xf32> -> vector<512x1xf32>
    %add3A_40 = arith.addf %reshape3A, %dot_general3A_39 : vector<512x1xf32>
    %exp3A = math.exp %add3A_40 : vector<512x1xf32>
    %mul3A_41 = vector.broadcast %exp3A : vector<512x1xf32> to vector<512x256xf32>
    %mul3A_42 = arith.mulf %mul3A_41, %select_n3A : vector<512x256xf32>
    %broadcast_in_dim3A = arith.constant 0.000000e+00 : f32
    %broadcast_in_dim3A_43 = vector.broadcast %broadcast_in_dim3A : f32 to vector<512x15xf32>
    %concatenate3A = tpu.concatenate %mul3A_42, %exp3A, %broadcast_in_dim3A_43 in 1 : vector<512x256xf32>, vector<512x1xf32>, vector<512x15xf32> -> vector<512x272xf32>
    %convert_element_type3A = arith.truncf %concatenate3A : vector<512x272xf32> to vector<512x272xbf16>
    %swap3A_44 = arith.constant 0 : index
    %swap3A_45 = arith.constant 0 : index
    %swap3A_46 = vector.load %arg8[%swap3A_44, %swap3A_45] : memref<512x272xbf16, #tpu.memory_space<vmem>>, vector<512x272xbf16>
    tpu.vector_store %arg8[%swap3A_44, %swap3A_45], %convert_element_type3A {strides = array<i32>} : memref<512x272xbf16, #tpu.memory_space<vmem>>, vector<512x272xbf16>,
    %eq3A = arith.constant 0 : i32
    %eq3A_47 = arith.cmpi eq, %arg0, %eq3A : i32
    %convert_element_type3A_48 = arith.extui %eq3A_47 : i1 to i32
    %cond3A = arith.constant 0 : i32
    %cond3A_49 = arith.cmpi ne, %convert_element_type3A_48, %cond3A : i32
    scf.if %cond3A_49 {
      %broadcast_in_dim3A_59 = arith.constant 0.000000e+00 : f32
      %broadcast_in_dim3A_60 = vector.broadcast %broadcast_in_dim3A_59 : f32 to vector<1x256xf32>
      %swap3A_61 = arith.constant 0 : index
      %swap3A_62 = arith.constant 0 : index
      %swap3A_63 = vector.load %arg10[%swap3A_61, %swap3A_62] : memref<1x256xf32, #tpu.memory_space<vmem>>, vector<1x256xf32>
      tpu.vector_store %arg10[%swap3A_61, %swap3A_62], %broadcast_in_dim3A_60 {strides = array<i32>} : memref<1x256xf32, #tpu.memory_space<vmem>>, vector<1x256xf32>,
    } else {
    }
    %get3A_50 = arith.constant 0 : index
    %get3A_51 = arith.constant 0 : index
    %get3A_52 = vector.load %arg10[%get3A_50, %get3A_51] : memref<1x256xf32, #tpu.memory_space<vmem>>, vector<1x256xf32>
    %reduce_sum3A = arith.constant dense<0.000000e+00> : vector<256xf32>
    %reduce_sum3A_53 = vector.multi_reduction <add>, %select_n3A, %reduce_sum3A [0] : vector<512x256xf32> to vector<256xf32>
    %broadcast_in_dim3A_54 = vector.shape_cast %reduce_sum3A_53 : vector<256xf32> to vector<1x256xf32>
    %add3A_55 = arith.addf %get3A_52, %broadcast_in_dim3A_54 : vector<1x256xf32>
    %swap3A_56 = arith.constant 0 : index
    %swap3A_57 = arith.constant 0 : index
    %swap3A_58 = vector.load %arg10[%swap3A_56, %swap3A_57] : memref<1x256xf32, #tpu.memory_space<vmem>>, vector<1x256xf32>
    tpu.vector_store %arg10[%swap3A_56, %swap3A_57], %add3A_55 {strides = array<i32>} : memref<1x256xf32, #tpu.memory_space<vmem>>, vector<1x256xf32>,
    return
  }
  func.func @transform_0(%arg0: i32) -> (i32, i32) {
    %c0_i32 = arith.constant 0 : i32
    %c0_i32_0 = arith.constant 0 : i32
    return %arg0, %c0_i32 : i32, i32
  }
  func.func @transform_1(%arg0: i32) -> (i32, i32) {
    %add3A = arith.constant 16 : i32
    %add3A_0 = arith.addi %arg0, %add3A : i32
    %c0_i32 = arith.constant 0 : i32
    %c0_i32_1 = arith.constant 0 : i32
    return %add3A_0, %c0_i32 : i32, i32
  }
  func.func @transform_2(%arg0: i32) -> (i32, i32) {
    %c0_i32 = arith.constant 0 : i32
    %c0_i32_0 = arith.constant 0 : i32
    return %arg0, %c0_i32 : i32, i32
  }
  func.func @transform_3(%arg0: i32) -> (i32, i32) {
    %c0_i32 = arith.constant 0 : i32
    %c0_i32_0 = arith.constant 0 : i32
    return %c0_i32, %arg0 : i32, i32
  }
  func.func @transform_4(%arg0: i32) -> (i32, i32) {
    %c0_i32 = arith.constant 0 : i32
    %c0_i32_0 = arith.constant 0 : i32
    %c0_i32_1 = arith.constant 0 : i32
    return %c0_i32, %c0_i32_0 : i32, i32
  }
  func.func @transform_5(%arg0: i32) -> (i32, i32) {
    %c0_i32 = arith.constant 0 : i32
    %c0_i32_0 = arith.constant 0 : i32
    %c0_i32_1 = arith.constant 0 : i32
    return %c0_i32, %c0_i32_0 : i32, i32
  }
  func.func @transform_6(%arg0: i32) -> (i32, i32) {
    %c0_i32 = arith.constant 0 : i32
    %c0_i32_0 = arith.constant 0 : i32
    %c0_i32_1 = arith.constant 0 : i32
    return %c0_i32, %c0_i32_0 : i32, i32
  }
  func.func @transform_7(%arg0: i32) -> (i32, i32) {
    %c0_i32 = arith.constant 0 : i32
    %c0_i32_0 = arith.constant 0 : i32
    return %arg0, %c0_i32 : i32, i32
  }
  func.func @transform_8(%arg0: i32) -> (i32, i32) {
    %c0_i32 = arith.constant 0 : i32
    %c0_i32_0 = arith.constant 0 : i32
    return %arg0, %c0_i32 : i32, i32
  }
  func.func @transform_9(%arg0: i32) -> (i32, i32) {
    %c0_i32 = arith.constant 0 : i32
    %c0_i32_0 = arith.constant 0 : i32
    %c0_i32_1 = arith.constant 0 : i32
    return %c0_i32, %c0_i32_0 : i32, i32
  }
}

module attributes {stable_mosaic.version = 14 : i64} {
  func.func @_update_body(%arg0: i32, %arg1: memref<256x272xf32, #tpu.memory_space<vmem>>, %arg2: memref<256x256xf32, #tpu.memory_space<vmem>>, %arg3: memref<1x256xf32, #tpu.memory_space<vmem>>, %arg4: memref<256x768xf32, #tpu.memory_space<vmem>>, %arg5: memref<256x768xf32, #tpu.memory_space<vmem>>, %arg6: memref<1x768xf32, #tpu.memory_space<vmem>>, %arg7: memref<1x768xf32, #tpu.memory_space<vmem>>, %arg8: memref<256x256xf32, #tpu.memory_space<vmem>>) attributes {dimension_semantics = [#tpu.dimension_semantics<arbitrary>], iteration_bounds = array<i64: 8>, scalar_prefetch = 0 : i64, scratch_operands = 0 : i64, tpu.core_type = #tpu.core_type<tc>, window_params = [{transform_indices = @transform_0, window_bounds = array<i64: 256, 272>}, {transform_indices = @transform_1, window_bounds = array<i64: 256, 256>}, {pipeline_mode = #tpu.pipeline_mode<synchronous>, transform_indices = @transform_2, window_bounds = array<i64: 1, 256>}, {pipeline_mode = #tpu.pipeline_mode<synchronous>, transform_indices = @transform_3, window_bounds = array<i64: 256, 768>}, {pipeline_mode = #tpu.pipeline_mode<synchronous>, transform_indices = @transform_4, window_bounds = array<i64: 256, 768>}, {pipeline_mode = #tpu.pipeline_mode<synchronous>, transform_indices = @transform_5, window_bounds = array<i64: 1, 768>}, {pipeline_mode = #tpu.pipeline_mode<synchronous>, transform_indices = @transform_6, window_bounds = array<i64: 1, 768>}, {transform_indices = @transform_7, window_bounds = array<i64: 256, 256>}]} {
    %get3A = arith.constant 0 : index
    %get3A_0 = arith.constant 0 : index
    %get3A_1 = vector.load %arg1[%get3A, %get3A_0] : memref<256x272xf32, #tpu.memory_space<vmem>>, vector<256x272xf32>
    %slice3A = vector.extract_strided_slice %get3A_1 {offsets = [0, 0], sizes = [256, 256], strides = [1, 1]} : vector<256x272xf32> to vector<256x256xf32>
    %slice3A_2 = vector.extract_strided_slice %get3A_1 {offsets = [0, 256], sizes = [256, 1], strides = [1, 1]} : vector<256x272xf32> to vector<256x1xf32>
    %gt3A = arith.constant 0.000000e+00 : f32
    %gt3A_3 = vector.broadcast %gt3A : f32 to vector<256x1xf32>
    %gt3A_4 = arith.cmpf ogt, %slice3A_2, %gt3A_3 : vector<256x1xf32>
    %div3A = vector.broadcast %slice3A_2 : vector<256x1xf32> to vector<256x256xf32>
    %div3A_5 = arith.divf %slice3A, %div3A : vector<256x256xf32>
    %get3A_6 = arith.constant 0 : index
    %get3A_7 = arith.constant 0 : index
    %get3A_8 = vector.load %arg3[%get3A_6, %get3A_7] : memref<1x256xf32, #tpu.memory_space<vmem>>, vector<1x256xf32>
    %mul3A = arith.constant 1.22070313E-4 : f32
    %mul3A_9 = vector.broadcast %mul3A : f32 to vector<1x256xf32>
    %mul3A_10 = arith.mulf %get3A_8, %mul3A_9 : vector<1x256xf32>
    %broadcast_in_dim3A = vector.shape_cast %gt3A_4 : vector<256x1xi1> to vector<256x1xi1>
    %broadcast_in_dim3A_11 = vector.broadcast %broadcast_in_dim3A : vector<256x1xi1> to vector<256x256xi1>
    %broadcast_in_dim3A_12 = vector.shape_cast %mul3A_10 : vector<1x256xf32> to vector<1x256xf32>
    %broadcast_in_dim3A_13 = vector.broadcast %broadcast_in_dim3A_12 : vector<1x256xf32> to vector<256x256xf32>
    %select_n3A = arith.select %broadcast_in_dim3A_11, %div3A_5, %broadcast_in_dim3A_13 : vector<256x256xi1>, vector<256x256xf32>
    %get3A_14 = arith.constant 0 : index
    %get3A_15 = arith.constant 0 : index
    %get3A_16 = vector.load %arg2[%get3A_14, %get3A_15] : memref<256x256xf32, #tpu.memory_space<vmem>>, vector<256x256xf32>
    %get3A_17 = arith.constant 0 : index
    %get3A_18 = arith.constant 0 : index
    %get3A_19 = vector.load %arg4[%get3A_17, %get3A_18] : memref<256x768xf32, #tpu.memory_space<vmem>>, vector<256x768xf32>
    %get3A_20 = arith.constant 0 : index
    %get3A_21 = arith.constant 0 : index
    %get3A_22 = vector.load %arg5[%get3A_20, %get3A_21] : memref<256x768xf32, #tpu.memory_space<vmem>>, vector<256x768xf32>
    %get3A_23 = arith.constant 0 : index
    %get3A_24 = arith.constant 0 : index
    %get3A_25 = vector.load %arg6[%get3A_23, %get3A_24] : memref<1x768xf32, #tpu.memory_space<vmem>>, vector<1x768xf32>
    %get3A_26 = arith.constant 0 : index
    %get3A_27 = arith.constant 0 : index
    %get3A_28 = vector.load %arg7[%get3A_26, %get3A_27] : memref<1x768xf32, #tpu.memory_space<vmem>>, vector<1x768xf32>
    %dot_general3A = arith.constant dense<0.000000e+00> : vector<256x768xf32>
    %dot_general3A_29 = tpu.matmul %select_n3A, %get3A_19, %dot_general3A {dimension_numbers = #tpu.dot_dimension_numbers<[1], [0], [0], [1], [0, 0, 1, 1], [], []>, transpose_lhs_hint = false} : vector<256x256xf32>, vector<256x768xf32>, vector<256x768xf32> -> vector<256x768xf32>
    %add3A = vector.broadcast %get3A_25 : vector<1x768xf32> to vector<256x768xf32>
    %add3A_30 = arith.addf %dot_general3A_29, %add3A : vector<256x768xf32>
    %dot_general3A_31 = arith.constant dense<0.000000e+00> : vector<256x768xf32>
    %dot_general3A_32 = tpu.matmul %get3A_16, %get3A_22, %dot_general3A_31 {dimension_numbers = #tpu.dot_dimension_numbers<[1], [0], [0], [1], [0, 0, 1, 1], [], []>, transpose_lhs_hint = false} : vector<256x256xf32>, vector<256x768xf32>, vector<256x768xf32> -> vector<256x768xf32>
    %add3A_33 = vector.broadcast %get3A_28 : vector<1x768xf32> to vector<256x768xf32>
    %add3A_34 = arith.addf %dot_general3A_32, %add3A_33 : vector<256x768xf32>
    %slice3A_35 = vector.extract_strided_slice %add3A_30 {offsets = [0, 0], sizes = [256, 256], strides = [1, 1]} : vector<256x768xf32> to vector<256x256xf32>
    %slice3A_36 = vector.extract_strided_slice %add3A_34 {offsets = [0, 0], sizes = [256, 256], strides = [1, 1]} : vector<256x768xf32> to vector<256x256xf32>
    %add3A_37 = arith.addf %slice3A_35, %slice3A_36 : vector<256x256xf32>
    %logistic3A = arith.negf %add3A_37 : vector<256x256xf32>
    %logistic3A_38 = math.exp %logistic3A : vector<256x256xf32>
    %logistic3A_39 = arith.constant 1.000000e+00 : f32
    %logistic3A_40 = vector.broadcast %logistic3A_39 : f32 to vector<256x256xf32>
    %logistic3A_41 = arith.addf %logistic3A_40, %logistic3A_38 : vector<256x256xf32>
    %logistic3A_42 = arith.divf %logistic3A_40, %logistic3A_41 : vector<256x256xf32>
    %slice3A_43 = vector.extract_strided_slice %add3A_30 {offsets = [0, 256], sizes = [256, 256], strides = [1, 1]} : vector<256x768xf32> to vector<256x256xf32>
    %slice3A_44 = vector.extract_strided_slice %add3A_34 {offsets = [0, 256], sizes = [256, 256], strides = [1, 1]} : vector<256x768xf32> to vector<256x256xf32>
    %add3A_45 = arith.addf %slice3A_43, %slice3A_44 : vector<256x256xf32>
    %logistic3A_46 = arith.negf %add3A_45 : vector<256x256xf32>
    %logistic3A_47 = math.exp %logistic3A_46 : vector<256x256xf32>
    %logistic3A_48 = arith.constant 1.000000e+00 : f32
    %logistic3A_49 = vector.broadcast %logistic3A_48 : f32 to vector<256x256xf32>
    %logistic3A_50 = arith.addf %logistic3A_49, %logistic3A_47 : vector<256x256xf32>
    %logistic3A_51 = arith.divf %logistic3A_49, %logistic3A_50 : vector<256x256xf32>
    %slice3A_52 = vector.extract_strided_slice %add3A_30 {offsets = [0, 512], sizes = [256, 256], strides = [1, 1]} : vector<256x768xf32> to vector<256x256xf32>
    %slice3A_53 = vector.extract_strided_slice %add3A_34 {offsets = [0, 512], sizes = [256, 256], strides = [1, 1]} : vector<256x768xf32> to vector<256x256xf32>
    %mul3A_54 = arith.mulf %logistic3A_42, %slice3A_53 : vector<256x256xf32>
    %add3A_55 = arith.addf %slice3A_52, %mul3A_54 : vector<256x256xf32>
    %tanh3A = math.tanh %add3A_55 : vector<256x256xf32>
    %sub3A = arith.constant 1.000000e+00 : f32
    %sub3A_56 = vector.broadcast %sub3A : f32 to vector<256x256xf32>
    %sub3A_57 = arith.subf %sub3A_56, %logistic3A_51 : vector<256x256xf32>
    %mul3A_58 = arith.mulf %sub3A_57, %tanh3A : vector<256x256xf32>
    %mul3A_59 = arith.mulf %logistic3A_51, %get3A_16 : vector<256x256xf32>
    %add3A_60 = arith.addf %mul3A_58, %mul3A_59 : vector<256x256xf32>
    %swap3A = arith.constant 0 : index
    %swap3A_61 = arith.constant 0 : index
    %swap3A_62 = vector.load %arg8[%swap3A, %swap3A_61] : memref<256x256xf32, #tpu.memory_space<vmem>>, vector<256x256xf32>
    tpu.vector_store %arg8[%swap3A, %swap3A_61], %add3A_60 {strides = array<i32>} : memref<256x256xf32, #tpu.memory_space<vmem>>, vector<256x256xf32>,
    return
  }
  func.func @transform_0(%arg0: i32) -> (i32, i32) {
    %c0_i32 = arith.constant 0 : i32
    %c0_i32_0 = arith.constant 0 : i32
    return %arg0, %c0_i32 : i32, i32
  }
  func.func @transform_1(%arg0: i32) -> (i32, i32) {
    %c0_i32 = arith.constant 0 : i32
    %c0_i32_0 = arith.constant 0 : i32
    return %arg0, %c0_i32 : i32, i32
  }
  func.func @transform_2(%arg0: i32) -> (i32, i32) {
    %c0_i32 = arith.constant 0 : i32
    %c0_i32_0 = arith.constant 0 : i32
    %c0_i32_1 = arith.constant 0 : i32
    return %c0_i32, %c0_i32_0 : i32, i32
  }
  func.func @transform_3(%arg0: i32) -> (i32, i32) {
    %c0_i32 = arith.constant 0 : i32
    %c0_i32_0 = arith.constant 0 : i32
    %c0_i32_1 = arith.constant 0 : i32
    return %c0_i32, %c0_i32_0 : i32, i32
  }
  func.func @transform_4(%arg0: i32) -> (i32, i32) {
    %c0_i32 = arith.constant 0 : i32
    %c0_i32_0 = arith.constant 0 : i32
    %c0_i32_1 = arith.constant 0 : i32
    return %c0_i32, %c0_i32_0 : i32, i32
  }
  func.func @transform_5(%arg0: i32) -> (i32, i32) {
    %c0_i32 = arith.constant 0 : i32
    %c0_i32_0 = arith.constant 0 : i32
    %c0_i32_1 = arith.constant 0 : i32
    return %c0_i32, %c0_i32_0 : i32, i32
  }
  func.func @transform_6(%arg0: i32) -> (i32, i32) {
    %c0_i32 = arith.constant 0 : i32
    %c0_i32_0 = arith.constant 0 : i32
    %c0_i32_1 = arith.constant 0 : i32
    return %c0_i32, %c0_i32_0 : i32, i32
  }
  func.func @transform_7(%arg0: i32) -> (i32, i32) {
    %c0_i32 = arith.constant 0 : i32
    %c0_i32_0 = arith.constant 0 : i32
    return %arg0, %c0_i32 : i32, i32
  }
}

module attributes {stable_mosaic.version = 14 : i64} {
  func.func @_readout_body(%arg0: memref<2048x256xf32, #tpu.memory_space<vmem>>, %arg1: memref<64x2048xf32, #tpu.memory_space<vmem>>, %arg2: memref<64x2048xf32, #tpu.memory_space<vmem>>, %arg3: memref<256x256xf32, #tpu.memory_space<vmem>>, %arg4: memref<1x256xf32, #tpu.memory_space<vmem>>, %arg5: memref<256x256xf32, #tpu.memory_space<vmem>>, %arg6: memref<1x256xf32, #tpu.memory_space<vmem>>, %arg7: memref<256x256xf32, #tpu.memory_space<vmem>>, %arg8: memref<1x256xf32, #tpu.memory_space<vmem>>, %arg9: memref<256x768xf32, #tpu.memory_space<vmem>>, %arg10: memref<256x768xf32, #tpu.memory_space<vmem>>, %arg11: memref<1x768xf32, #tpu.memory_space<vmem>>, %arg12: memref<1x768xf32, #tpu.memory_space<vmem>>, %arg13: memref<256x256xf32, #tpu.memory_space<vmem>>, %arg14: memref<1x256xf32, #tpu.memory_space<vmem>>, %arg15: memref<64x256xf32, #tpu.memory_space<vmem>>, %arg16: memref<64x2048xf32, #tpu.memory_space<vmem>>) attributes {dimension_semantics = [], scalar_prefetch = 0 : i64, scratch_operands = 0 : i64, tpu.core_type = #tpu.core_type<tc>} {
    %get3A = arith.constant 0 : index
    %get3A_0 = arith.constant 0 : index
    %get3A_1 = vector.load %arg0[%get3A, %get3A_0] : memref<2048x256xf32, #tpu.memory_space<vmem>>, vector<2048x256xf32>
    %get3A_2 = arith.constant 0 : index
    %get3A_3 = arith.constant 0 : index
    %get3A_4 = vector.load %arg1[%get3A_2, %get3A_3] : memref<64x2048xf32, #tpu.memory_space<vmem>>, vector<64x2048xf32>
    %get3A_5 = arith.constant 0 : index
    %get3A_6 = arith.constant 0 : index
    %get3A_7 = vector.load %arg2[%get3A_5, %get3A_6] : memref<64x2048xf32, #tpu.memory_space<vmem>>, vector<64x2048xf32>
    %reduce_sum3A = arith.constant dense<0.000000e+00> : vector<64xf32>
    %reduce_sum3A_8 = vector.multi_reduction <add>, %get3A_4, %reduce_sum3A [1] : vector<64x2048xf32> to vector<64xf32>
    %broadcast_in_dim3A = vector.shape_cast %reduce_sum3A_8 : vector<64xf32> to vector<64x1xf32>
    %jit3A = arith.constant 1.000000e+00 : f32
    %max3A = vector.broadcast %jit3A : f32 to vector<64x1xf32>
    %max3A_9 = arith.maximumf %max3A, %broadcast_in_dim3A : vector<64x1xf32>
    %dot_general3A = arith.constant dense<0.000000e+00> : vector<64x256xf32>
    %dot_general3A_10 = tpu.matmul %get3A_4, %get3A_1, %dot_general3A {dimension_numbers = #tpu.dot_dimension_numbers<[1], [0], [0], [1], [0, 0, 1, 1], [], []>, transpose_lhs_hint = false} : vector<64x2048xf32>, vector<2048x256xf32>, vector<64x256xf32> -> vector<64x256xf32>
    %div3A = vector.broadcast %max3A_9 : vector<64x1xf32> to vector<64x256xf32>
    %div3A_11 = arith.divf %dot_general3A_10, %div3A : vector<64x256xf32>
    %get3A_12 = arith.constant 0 : index
    %get3A_13 = arith.constant 0 : index
    %get3A_14 = vector.load %arg5[%get3A_12, %get3A_13] : memref<256x256xf32, #tpu.memory_space<vmem>>, vector<256x256xf32>
    %dot_general3A_15 = arith.constant dense<0.000000e+00> : vector<2048x256xf32>
    %dot_general3A_16 = tpu.matmul %get3A_1, %get3A_14, %dot_general3A_15 {dimension_numbers = #tpu.dot_dimension_numbers<[1], [0], [0], [1], [0, 0, 1, 1], [], []>, transpose_lhs_hint = false} : vector<2048x256xf32>, vector<256x256xf32>, vector<2048x256xf32> -> vector<2048x256xf32>
    %get3A_17 = arith.constant 0 : index
    %get3A_18 = arith.constant 0 : index
    %get3A_19 = vector.load %arg6[%get3A_17, %get3A_18] : memref<1x256xf32, #tpu.memory_space<vmem>>, vector<1x256xf32>
    %add3A = vector.broadcast %get3A_19 : vector<1x256xf32> to vector<2048x256xf32>
    %add3A_20 = arith.addf %dot_general3A_16, %add3A : vector<2048x256xf32>
    %get3A_21 = arith.constant 0 : index
    %get3A_22 = arith.constant 0 : index
    %get3A_23 = vector.load %arg7[%get3A_21, %get3A_22] : memref<256x256xf32, #tpu.memory_space<vmem>>, vector<256x256xf32>
    %dot_general3A_24 = arith.constant dense<0.000000e+00> : vector<2048x256xf32>
    %dot_general3A_25 = tpu.matmul %get3A_1, %get3A_23, %dot_general3A_24 {dimension_numbers = #tpu.dot_dimension_numbers<[1], [0], [0], [1], [0, 0, 1, 1], [], []>, transpose_lhs_hint = false} : vector<2048x256xf32>, vector<256x256xf32>, vector<2048x256xf32> -> vector<2048x256xf32>
    %get3A_26 = arith.constant 0 : index
    %get3A_27 = arith.constant 0 : index
    %get3A_28 = vector.load %arg8[%get3A_26, %get3A_27] : memref<1x256xf32, #tpu.memory_space<vmem>>, vector<1x256xf32>
    %add3A_29 = vector.broadcast %get3A_28 : vector<1x256xf32> to vector<2048x256xf32>
    %add3A_30 = arith.addf %dot_general3A_25, %add3A_29 : vector<2048x256xf32>
    %get3A_31 = arith.constant 0 : index
    %get3A_32 = arith.constant 0 : index
    %get3A_33 = vector.load %arg3[%get3A_31, %get3A_32] : memref<256x256xf32, #tpu.memory_space<vmem>>, vector<256x256xf32>
    %dot_general3A_34 = arith.constant dense<0.000000e+00> : vector<64x256xf32>
    %dot_general3A_35 = tpu.matmul %div3A_11, %get3A_33, %dot_general3A_34 {dimension_numbers = #tpu.dot_dimension_numbers<[1], [0], [0], [1], [0, 0, 1, 1], [], []>, transpose_lhs_hint = false} : vector<64x256xf32>, vector<256x256xf32>, vector<64x256xf32> -> vector<64x256xf32>
    %get3A_36 = arith.constant 0 : index
    %get3A_37 = arith.constant 0 : index
    %get3A_38 = vector.load %arg4[%get3A_36, %get3A_37] : memref<1x256xf32, #tpu.memory_space<vmem>>, vector<1x256xf32>
    %add3A_39 = vector.broadcast %get3A_38 : vector<1x256xf32> to vector<64x256xf32>
    %add3A_40 = arith.addf %dot_general3A_35, %add3A_39 : vector<64x256xf32>
    %dot_general3A_41 = arith.constant dense<0.000000e+00> : vector<64x2048xf32>
    %dot_general3A_42 = tpu.matmul %add3A_40, %add3A_20, %dot_general3A_41 {dimension_numbers = #tpu.dot_dimension_numbers<[1], [1], [0], [0], [0, 0, 1, 0], [], []>, transpose_lhs_hint = false} : vector<64x256xf32>, vector<2048x256xf32>, vector<64x2048xf32> -> vector<64x2048xf32>
    %mul3A = arith.constant 6.250000e-02 : f32
    %mul3A_43 = vector.broadcast %mul3A : f32 to vector<64x2048xf32>
    %mul3A_44 = arith.mulf %dot_general3A_42, %mul3A_43 : vector<64x2048xf32>
    %add3A_45 = arith.addf %mul3A_44, %get3A_7 : vector<64x2048xf32>
    %reduce_max3A = arith.constant dense<0xFF800000> : vector<64xf32>
    %reduce_max3A_46 = vector.multi_reduction <maximumf>, %add3A_45, %reduce_max3A [1] : vector<64x2048xf32> to vector<64xf32>
    %broadcast_in_dim3A_47 = vector.shape_cast %reduce_max3A_46 : vector<64xf32> to vector<64x1xf32>
    %sub3A = vector.broadcast %broadcast_in_dim3A_47 : vector<64x1xf32> to vector<64x2048xf32>
    %sub3A_48 = arith.subf %add3A_45, %sub3A : vector<64x2048xf32>
    %exp3A = math.exp %sub3A_48 : vector<64x2048xf32>
    %reduce_sum3A_49 = arith.constant dense<0.000000e+00> : vector<64xf32>
    %reduce_sum3A_50 = vector.multi_reduction <add>, %exp3A, %reduce_sum3A_49 [1] : vector<64x2048xf32> to vector<64xf32>
    %broadcast_in_dim3A_51 = vector.shape_cast %reduce_sum3A_50 : vector<64xf32> to vector<64x1xf32>
    %div3A_52 = vector.broadcast %broadcast_in_dim3A_51 : vector<64x1xf32> to vector<64x2048xf32>
    %div3A_53 = arith.divf %exp3A, %div3A_52 : vector<64x2048xf32>
    %dot_general3A_54 = arith.constant dense<0.000000e+00> : vector<64x256xf32>
    %dot_general3A_55 = tpu.matmul %div3A_53, %add3A_30, %dot_general3A_54 {dimension_numbers = #tpu.dot_dimension_numbers<[1], [0], [0], [1], [0, 0, 1, 1], [], []>, transpose_lhs_hint = false} : vector<64x2048xf32>, vector<2048x256xf32>, vector<64x256xf32> -> vector<64x256xf32>
    %get3A_56 = arith.constant 0 : index
    %get3A_57 = arith.constant 0 : index
    %get3A_58 = vector.load %arg9[%get3A_56, %get3A_57] : memref<256x768xf32, #tpu.memory_space<vmem>>, vector<256x768xf32>
    %get3A_59 = arith.constant 0 : index
    %get3A_60 = arith.constant 0 : index
    %get3A_61 = vector.load %arg10[%get3A_59, %get3A_60] : memref<256x768xf32, #tpu.memory_space<vmem>>, vector<256x768xf32>
    %get3A_62 = arith.constant 0 : index
    %get3A_63 = arith.constant 0 : index
    %get3A_64 = vector.load %arg11[%get3A_62, %get3A_63] : memref<1x768xf32, #tpu.memory_space<vmem>>, vector<1x768xf32>
    %get3A_65 = arith.constant 0 : index
    %get3A_66 = arith.constant 0 : index
    %get3A_67 = vector.load %arg12[%get3A_65, %get3A_66] : memref<1x768xf32, #tpu.memory_space<vmem>>, vector<1x768xf32>
    %dot_general3A_68 = arith.constant dense<0.000000e+00> : vector<64x768xf32>
    %dot_general3A_69 = tpu.matmul %dot_general3A_55, %get3A_58, %dot_general3A_68 {dimension_numbers = #tpu.dot_dimension_numbers<[1], [0], [0], [1], [0, 0, 1, 1], [], []>, transpose_lhs_hint = false} : vector<64x256xf32>, vector<256x768xf32>, vector<64x768xf32> -> vector<64x768xf32>
    %add3A_70 = vector.broadcast %get3A_64 : vector<1x768xf32> to vector<64x768xf32>
    %add3A_71 = arith.addf %dot_general3A_69, %add3A_70 : vector<64x768xf32>
    %dot_general3A_72 = arith.constant dense<0.000000e+00> : vector<64x768xf32>
    %dot_general3A_73 = tpu.matmul %div3A_11, %get3A_61, %dot_general3A_72 {dimension_numbers = #tpu.dot_dimension_numbers<[1], [0], [0], [1], [0, 0, 1, 1], [], []>, transpose_lhs_hint = false} : vector<64x256xf32>, vector<256x768xf32>, vector<64x768xf32> -> vector<64x768xf32>
    %add3A_74 = vector.broadcast %get3A_67 : vector<1x768xf32> to vector<64x768xf32>
    %add3A_75 = arith.addf %dot_general3A_73, %add3A_74 : vector<64x768xf32>
    %slice3A = vector.extract_strided_slice %add3A_71 {offsets = [0, 0], sizes = [64, 256], strides = [1, 1]} : vector<64x768xf32> to vector<64x256xf32>
    %slice3A_76 = vector.extract_strided_slice %add3A_75 {offsets = [0, 0], sizes = [64, 256], strides = [1, 1]} : vector<64x768xf32> to vector<64x256xf32>
    %add3A_77 = arith.addf %slice3A, %slice3A_76 : vector<64x256xf32>
    %logistic3A = arith.negf %add3A_77 : vector<64x256xf32>
    %logistic3A_78 = math.exp %logistic3A : vector<64x256xf32>
    %logistic3A_79 = arith.constant 1.000000e+00 : f32
    %logistic3A_80 = vector.broadcast %logistic3A_79 : f32 to vector<64x256xf32>
    %logistic3A_81 = arith.addf %logistic3A_80, %logistic3A_78 : vector<64x256xf32>
    %logistic3A_82 = arith.divf %logistic3A_80, %logistic3A_81 : vector<64x256xf32>
    %slice3A_83 = vector.extract_strided_slice %add3A_71 {offsets = [0, 256], sizes = [64, 256], strides = [1, 1]} : vector<64x768xf32> to vector<64x256xf32>
    %slice3A_84 = vector.extract_strided_slice %add3A_75 {offsets = [0, 256], sizes = [64, 256], strides = [1, 1]} : vector<64x768xf32> to vector<64x256xf32>
    %add3A_85 = arith.addf %slice3A_83, %slice3A_84 : vector<64x256xf32>
    %logistic3A_86 = arith.negf %add3A_85 : vector<64x256xf32>
    %logistic3A_87 = math.exp %logistic3A_86 : vector<64x256xf32>
    %logistic3A_88 = arith.constant 1.000000e+00 : f32
    %logistic3A_89 = vector.broadcast %logistic3A_88 : f32 to vector<64x256xf32>
    %logistic3A_90 = arith.addf %logistic3A_89, %logistic3A_87 : vector<64x256xf32>
    %logistic3A_91 = arith.divf %logistic3A_89, %logistic3A_90 : vector<64x256xf32>
    %slice3A_92 = vector.extract_strided_slice %add3A_71 {offsets = [0, 512], sizes = [64, 256], strides = [1, 1]} : vector<64x768xf32> to vector<64x256xf32>
    %slice3A_93 = vector.extract_strided_slice %add3A_75 {offsets = [0, 512], sizes = [64, 256], strides = [1, 1]} : vector<64x768xf32> to vector<64x256xf32>
    %mul3A_94 = arith.mulf %logistic3A_82, %slice3A_93 : vector<64x256xf32>
    %add3A_95 = arith.addf %slice3A_92, %mul3A_94 : vector<64x256xf32>
    %tanh3A = math.tanh %add3A_95 : vector<64x256xf32>
    %sub3A_96 = arith.constant 1.000000e+00 : f32
    %sub3A_97 = vector.broadcast %sub3A_96 : f32 to vector<64x256xf32>
    %sub3A_98 = arith.subf %sub3A_97, %logistic3A_91 : vector<64x256xf32>
    %mul3A_99 = arith.mulf %sub3A_98, %tanh3A : vector<64x256xf32>
    %mul3A_100 = arith.mulf %logistic3A_91, %div3A_11 : vector<64x256xf32>
    %add3A_101 = arith.addf %mul3A_99, %mul3A_100 : vector<64x256xf32>
    %get3A_102 = arith.constant 0 : index
    %get3A_103 = arith.constant 0 : index
    %get3A_104 = vector.load %arg3[%get3A_102, %get3A_103] : memref<256x256xf32, #tpu.memory_space<vmem>>, vector<256x256xf32>
    %dot_general3A_105 = arith.constant dense<0.000000e+00> : vector<64x256xf32>
    %dot_general3A_106 = tpu.matmul %add3A_101, %get3A_104, %dot_general3A_105 {dimension_numbers = #tpu.dot_dimension_numbers<[1], [0], [0], [1], [0, 0, 1, 1], [], []>, transpose_lhs_hint = false} : vector<64x256xf32>, vector<256x256xf32>, vector<64x256xf32> -> vector<64x256xf32>
    %get3A_107 = arith.constant 0 : index
    %get3A_108 = arith.constant 0 : index
    %get3A_109 = vector.load %arg4[%get3A_107, %get3A_108] : memref<1x256xf32, #tpu.memory_space<vmem>>, vector<1x256xf32>
    %add3A_110 = vector.broadcast %get3A_109 : vector<1x256xf32> to vector<64x256xf32>
    %add3A_111 = arith.addf %dot_general3A_106, %add3A_110 : vector<64x256xf32>
    %dot_general3A_112 = arith.constant dense<0.000000e+00> : vector<64x2048xf32>
    %dot_general3A_113 = tpu.matmul %add3A_111, %add3A_20, %dot_general3A_112 {dimension_numbers = #tpu.dot_dimension_numbers<[1], [1], [0], [0], [0, 0, 1, 0], [], []>, transpose_lhs_hint = false} : vector<64x256xf32>, vector<2048x256xf32>, vector<64x2048xf32> -> vector<64x2048xf32>
    %mul3A_114 = arith.constant 6.250000e-02 : f32
    %mul3A_115 = vector.broadcast %mul3A_114 : f32 to vector<64x2048xf32>
    %mul3A_116 = arith.mulf %dot_general3A_113, %mul3A_115 : vector<64x2048xf32>
    %add3A_117 = arith.addf %mul3A_116, %get3A_7 : vector<64x2048xf32>
    %reduce_max3A_118 = arith.constant dense<0xFF800000> : vector<64xf32>
    %reduce_max3A_119 = vector.multi_reduction <maximumf>, %add3A_117, %reduce_max3A_118 [1] : vector<64x2048xf32> to vector<64xf32>
    %broadcast_in_dim3A_120 = vector.shape_cast %reduce_max3A_119 : vector<64xf32> to vector<64x1xf32>
    %sub3A_121 = vector.broadcast %broadcast_in_dim3A_120 : vector<64x1xf32> to vector<64x2048xf32>
    %sub3A_122 = arith.subf %add3A_117, %sub3A_121 : vector<64x2048xf32>
    %exp3A_123 = math.exp %sub3A_122 : vector<64x2048xf32>
    %reduce_sum3A_124 = arith.constant dense<0.000000e+00> : vector<64xf32>
    %reduce_sum3A_125 = vector.multi_reduction <add>, %exp3A_123, %reduce_sum3A_124 [1] : vector<64x2048xf32> to vector<64xf32>
    %broadcast_in_dim3A_126 = vector.shape_cast %reduce_sum3A_125 : vector<64xf32> to vector<64x1xf32>
    %div3A_127 = vector.broadcast %broadcast_in_dim3A_126 : vector<64x1xf32> to vector<64x2048xf32>
    %div3A_128 = arith.divf %exp3A_123, %div3A_127 : vector<64x2048xf32>
    %dot_general3A_129 = arith.constant dense<0.000000e+00> : vector<64x256xf32>
    %dot_general3A_130 = tpu.matmul %div3A_128, %add3A_30, %dot_general3A_129 {dimension_numbers = #tpu.dot_dimension_numbers<[1], [0], [0], [1], [0, 0, 1, 1], [], []>, transpose_lhs_hint = false} : vector<64x2048xf32>, vector<2048x256xf32>, vector<64x256xf32> -> vector<64x256xf32>
    %get3A_131 = arith.constant 0 : index
    %get3A_132 = arith.constant 0 : index
    %get3A_133 = vector.load %arg9[%get3A_131, %get3A_132] : memref<256x768xf32, #tpu.memory_space<vmem>>, vector<256x768xf32>
    %get3A_134 = arith.constant 0 : index
    %get3A_135 = arith.constant 0 : index
    %get3A_136 = vector.load %arg10[%get3A_134, %get3A_135] : memref<256x768xf32, #tpu.memory_space<vmem>>, vector<256x768xf32>
    %get3A_137 = arith.constant 0 : index
    %get3A_138 = arith.constant 0 : index
    %get3A_139 = vector.load %arg11[%get3A_137, %get3A_138] : memref<1x768xf32, #tpu.memory_space<vmem>>, vector<1x768xf32>
    %get3A_140 = arith.constant 0 : index
    %get3A_141 = arith.constant 0 : index
    %get3A_142 = vector.load %arg12[%get3A_140, %get3A_141] : memref<1x768xf32, #tpu.memory_space<vmem>>, vector<1x768xf32>
    %dot_general3A_143 = arith.constant dense<0.000000e+00> : vector<64x768xf32>
    %dot_general3A_144 = tpu.matmul %dot_general3A_130, %get3A_133, %dot_general3A_143 {dimension_numbers = #tpu.dot_dimension_numbers<[1], [0], [0], [1], [0, 0, 1, 1], [], []>, transpose_lhs_hint = false} : vector<64x256xf32>, vector<256x768xf32>, vector<64x768xf32> -> vector<64x768xf32>
    %add3A_145 = vector.broadcast %get3A_139 : vector<1x768xf32> to vector<64x768xf32>
    %add3A_146 = arith.addf %dot_general3A_144, %add3A_145 : vector<64x768xf32>
    %dot_general3A_147 = arith.constant dense<0.000000e+00> : vector<64x768xf32>
    %dot_general3A_148 = tpu.matmul %add3A_101, %get3A_136, %dot_general3A_147 {dimension_numbers = #tpu.dot_dimension_numbers<[1], [0], [0], [1], [0, 0, 1, 1], [], []>, transpose_lhs_hint = false} : vector<64x256xf32>, vector<256x768xf32>, vector<64x768xf32> -> vector<64x768xf32>
    %add3A_149 = vector.broadcast %get3A_142 : vector<1x768xf32> to vector<64x768xf32>
    %add3A_150 = arith.addf %dot_general3A_148, %add3A_149 : vector<64x768xf32>
    %slice3A_151 = vector.extract_strided_slice %add3A_146 {offsets = [0, 0], sizes = [64, 256], strides = [1, 1]} : vector<64x768xf32> to vector<64x256xf32>
    %slice3A_152 = vector.extract_strided_slice %add3A_150 {offsets = [0, 0], sizes = [64, 256], strides = [1, 1]} : vector<64x768xf32> to vector<64x256xf32>
    %add3A_153 = arith.addf %slice3A_151, %slice3A_152 : vector<64x256xf32>
    %logistic3A_154 = arith.negf %add3A_153 : vector<64x256xf32>
    %logistic3A_155 = math.exp %logistic3A_154 : vector<64x256xf32>
    %logistic3A_156 = arith.constant 1.000000e+00 : f32
    %logistic3A_157 = vector.broadcast %logistic3A_156 : f32 to vector<64x256xf32>
    %logistic3A_158 = arith.addf %logistic3A_157, %logistic3A_155 : vector<64x256xf32>
    %logistic3A_159 = arith.divf %logistic3A_157, %logistic3A_158 : vector<64x256xf32>
    %slice3A_160 = vector.extract_strided_slice %add3A_146 {offsets = [0, 256], sizes = [64, 256], strides = [1, 1]} : vector<64x768xf32> to vector<64x256xf32>
    %slice3A_161 = vector.extract_strided_slice %add3A_150 {offsets = [0, 256], sizes = [64, 256], strides = [1, 1]} : vector<64x768xf32> to vector<64x256xf32>
    %add3A_162 = arith.addf %slice3A_160, %slice3A_161 : vector<64x256xf32>
    %logistic3A_163 = arith.negf %add3A_162 : vector<64x256xf32>
    %logistic3A_164 = math.exp %logistic3A_163 : vector<64x256xf32>
    %logistic3A_165 = arith.constant 1.000000e+00 : f32
    %logistic3A_166 = vector.broadcast %logistic3A_165 : f32 to vector<64x256xf32>
    %logistic3A_167 = arith.addf %logistic3A_166, %logistic3A_164 : vector<64x256xf32>
    %logistic3A_168 = arith.divf %logistic3A_166, %logistic3A_167 : vector<64x256xf32>
    %slice3A_169 = vector.extract_strided_slice %add3A_146 {offsets = [0, 512], sizes = [64, 256], strides = [1, 1]} : vector<64x768xf32> to vector<64x256xf32>
    %slice3A_170 = vector.extract_strided_slice %add3A_150 {offsets = [0, 512], sizes = [64, 256], strides = [1, 1]} : vector<64x768xf32> to vector<64x256xf32>
    %mul3A_171 = arith.mulf %logistic3A_159, %slice3A_170 : vector<64x256xf32>
    %add3A_172 = arith.addf %slice3A_169, %mul3A_171 : vector<64x256xf32>
    %tanh3A_173 = math.tanh %add3A_172 : vector<64x256xf32>
    %sub3A_174 = arith.constant 1.000000e+00 : f32
    %sub3A_175 = vector.broadcast %sub3A_174 : f32 to vector<64x256xf32>
    %sub3A_176 = arith.subf %sub3A_175, %logistic3A_168 : vector<64x256xf32>
    %mul3A_177 = arith.mulf %sub3A_176, %tanh3A_173 : vector<64x256xf32>
    %mul3A_178 = arith.mulf %logistic3A_168, %add3A_101 : vector<64x256xf32>
    %add3A_179 = arith.addf %mul3A_177, %mul3A_178 : vector<64x256xf32>
    %get3A_180 = arith.constant 0 : index
    %get3A_181 = arith.constant 0 : index
    %get3A_182 = vector.load %arg13[%get3A_180, %get3A_181] : memref<256x256xf32, #tpu.memory_space<vmem>>, vector<256x256xf32>
    %dot_general3A_183 = arith.constant dense<0.000000e+00> : vector<64x256xf32>
    %dot_general3A_184 = tpu.matmul %add3A_179, %get3A_182, %dot_general3A_183 {dimension_numbers = #tpu.dot_dimension_numbers<[1], [0], [0], [1], [0, 0, 1, 1], [], []>, transpose_lhs_hint = false} : vector<64x256xf32>, vector<256x256xf32>, vector<64x256xf32> -> vector<64x256xf32>
    %get3A_185 = arith.constant 0 : index
    %get3A_186 = arith.constant 0 : index
    %get3A_187 = vector.load %arg14[%get3A_185, %get3A_186] : memref<1x256xf32, #tpu.memory_space<vmem>>, vector<1x256xf32>
    %add3A_188 = vector.broadcast %get3A_187 : vector<1x256xf32> to vector<64x256xf32>
    %add3A_189 = arith.addf %dot_general3A_184, %add3A_188 : vector<64x256xf32>
    %max3A_190 = arith.constant 0.000000e+00 : f32
    %max3A_191 = vector.broadcast %max3A_190 : f32 to vector<64x256xf32>
    %max3A_192 = arith.maximumf %add3A_189, %max3A_191 : vector<64x256xf32>
    %swap3A = arith.constant 0 : index
    %swap3A_193 = arith.constant 0 : index
    %swap3A_194 = vector.load %arg15[%swap3A, %swap3A_193] : memref<64x256xf32, #tpu.memory_space<vmem>>, vector<64x256xf32>
    tpu.vector_store %arg15[%swap3A, %swap3A_193], %max3A_192 {strides = array<i32>} : memref<64x256xf32, #tpu.memory_space<vmem>>, vector<64x256xf32>,
    %swap3A_195 = arith.constant 0 : index
    %swap3A_196 = arith.constant 0 : index
    %swap3A_197 = vector.load %arg16[%swap3A_195, %swap3A_196] : memref<64x2048xf32, #tpu.memory_space<vmem>>, vector<64x2048xf32>
    tpu.vector_store %arg16[%swap3A_195, %swap3A_196], %div3A_128 {strides = array<i32>} : memref<64x2048xf32, #tpu.memory_space<vmem>>, vector<64x2048xf32>,
    return
  }
}

</mosaic_0001>

<sc_bundles>
// kernel: kernel.15.cloned.1.call-start
scs
__scs_entry_jumppad:
0x0: {  	(pc) =	sbr.rel $0x88, $3  }
0x1: {  	(tag) =	ssettag $0x0;
	lr =	simm.s32 $0x1  }
0x2: {  	[smem:$0x3F76] =	sst lr;
	_ =	strace $0xD0000000  }
0x3: {  	_ = 	snop  }
0x4: {  	_ = 	snop  }
0x5: {  	_ = 	snop  }
0x6: {  	_ = 	snop  }
0x7: {  	_ = 	snop  }
__scs_overlays_trampoline_lowered:
0x8: {  	[smem:$0x3F85] =	sst s0  }
0x9: {  	[smem:$0x3F86] =	sst s1  }
0xa: {  	[smem:$0x3F87] =	sst s2  }
0xb: {  	[smem:$0x3F88] =	sst s3  }
0xc: {  	[smem:$0x3F89] =	sst s4  }
0xd: {  	[smem:$0x3F8A] =	sst s5  }
0xe: {  	[smem:$0x3F8B] =	sst s6  }
0xf: {  	[smem:$0x3F8C] =	sst s7  }
0x10: {  	[smem:$0x3F8D] =	sst s8  }
0x11: {  	[smem:$0x3F8E] =	sst s9;
	s0 =	simm.s32 @!p0 $0x0  }
0x12: {  	s1 =	sld [smem:$0x3F74];
	s0 =	simm.s32 @p0 $0x1  }
0x13: {  	[smem:$0x3F8F] =	sst s0;
	s0 =	simm.s32 @!p1 $0x0  }
0x14: {  	s2 =	sld [smem:$0x3F73];
	s0 =	simm.s32 @p1 $0x1  }
0x15: {  	[smem:$0x3F90] =	sst s0;
	s0 =	simm.s32 @!p2 $0x0  }
0x16: {  	s3 =	sld [smem:$0x3FDB];
	s0 =	simm.s32 @p2 $0x1  }
0x17: {  	s4 =	simm.s32 $0x1BF5;
	[smem:$0x3F92] =	sst s0  }
0x18: {  	s0 =	sld [smem:$0x3F75];
	_ =	swait.ge [sflag:s4], $0x0  }
0x19: {  	s7 =	sld [smem:$0x3F76]  }
0x1a: {  	s8 =	sadd.s32 $0xFFFFE003, lr  }
0x1b: {  	s9 =	sadd.s32 $0xFFFFFEF7, lr;
	s5 =	simm.s32 $0xFFFFFFFF;
	p2 =	slt.u32 s8, $0xFFFFF086  }
0x1c: {  	p1 =	slt.u32 s9, $0xF7A;
	s5 =	simm.s32 @!p2 $0x0  }
0x1d: {  	s5 =	simm.s32 @p1 $0x1;
	p0 =	seq.s32 s7, s2  }
0x1e: {  	s7 =	smul.u32 @!p0 $0xF7A, s2;
	p2 =	seq.s32 @!p0 s5, $0x0  }
0x1f: {  	s9 =	smul.u32 $0xF7A, s1;
	s8 =	simm.s32 @!p0 $0x1BF5;
	p2 =	por !p2, p0  }
0x20: {  	[sflag:s8] =	ssyncset.s32 @!p0 $0xFFFFF086;
	s6 =	sadd.s32 @!p0 s3, s7;
	s7 =	simm.s32 @!p0 $0x108  }
0x21: {  	s3 =	sadd.s32 s3, s9;
	s6 =	sadd.s32 @!p0 $0x88, s6;
	s7 =	simm.s32 @p2 $0x1082  }
0x22: {  	[simem:s7], [sflag:s8] =	dma.local @!p0 [hbm:s6], $0xF7A  }
0x23: {  	s9 =	sor.u32 $0xD0000000, s2;
	s6 =	simm.s32 $0x108;
	_ =	swait.ge @!p0 [sflag:s8], $0x0  }
0x24: {  	s3 =	sadd.s32 $0x88, s3;
	s6 =	simm.s32 @!p1 $0x1082;
	[sflag:s4] =	ssyncset.s32 $0xFFFFF086  }
0x25: {  	[simem:s6], [sflag:s4] =	dma.local [hbm:s3], $0xF7A  }
0x26: {  	[smem:$0x3F76] =	sst s1;
	(tag) =	ssettag s2;
	_ =	strace s9  }
0x27: {  	s1 =	sld [smem:$0x3F86]  }
0x28: {  	s2 =	sld [smem:$0x3F87]  }
0x29: {  	s4 =	sld [smem:$0x3F89]  }
0x2a: {  	p0 =	seq.s32 s5, $0x0;
	s5 =	sld [smem:$0x3F8A]  }
0x2b: {  	s6 =	sld [smem:$0x3F8B]  }
0x2c: {  	s7 =	sld [smem:$0x3F8C]  }
0x2d: {  	s3 =	simm.s32 $0x108;
	s8 =	sld [smem:$0x3F8D]  }
0x2e: {  	s3 =	simm.s32 @!p0 $0x1082;
	s9 =	sld [smem:$0x3F8E]  }
0x2f: {  	lr =	sadd.s32 s0, s3;
	s0 =	sld [smem:$0x3F85]  }
0x30: {  	s3 =	sld [smem:$0x3F88]  }
0x31: {  	[smem:$0x3F91] =	sst s10  }
0x32: {  	s10 =	sld [smem:$0x3F8F];
	_ =	sdelay $0x3  }
0x33: {  	p0 =	seq.s32 s10, $0x1;
	s10 =	sld [smem:$0x3F91];
	_ =	sdelay $0x3  }
0x34: {  	[smem:$0x3F91] =	sst s10  }
0x35: {  	s10 =	sld [smem:$0x3F90];
	_ =	sdelay $0x3  }
0x36: {  	p1 =	seq.s32 s10, $0x1;
	s10 =	sld [smem:$0x3F91];
	_ =	sdelay $0x3  }
0x37: {  	[smem:$0x3F91] =	sst s10  }
0x38: {  	s10 =	sld [smem:$0x3F92]  }
0x39: {  	_ = 	snop;
	(pc) =	sbr.ind lr, $3  }
0x3a: {  	_ = 	snop  }
0x3b: {  	_ = 	snop  }
0x3c: {  	p2 =	seq.s32 s10, $0x1;
	s10 =	sld [smem:$0x3F91]  }
0x3d: {  	_ =	shalt  }
0x3e: {  	_ =	shalt  }
0x3f: {  	_ =	shalt  }
0x40: {  	_ =	shalt  }
0x41: {  	_ =	shalt  }
0x42: {  	_ =	shalt  }
0x43: {  	_ =	shalt  }
0x44: {  	_ =	shalt  }
0x45: {  	_ =	shalt  }
0x46: {  	_ =	shalt  }
0x47: {  	_ =	shalt  }
0x48: {  	_ =	shalt  }
0x49: {  	_ =	shalt  }
0x4a: {  	_ =	shalt  }
0x4b: {  	_ =	shalt  }
0x4c: {  	_ =	shalt  }
0x4d: {  	_ =	shalt  }
0x4e: {  	_ =	shalt  }
0x4f: {  	_ =	shalt  }
0x50: {  	_ =	shalt  }
0x51: {  	_ =	shalt  }
0x52: {  	_ =	shalt  }
0x53: {  	_ =	shalt  }
0x54: {  	_ =	shalt  }
0x55: {  	_ =	shalt  }
0x56: {  	_ =	shalt  }
0x57: {  	_ =	shalt  }
0x58: {  	_ =	shalt  }
0x59: {  	_ =	shalt  }
0x5a: {  	_ =	shalt  }
0x5b: {  	_ =	shalt  }
0x5c: {  	_ =	shalt  }
0x5d: {  	_ =	shalt  }
0x5e: {  	_ =	shalt  }
0x5f: {  	_ =	shalt  }
0x60: {  	_ =	shalt  }
0x61: {  	_ =	shalt  }
0x62: {  	_ =	shalt  }
0x63: {  	_ =	shalt  }
0x64: {  	_ =	shalt  }
0x65: {  	_ =	shalt  }
0x66: {  	_ =	shalt  }
0x67: {  	_ =	shalt  }
0x68: {  	_ =	shalt  }
0x69: {  	_ =	shalt  }
0x6a: {  	_ =	shalt  }
0x6b: {  	_ =	shalt  }
0x6c: {  	_ =	shalt  }
0x6d: {  	_ =	shalt  }
0x6e: {  	_ =	shalt  }
0x6f: {  	_ =	shalt  }
0x70: {  	_ =	shalt  }
0x71: {  	_ =	shalt  }
0x72: {  	_ =	shalt  }
0x73: {  	_ =	shalt  }
0x74: {  	_ =	shalt  }
0x75: {  	_ =	shalt  }
0x76: {  	_ =	shalt  }
0x77: {  	_ =	shalt  }
0x78: {  	_ =	shalt  }
0x79: {  	_ =	shalt  }
0x7a: {  	_ =	shalt  }
0x7b: {  	_ =	shalt  }
0x7c: {  	_ =	shalt  }
0x7d: {  	_ =	shalt  }
0x7e: {  	_ =	shalt  }
0x7f: {  	_ =	shalt  }
0x80: {  	_ =	shalt  }
0x81: {  	_ =	shalt  }
0x82: {  	_ =	shalt  }
0x83: {  	_ =	shalt  }
0x84: {  	_ =	shalt  }
0x85: {  	_ =	shalt  }
0x86: {  	_ =	shalt  }
0x87: {  	_ =	shalt  }
.Lfunc_end0:
.L_simem_size_0:
called_computation_lowered:
.L_overlay_start_0:
0x88: {  	s2 =	sld [smem:$0x3FD9]  }
0x89: {  	s3 =	sld [smem:$0x3FFE];
	_ =	sdelay $0x1  }
0x8a: {  	s1 =	srdreg.scid  }
0x8b: {  	s0 =	sand.u32 $0x1, s1  }
0x8c: {  	s14 =	sshll.u32 s0, $0xA;
	s2 =	sadd.s32 s3, s2  }
0x8d: {  	s2 =	sadd.s32 s2, s14  }
0x8e: {  	[smem:$0x3F9D] =	sst s2  }
0x8f: {  	_ = 	snop  }
0x90: {  	s2 =	sld [smem:$0x3FD0];
	_ =	sdelay $0x2  }
0x91: {  	s15 =	simm.s32 $0xA;
	s4 =	simm.s32 $0x10  }
0x92: {  	[smem:s4], [sflag:s15] =	dma.local [hbm:s2], $0x1  }
0x93: {  	_ =	swait.eq [sflag:s15], $0x1  }
0x94: {  	[sflag:s15] =	ssyncset.done $0x0  }
0x95: {  	s16 =	sld [smem:$0x10];
	[sflag:s15] =	ssyncadd.s32 $0xFFFFFFFF  }
0x96: {  	s17 =	sld [smem:$0x11];
	(tm) =	ssettm $0x1  }
0x97: {  	s18 =	sld [smem:$0x3FFB];
	_ =	sdelay $0x3  }
0x98: {  	_ =	strace s18  }
0x99: {  	s4 =	sld [smem:$0x3FFC];
	_ =	sdelay $0x3  }
0x9a: {  	_ =	strace s4  }
0x9b: {  	s4 =	sld [smem:$0x3FFD];
	_ =	sdelay $0x3  }
0x9c: {  	_ =	strace s4  }
0x9d: {  	_ =	strace $0x8FFFFFFF  }
0x9e: {  	s19 =	sld [smem:$0x3FDB];
	_ =	sdelay $0x1  }
0x9f: {  	s5 =	simm.s32 $_scs_section_size  }
0xa0: {  	s6 =	simm.s32 $_size__tile_overlayer_lowered;
	s7 =	simm.s32 $_tile_overlayer_lowered  }
0xa1: {  	s22 =	simm.s32 $0x1BFF;
	s21 =	sshll.u32 s7, $0x1;
	s4 =	sadd.s32 s5, s19  }
0xa2: {  	s8 =	simm.s32 $0x0;
	s20 =	sshll.u32 s6, $0x1;
	s6 =	sadd.s32 s21, s4  }
0xa3: {  	[timem:s8], [sflag:s22] =	dma.local [hbm:s6], s20  }
0xa4: {  	_ =	swait.ge [sflag:s22], s20  }
0xa5: {  	s5 =	ssub.s32 $0x0, s20;
	[sflag:s22] =	ssyncset.done $0x0  }
0xa6: {  	[sflag:s22] =	ssyncadd.s32 s5;
	_ =	sdelay $0x1  }
0xa7: {  	s23 =	simm.s32 $0x1B8B  }
0xa8: {  	_ =	swait.ge [sflag:s23], $0x1  }
0xa9: {  	[sflag:s23] =	ssyncset.done $0x0  }
0xaa: {  	s25 =	simm.s32 $0x1B8E;
	s24 =	sld [smem:$0x3FFE];
	[sflag:s23] =	ssyncadd.s32 $0xFFFFFFFF  }
0xab: {  	s26 =	simm.s32 $execute0_lowered;
	[smem:$0x3FD2] =	sst s25  }
0xac: {  	s6 =	sshll.u32 s26, $0x1;
	_ =	strace $0x80000046;
	[dreg:$0x1] =	wrdreg $0xFFFFFFFF  }
0xad: {  	s28 =	simm.s32 $_size_execute0_lowered;
	s4 =	sadd.s32 s4, s6;
	[dreg:$0x0] =	wrdreg $0x0  }
0xae: {  	s6 =	sshll.u32 s28, $0x1;
	[dreg:$0x2] =	wrdreg s4  }
0xaf: {  	[dreg:$0x3] =	wrdreg s6  }
0xb0: {  	[dreg:$0x4] =	wrdreg $0xC0  }
0xb1: {  	_ =	task [dreg:s8], $0x5FFFF  }
0xb2: {  	[dreg:$0x1] =	wrdreg $0xFFFFFFFF  }
0xb3: {  	[dreg:$0x0] =	wrdreg $0x60  }
0xb4: {  	[dreg:$0x2] =	wrdreg s24  }
0xb5: {  	[dreg:$0x3] =	wrdreg s16  }
0xb6: {  	[dreg:$0x4] =	wrdreg s17  }
0xb7: {  	[dreg:$0x5] =	wrdreg $0x9  }
0xb8: {  	_ =	task.clear_ibuf [dreg:s8], $0x6FFFF;
	_ =	strace $0x90000046  }
0xb9: {  	s29 =	simm.s32 $0x9;
	_ =	strace $0x80000048  }
0xba: {  	_ =	swait.ge [sflag:s29], $0x1  }
0xbb: {  	[sflag:s29] =	ssyncadd.s32 $0xFFFFFFFF  }
0xbc: {  	_ =	strace $0x90000048  }
0xbd: {  	_ =	sfence  }
0xbe: {  	s30 =	sld [smem:$0x0];
	_ =	sdelay $0x2  }
0xbf: {  	s31 =	sshll.u32 s1, $0xD;
	s1 =	sshrl.u32 s1, $0x2  }
0xc0: {  	s3 =	sand.u32 $0x4000, s31;
	s1 =	sadd.s32 s1, s30  }
0xc1: {  	s0 =	sor.u32 s3, s0;
	s1 =	sshll.u32 s1, $0x11  }
0xc2: {  	s0 =	sor.u32 s1, s0  }
0xc3: {  	s0 =	sadd.s32 $0x8F2B, s0  }
0xc4: {  	[sflag:s0] =	ssyncadd.remote.s32 $0x1  }
0xc5: {  	_ =	sfence.sel $0xFFFF  }
0xc6: {  	[dreg:$0x0] =	wrdreg $0xFFFFFFFF;
	(pc) =	sbr.abs _section_cstart, $3  }
0xc7: {  	[dreg:$0x1] =	wrdreg $0xFFFFFFFF  }
0xc8: {  	_ =	task.clear_ibuf [dreg:s8], $0x2FFFF;
	_ =	strace $0x9FFFFFFF  }
0xc9: {  	(tm) =	ssettm $0x7FFFFFFF  }
tec
execute0_lowered:
.L_overlay_start_1:
0x0: {  	(tag) =	ssettag $0x1  }
0x1: {  	s0 =	rddreg [dreg:$0x0]  }
0x2: {  	s1 =	rddreg [dreg:$0x1]  }
0x3: {  	s4 =	rddreg [dreg:$0x2];
	s2 =	simm.s32 $0x0  }
0x4: {  	s3 =	srdreg.scid;
	s13 =	stileid.u32;
	s17 =	simm.s32 $0x2  }
0x5: {  	s30 =	simm.s32 $0xC80;
	[smem:$0x7FF] =	sst s2;
	s5 =	sand.u32 $0x1, s3  }
0x6: {  	s3 =	sadd.s32 $0x9000, s0;
	s7 =	sshll.u32 s13, $0x1;
	s8 =	sadd.s32 $0x39000, s0  }
0x7: {  	s23 =	sadd.s32 $0x39200, s0;
	p0 =	sgt.u32 s13, $0x7;
	_ =	strace $0x80000047  }
0x8: {  	s6 =	ssub.s32 $0x2, s5;
	[dreg:$0x4] =	wrdreg s8;
	s5 =	sor.u32 s5, s7  }
0x9: {  	s22 =	sshrl.u32 s6, $0x1;
	s9 =	sshll.u32 s5, $0x6;
	s5 =	smul.u32 $0x6000, s5  }
0xa: {  	s8 =	ssub.s32 s6, s22;
	s16 =	sadd.s32 s1, s9;
	s10 =	sor.u32 $0x10, s9  }
0xb: {  	s6 =	sadd.s32 $0x9100, s0;
	s11 =	sor.u32 $0x20, s9;
	s4 =	sadd.s32 s4, s9  }
0xc: {  	s12 =	sor.u32 $0x30, s9;
	s9 =	simm.s32 $0x1880;
	[dreg:$0x6] =	wrdreg s4  }
0xd: {  	s24 =	smul.u32 $0x180, s10;
	s5 =	sadd.s32 s23, s5;
	[dreg:$0x7] =	wrdreg s16  }
0xe: {  	s25 =	smul.u32 $0x180, s11;
	s10 =	sadd.s32 s1, s10;
	[dreg:$0x8] =	wrdreg s5  }
0xf: {  	s26 =	smul.u32 $0x180, s12;
	s28 =	sadd.s32 s1, s11;
	[dreg:$0x9] =	wrdreg s10  }
0x10: {  	s1 =	sadd.s32 s1, s12;
	s29 =	sadd.s32 $0x400, s16;
	[dreg:$0xb] =	wrdreg s28  }
.Ltmp0:
0x11: {  	s31 =	smax.u32 s8, $0x1;
	[dreg:$0x5] =	wrdreg s29;
	(pc) =	sbr.rel .LBB2_1-.Ltmp0, $4  }
0x12: {  	s8 =	simm.s32 $0x1080;
	[dreg:$0xe] =	wrdreg s31;
	s0 =	sadd.s32 s23, s24  }
0x13: {  	v2 =	vlaneseq.u32;
	s10 =	simm.s32 $0x1C80;
	s5 =	sadd.s32 s23, s25;
	[dreg:$0xa] =	wrdreg s0  }
0x14: {  	vm0 =	vmmov $0xffff;
	vm1 =	vmmov $0xff;
	v1 =	vshrl.u32 v2, $0x3;
	s24 =	simm.s32 $0x1;
	[dreg:$0xc] =	wrdreg s5;
	s0 =	sadd.s32 s23, s26  }
0x15: {  	v0 =	vand.u32 $0x7, v2;
	v2 =	vor.u32 $0x8, v2;
	v1 =	vmul.u32 $0x8, v1;
	s25 =	simm.s32 $0xC480;
	s26 =	simm.s32 $0x0;
	[dreg:$0xd] =	wrdreg s0  }
.LBB2_4:
0x16: {  	_ =	sdelay $0x3  }
0x17: {  	v5 =	vld.idx.msk [tilespmem:v5+s25+$0x0], $0xffff  }
0x18: {  	v4 =	vld.idx.msk [tilespmem:v4+s25+$0x0], $0xffff;
	_ =	sdelay $0x3  }
0x19: {  	v3 =	vadd.f32 v6, v3  }
0x1a: {  	s28 =	sadd.s32 $0x10, s28;
	v4 =	vadd.f32 v4, v5  }
0x1b: {  	[tilespmem:s28+$0x0] =	vst v3;
	s28 =	sadd.s32 $0x10, s28  }
0x1c: {  	[tilespmem:s28+$0x0] =	vst v4  }
0x1d: {  	s5 =	simm.s32 $0xD480;
	s16 =	smov.u32 s0;
	s28 =	rddreg [dreg:$0x6]  }
0x1e: {  	[hbm4b:s28+s2] =	stream.linear.scatter [tilespmem:s5], [sflag:$0x2], $0x200, $0x38;
	[tilespmem:$0xD680] =	vst v63  }
0x1f: {  	s1 =	smov.u32 s8;
	s4 =	smov.u32 s10;
	_ =	swait.ge [sflag:s17], $0x200  }
0x20: {  	s30 =	simm.s32 $0xC80;
	s8 =	simm.s32 $0x1080;
	[sflag:s17] =	ssyncset.done $0x0  }
0x21: {  	s9 =	simm.s32 $0x1880;
	s10 =	simm.s32 $0x1C80;
	[sflag:s17] =	ssyncadd.s32 $0xFFFFFE00  }
.LBB2_5:
0x22: {  	s26 =	sadd.s32 $0x1, s26  }
0x23: {  	p1 =	sne.s32 s26, s4  }
.Ltmp1:
0x24: {  	_ = 	snop;
	(pc) =	sbr.rel @!p1 .LBB2_6-.Ltmp1, $1  }
0x25: {  	_ =	sdelay $0x3  }
.LBB2_1:
0x26: {  	[tilespmem:s2], [sflag:$0x2] =	stream.linear.gather [hbm4b:s16+s2], $0x80, $0x38;
	[tilespmem:$0xD680] =	vst v63  }
0x27: {  	_ =	swait.ge [sflag:s17], $0x80  }
0x28: {  	[sflag:s17] =	ssyncset.done $0x0  }
0x29: {  	[sflag:s17] =	ssyncadd.s32 $0xFFFFFF80  }
0x2a: {  	v3 =	vld [tilespmem:$0x0];
	_ =	sdelay $0x4  }
0x2b: {  	v4 =	vshrl.u32 v3, $0x3  }
0x2c: {  	v4 =	vmul.u32 $0x18, v4  }
0x2d: {  	v3 =	vand.u32 $0x7, v3  }
0x2e: {  	v3 =	vor.u32 v3, v4  }
0x2f: {  	v4 =	vperm.xlane v3, v0;
	_ =	sdelay $0x1  }
0x30: {  	v4 =	vadd.s32 v1, v4;
	_ =	sdelay $0x1  }
0x31: {  	v3 =	vperm.xlane v3, v2;
	_ =	sdelay $0x1  }
0x32: {  	s0 =	simm.s32 $0x480;
	v3 =	vadd.s32 v1, v3  }
0x33: {  	[tilespmem:s0], [sflag:$0x1] =	stream.indirect_vreg.gather [hbm4b:s3+s2], $0x80, v4, vm0, $0xb8;
	[tilespmem:$0xD680] =	vst v63  }
0x34: {  	_ = 	snop  }
0x35: {  	[tilespmem:s30], [sflag:$0x1] =	stream.indirect_vreg.gather [hbm4b:s6+s2], $0x80, v4, vm1, $0xb8;
	[tilespmem:$0xD680] =	vst v63  }
0x36: {  	_ = 	snop  }
0x37: {  	[tilespmem:s8], [sflag:$0x1] =	stream.indirect_vreg.gather [hbm4b:s3+s2], $0x80, v3, vm0, $0xb8;
	[tilespmem:$0xD680] =	vst v63  }
0x38: {  	_ = 	snop  }
0x39: {  	[tilespmem:s9], [sflag:$0x1] =	stream.indirect_vreg.gather [hbm4b:s6+s2], $0x80, v3, vm1, $0xb8;
	[tilespmem:$0xD680] =	vst v63  }
0x3a: {  	v3 =	vld [tilespmem:$0x10];
	_ =	sdelay $0x4  }
0x3b: {  	v33 =	vshrl.u32 v3, $0x3  }
0x3c: {  	v4 =	vmul.u32 $0x18, v33  }
0x3d: {  	v3 =	vand.u32 $0x7, v3  }
0x3e: {  	v3 =	vor.u32 v3, v4  }
0x3f: {  	v4 =	vperm.xlane v3, v0;
	_ =	sdelay $0x1  }
0x40: {  	v4 =	vadd.s32 v1, v4;
	_ =	sdelay $0x1  }
0x41: {  	v3 =	vperm.xlane v3, v2;
	_ =	sdelay $0x1  }
0x42: {  	v3 =	vadd.s32 v1, v3  }
0x43: {  	[tilespmem:s10], [sflag:$0x1] =	stream.indirect_vreg.gather [hbm4b:s3+s2], $0x80, v4, vm0, $0xb8;
	[tilespmem:$0xD680] =	vst v63  }
0x44: {  	s4 =	simm.s32 $0x2480  }
0x45: {  	[tilespmem:s4], [sflag:$0x1] =	stream.indirect_vreg.gather [hbm4b:s6+s2], $0x80, v4, vm1, $0xb8;
	[tilespmem:$0xD680] =	vst v63  }
0x46: {  	s18 =	simm.s32 $0x2880  }
0x47: {  	[tilespmem:s18], [sflag:$0x1] =	stream.indirect_vreg.gather [hbm4b:s3+s2], $0x80, v3, vm0, $0xb8;
	[tilespmem:$0xD680] =	vst v63  }
0x48: {  	s19 =	simm.s32 $0x3080  }
0x49: {  	[tilespmem:s19], [sflag:$0x1] =	stream.indirect_vreg.gather [hbm4b:s6+s2], $0x80, v3, vm1, $0xb8;
	[tilespmem:$0xD680] =	vst v63  }
0x4a: {  	v3 =	vld [tilespmem:$0x20];
	_ =	sdelay $0x4  }
0x4b: {  	v34 =	vshrl.u32 v3, $0x3  }
0x4c: {  	v4 =	vmul.u32 $0x18, v34  }
0x4d: {  	v3 =	vand.u32 $0x7, v3  }
0x4e: {  	v3 =	vor.u32 v3, v4  }
0x4f: {  	v4 =	vperm.xlane v3, v0;
	_ =	sdelay $0x1  }
0x50: {  	v4 =	vadd.s32 v1, v4;
	_ =	sdelay $0x1  }
0x51: {  	v3 =	vperm.xlane v3, v2;
	_ =	sdelay $0x1  }
0x52: {  	s20 =	simm.s32 $0x3480;
	v3 =	vadd.s32 v1, v3  }
0x53: {  	[tilespmem:s20], [sflag:$0x1] =	stream.indirect_vreg.gather [hbm4b:s3+s2], $0x80, v4, vm0, $0xb8;
	[tilespmem:$0xD680] =	vst v63  }
0x54: {  	s21 =	simm.s32 $0x3C80  }
0x55: {  	[tilespmem:s21], [sflag:$0x1] =	stream.indirect_vreg.gather [hbm4b:s6+s2], $0x80, v4, vm1, $0xb8;
	[tilespmem:$0xD680] =	vst v63  }
0x56: {  	s22 =	simm.s32 $0x4080  }
0x57: {  	[tilespmem:s22], [sflag:$0x1] =	stream.indirect_vreg.gather [hbm4b:s3+s2], $0x80, v3, vm0, $0xb8;
	[tilespmem:$0xD680] =	vst v63  }
0x58: {  	s23 =	simm.s32 $0x4880  }
0x59: {  	[tilespmem:s23], [sflag:$0x1] =	stream.indirect_vreg.gather [hbm4b:s6+s2], $0x80, v3, vm1, $0xb8;
	[tilespmem:$0xD680] =	vst v63  }
0x5a: {  	v3 =	vld [tilespmem:$0x30];
	_ =	sdelay $0x4  }
0x5b: {  	v35 =	vshrl.u32 v3, $0x3  }
0x5c: {  	v4 =	vmul.u32 $0x18, v35  }
0x5d: {  	v3 =	vand.u32 $0x7, v3  }
0x5e: {  	v3 =	vor.u32 v3, v4  }
0x5f: {  	v4 =	vperm.xlane v3, v0;
	_ =	sdelay $0x1  }
0x60: {  	v4 =	vadd.s32 v1, v4;
	_ =	sdelay $0x1  }
0x61: {  	v3 =	vperm.xlane v3, v2;
	_ =	sdelay $0x1  }
0x62: {  	s28 =	simm.s32 $0x4C80;
	v3 =	vadd.s32 v1, v3  }
0x63: {  	[tilespmem:s28], [sflag:$0x1] =	stream.indirect_vreg.gather [hbm4b:s3+s2], $0x80, v4, vm0, $0xb8;
	[tilespmem:$0xD680] =	vst v63  }
0x64: {  	s29 =	simm.s32 $0x5480  }
0x65: {  	[tilespmem:s29], [sflag:$0x1] =	stream.indirect_vreg.gather [hbm4b:s6+s2], $0x80, v4, vm1, $0xb8;
	[tilespmem:$0xD680] =	vst v63  }
0x66: {  	s31 =	simm.s32 $0x5880  }
0x67: {  	[tilespmem:s31], [sflag:$0x1] =	stream.indirect_vreg.gather [hbm4b:s3+s2], $0x80, v3, vm0, $0xb8;
	[tilespmem:$0xD680] =	vst v63  }
0x68: {  	s5 =	simm.s32 $0x6080  }
0x69: {  	[tilespmem:s5], [sflag:$0x1] =	stream.indirect_vreg.gather [hbm4b:s6+s2], $0x80, v3, vm1, $0xb8;
	[tilespmem:$0xD680] =	vst v63  }
0x6a: {  	v3 =	vld [tilespmem:$0x40];
	_ =	sdelay $0x4  }
0x6b: {  	v36 =	vshrl.u32 v3, $0x3  }
0x6c: {  	v4 =	vmul.u32 $0x18, v36  }
0x6d: {  	v3 =	vand.u32 $0x7, v3  }
0x6e: {  	v3 =	vor.u32 v3, v4  }
0x6f: {  	v4 =	vperm.xlane v3, v0;
	_ =	sdelay $0x1  }
0x70: {  	v4 =	vadd.s32 v1, v4;
	_ =	sdelay $0x1  }
0x71: {  	v3 =	vperm.xlane v3, v2;
	_ =	sdelay $0x1  }
0x72: {  	s13 =	simm.s32 $0x6480;
	v3 =	vadd.s32 v1, v3  }
0x73: {  	[tilespmem:s13], [sflag:$0x1] =	stream.indirect_vreg.gather [hbm4b:s3+s2], $0x80, v4, vm0, $0xb8;
	[tilespmem:$0xD680] =	vst v63  }
0x74: {  	s14 =	simm.s32 $0x6C80  }
0x75: {  	[tilespmem:s14], [sflag:$0x1] =	stream.indirect_vreg.gather [hbm4b:s6+s2], $0x80, v4, vm1, $0xb8;
	[tilespmem:$0xD680] =	vst v63  }
0x76: {  	s15 =	simm.s32 $0x7080  }
0x77: {  	[tilespmem:s15], [sflag:$0x1] =	stream.indirect_vreg.gather [hbm4b:s3+s2], $0x80, v3, vm0, $0xb8;
	[tilespmem:$0xD680] =	vst v63  }
0x78: {  	s16 =	simm.s32 $0x7880  }
0x79: {  	[tilespmem:s16], [sflag:$0x1] =	stream.indirect_vreg.gather [hbm4b:s6+s2], $0x80, v3, vm1, $0xb8;
	[tilespmem:$0xD680] =	vst v63  }
0x7a: {  	v3 =	vld [tilespmem:$0x50];
	_ =	sdelay $0x4  }
0x7b: {  	v37 =	vshrl.u32 v3, $0x3  }
0x7c: {  	v4 =	vmul.u32 $0x18, v37  }
0x7d: {  	v3 =	vand.u32 $0x7, v3  }
0x7e: {  	v3 =	vor.u32 v3, v4  }
0x7f: {  	v4 =	vperm.xlane v3, v0;
	_ =	sdelay $0x1  }
0x80: {  	v4 =	vadd.s32 v1, v4;
	_ =	sdelay $0x1  }
0x81: {  	v3 =	vperm.xlane v3, v2;
	_ =	sdelay $0x1  }
0x82: {  	s19 =	simm.s32 $0x7C80;
	v3 =	vadd.s32 v1, v3  }
0x83: {  	[tilespmem:s19], [sflag:$0x1] =	stream.indirect_vreg.gather [hbm4b:s3+s2], $0x80, v4, vm0, $0xb8;
	[tilespmem:$0xD680] =	vst v63  }
0x84: {  	s21 =	simm.s32 $0x8480  }
0x85: {  	[tilespmem:s21], [sflag:$0x1] =	stream.indirect_vreg.gather [hbm4b:s6+s2], $0x80, v4, vm1, $0xb8;
	[tilespmem:$0xD680] =	vst v63  }
0x86: {  	s22 =	simm.s32 $0x8880  }
0x87: {  	[tilespmem:s22], [sflag:$0x1] =	stream.indirect_vreg.gather [hbm4b:s3+s2], $0x80, v3, vm0, $0xb8;
	[tilespmem:$0xD680] =	vst v63  }
0x88: {  	s23 =	simm.s32 $0x9080  }
0x89: {  	[tilespmem:s23], [sflag:$0x1] =	stream.indirect_vreg.gather [hbm4b:s6+s2], $0x80, v3, vm1, $0xb8;
	[tilespmem:$0xD680] =	vst v63  }
0x8a: {  	v3 =	vld [tilespmem:$0x60];
	_ =	sdelay $0x4  }
0x8b: {  	v38 =	vshrl.u32 v3, $0x3  }
0x8c: {  	v4 =	vmul.u32 $0x18, v38  }
0x8d: {  	v3 =	vand.u32 $0x7, v3  }
0x8e: {  	v3 =	vor.u32 v3, v4  }
0x8f: {  	v4 =	vperm.xlane v3, v0;
	_ =	sdelay $0x1  }
0x90: {  	v4 =	vadd.s32 v1, v4;
	_ =	sdelay $0x1  }
0x91: {  	v3 =	vperm.xlane v3, v2;
	_ =	sdelay $0x1  }
0x92: {  	s28 =	simm.s32 $0x9480;
	v3 =	vadd.s32 v1, v3  }
0x93: {  	[tilespmem:s28], [sflag:$0x1] =	stream.indirect_vreg.gather [hbm4b:s3+s2], $0x80, v4, vm0, $0xb8;
	[tilespmem:$0xD680] =	vst v63  }
0x94: {  	s31 =	simm.s32 $0x9C80  }
0x95: {  	[tilespmem:s31], [sflag:$0x1] =	stream.indirect_vreg.gather [hbm4b:s6+s2], $0x80, v4, vm1, $0xb8;
	[tilespmem:$0xD680] =	vst v63  }
0x96: {  	s15 =	simm.s32 $0xA080  }
0x97: {  	[tilespmem:s15], [sflag:$0x1] =	stream.indirect_vreg.gather [hbm4b:s3+s2], $0x80, v3, vm0, $0xb8;
	[tilespmem:$0xD680] =	vst v63  }
0x98: {  	s16 =	simm.s32 $0xA880  }
0x99: {  	[tilespmem:s16], [sflag:$0x1] =	stream.indirect_vreg.gather [hbm4b:s6+s2], $0x80, v3, vm1, $0xb8;
	[tilespmem:$0xD680] =	vst v63  }
0x9a: {  	v3 =	vld [tilespmem:$0x70];
	_ =	sdelay $0x4  }
0x9b: {  	v39 =	vshrl.u32 v3, $0x3  }
0x9c: {  	v4 =	vmul.u32 $0x18, v39  }
0x9d: {  	v3 =	vand.u32 $0x7, v3  }
0x9e: {  	v3 =	vor.u32 v3, v4  }
0x9f: {  	v4 =	vperm.xlane v3, v0;
	_ =	sdelay $0x1  }
0xa0: {  	v4 =	vadd.s32 v1, v4;
	_ =	sdelay $0x1  }
0xa1: {  	v3 =	vperm.xlane v3, v2;
	_ =	sdelay $0x1  }
0xa2: {  	s19 =	simm.s32 $0xAC80;
	v3 =	vadd.s32 v1, v3  }
0xa3: {  	[tilespmem:s19], [sflag:$0x1] =	stream.indirect_vreg.gather [hbm4b:s3+s2], $0x80, v4, vm0, $0xb8;
	[tilespmem:$0xD680] =	vst v63  }
0xa4: {  	s21 =	simm.s32 $0xB480  }
0xa5: {  	[tilespmem:s21], [sflag:$0x1] =	stream.indirect_vreg.gather [hbm4b:s6+s2], $0x80, v4, vm1, $0xb8;
	[tilespmem:$0xD680] =	vst v63  }
0xa6: {  	s22 =	simm.s32 $0xB880  }
0xa7: {  	[tilespmem:s22], [sflag:$0x1] =	stream.indirect_vreg.gather [hbm4b:s3+s2], $0x80, v3, vm0, $0xb8;
	[tilespmem:$0xD680] =	vst v63  }
0xa8: {  	s23 =	simm.s32 $0xC080  }
0xa9: {  	[tilespmem:s23], [sflag:$0x1] =	stream.indirect_vreg.gather [hbm4b:s6+s2], $0x80, v3, vm1, $0xb8;
	[tilespmem:$0xD680] =	vst v63  }
0xaa: {  	_ =	swait.ge [sflag:s24], $0xC000  }
0xab: {  	[sflag:s24] =	ssyncset.done $0x0  }
0xac: {  	s28 =	rddreg [dreg:$0x8];
	[sflag:s24] =	ssyncadd.s32 $0xFFFF4000  }
0xad: {  	[hbm4b:s28+s2] =	stream.linear.scatter [tilespmem:s0], [sflag:$0x2], $0xC000, $0x38;
	[tilespmem:$0xD680] =	vst v63  }
0xae: {  	_ =	swait.ge [sflag:s17], $0xC000  }
0xaf: {  	[sflag:s17] =	ssyncset.done $0x0  }
0xb0: {  	s31 =	rddreg [dreg:$0x9];
	[sflag:s17] =	ssyncadd.s32 $0xFFFF4000  }
0xb1: {  	[tilespmem:s2], [sflag:$0x2] =	stream.linear.gather [hbm4b:s31+s2], $0x80, $0x38;
	[tilespmem:$0xD680] =	vst v63  }
0xb2: {  	_ =	swait.ge [sflag:s17], $0x80  }
0xb3: {  	[sflag:s17] =	ssyncset.done $0x0  }
0xb4: {  	[sflag:s17] =	ssyncadd.s32 $0xFFFFFF80  }
0xb5: {  	v3 =	vld [tilespmem:$0x0];
	_ =	sdelay $0x4  }
0xb6: {  	v40 =	vshrl.u32 v3, $0x3  }
0xb7: {  	v4 =	vmul.u32 $0x18, v40  }
0xb8: {  	v3 =	vand.u32 $0x7, v3  }
0xb9: {  	v3 =	vor.u32 v3, v4  }
0xba: {  	v4 =	vperm.xlane v3, v0;
	_ =	sdelay $0x1  }
0xbb: {  	v4 =	vadd.s32 v1, v4;
	_ =	sdelay $0x1  }
0xbc: {  	v3 =	vperm.xlane v3, v2;
	_ =	sdelay $0x1  }
0xbd: {  	v3 =	vadd.s32 v1, v3  }
0xbe: {  	[tilespmem:s0], [sflag:$0x1] =	stream.indirect_vreg.gather [hbm4b:s3+s2], $0x80, v4, vm0, $0xb8;
	[tilespmem:$0xD680] =	vst v63  }
0xbf: {  	_ = 	snop  }
0xc0: {  	[tilespmem:s30], [sflag:$0x1] =	stream.indirect_vreg.gather [hbm4b:s6+s2], $0x80, v4, vm1, $0xb8;
	[tilespmem:$0xD680] =	vst v63  }
0xc1: {  	_ = 	snop  }
0xc2: {  	[tilespmem:s8], [sflag:$0x1] =	stream.indirect_vreg.gather [hbm4b:s3+s2], $0x80, v3, vm0, $0xb8;
	[tilespmem:$0xD680] =	vst v63  }
0xc3: {  	_ = 	snop  }
0xc4: {  	[tilespmem:s9], [sflag:$0x1] =	stream.indirect_vreg.gather [hbm4b:s6+s2], $0x80, v3, vm1, $0xb8;
	[tilespmem:$0xD680] =	vst v63  }
0xc5: {  	v3 =	vld [tilespmem:$0x10];
	_ =	sdelay $0x4  }
0xc6: {  	v41 =	vshrl.u32 v3, $0x3  }
0xc7: {  	v4 =	vmul.u32 $0x18, v41  }
0xc8: {  	v3 =	vand.u32 $0x7, v3  }
0xc9: {  	v3 =	vor.u32 v3, v4  }
0xca: {  	v4 =	vperm.xlane v3, v0;
	_ =	sdelay $0x1  }
0xcb: {  	v4 =	vadd.s32 v1, v4;
	_ =	sdelay $0x1  }
0xcc: {  	v3 =	vperm.xlane v3, v2;
	_ =	sdelay $0x1  }
0xcd: {  	v3 =	vadd.s32 v1, v3  }
0xce: {  	[tilespmem:s10], [sflag:$0x1] =	stream.indirect_vreg.gather [hbm4b:s3+s2], $0x80, v4, vm0, $0xb8;
	[tilespmem:$0xD680] =	vst v63  }
0xcf: {  	s11 =	simm.s32 $0x2480  }
0xd0: {  	[tilespmem:s11], [sflag:$0x1] =	stream.indirect_vreg.gather [hbm4b:s6+s2], $0x80, v4, vm1, $0xb8;
	[tilespmem:$0xD680] =	vst v63  }
0xd1: {  	s12 =	simm.s32 $0x2880  }
0xd2: {  	[tilespmem:s12], [sflag:$0x1] =	stream.indirect_vreg.gather [hbm4b:s3+s2], $0x80, v3, vm0, $0xb8;
	[tilespmem:$0xD680] =	vst v63  }
0xd3: {  	s18 =	simm.s32 $0x3080  }
0xd4: {  	[tilespmem:s18], [sflag:$0x1] =	stream.indirect_vreg.gather [hbm4b:s6+s2], $0x80, v3, vm1, $0xb8;
	[tilespmem:$0xD680] =	vst v63  }
0xd5: {  	v3 =	vld [tilespmem:$0x20];
	_ =	sdelay $0x4  }
0xd6: {  	v42 =	vshrl.u32 v3, $0x3  }
0xd7: {  	v4 =	vmul.u32 $0x18, v42  }
0xd8: {  	v3 =	vand.u32 $0x7, v3  }
0xd9: {  	v3 =	vor.u32 v3, v4  }
0xda: {  	v4 =	vperm.xlane v3, v0;
	_ =	sdelay $0x1  }
0xdb: {  	v4 =	vadd.s32 v1, v4;
	_ =	sdelay $0x1  }
0xdc: {  	v3 =	vperm.xlane v3, v2;
	_ =	sdelay $0x1  }
0xdd: {  	s18 =	simm.s32 $0x3480;
	v3 =	vadd.s32 v1, v3  }
0xde: {  	[tilespmem:s18], [sflag:$0x1] =	stream.indirect_vreg.gather [hbm4b:s3+s2], $0x80, v4, vm0, $0xb8;
	[tilespmem:$0xD680] =	vst v63  }
0xdf: {  	s7 =	simm.s32 $0x3C80  }
0xe0: {  	[tilespmem:s7], [sflag:$0x1] =	stream.indirect_vreg.gather [hbm4b:s6+s2], $0x80, v4, vm1, $0xb8;
	[tilespmem:$0xD680] =	vst v63  }
0xe1: {  	s19 =	simm.s32 $0x4080  }
0xe2: {  	[tilespmem:s19], [sflag:$0x1] =	stream.indirect_vreg.gather [hbm4b:s3+s2], $0x80, v3, vm0, $0xb8;
	[tilespmem:$0xD680] =	vst v63  }
0xe3: {  	s21 =	simm.s32 $0x4880  }
0xe4: {  	[tilespmem:s21], [sflag:$0x1] =	stream.indirect_vreg.gather [hbm4b:s6+s2], $0x80, v3, vm1, $0xb8;
	[tilespmem:$0xD680] =	vst v63  }
0xe5: {  	v3 =	vld [tilespmem:$0x30];
	_ =	sdelay $0x4  }
0xe6: {  	v43 =	vshrl.u32 v3, $0x3  }
0xe7: {  	v4 =	vmul.u32 $0x18, v43  }
0xe8: {  	v3 =	vand.u32 $0x7, v3  }
0xe9: {  	v3 =	vor.u32 v3, v4  }
0xea: {  	v4 =	vperm.xlane v3, v0;
	_ =	sdelay $0x1  }
0xeb: {  	v4 =	vadd.s32 v1, v4;
	_ =	sdelay $0x1  }
0xec: {  	v3 =	vperm.xlane v3, v2;
	_ =	sdelay $0x1  }
0xed: {  	s20 =	simm.s32 $0x4C80;
	v3 =	vadd.s32 v1, v3  }
0xee: {  	[tilespmem:s20], [sflag:$0x1] =	stream.indirect_vreg.gather [hbm4b:s3+s2], $0x80, v4, vm0, $0xb8;
	[tilespmem:$0xD680] =	vst v63  }
0xef: {  	s22 =	simm.s32 $0x5480  }
0xf0: {  	[tilespmem:s22], [sflag:$0x1] =	stream.indirect_vreg.gather [hbm4b:s6+s2], $0x80, v4, vm1, $0xb8;
	[tilespmem:$0xD680] =	vst v63  }
0xf1: {  	s23 =	simm.s32 $0x5880  }
0xf2: {  	[tilespmem:s23], [sflag:$0x1] =	stream.indirect_vreg.gather [hbm4b:s3+s2], $0x80, v3, vm0, $0xb8;
	[tilespmem:$0xD680] =	vst v63  }
0xf3: {  	s28 =	simm.s32 $0x6080  }
0xf4: {  	[tilespmem:s28], [sflag:$0x1] =	stream.indirect_vreg.gather [hbm4b:s6+s2], $0x80, v3, vm1, $0xb8;
	[tilespmem:$0xD680] =	vst v63  }
0xf5: {  	v3 =	vld [tilespmem:$0x40];
	_ =	sdelay $0x4  }
0xf6: {  	v44 =	vshrl.u32 v3, $0x3  }
0xf7: {  	v4 =	vmul.u32 $0x18, v44  }
0xf8: {  	v3 =	vand.u32 $0x7, v3  }
0xf9: {  	v3 =	vor.u32 v3, v4  }
0xfa: {  	v4 =	vperm.xlane v3, v0;
	_ =	sdelay $0x1  }
0xfb: {  	v4 =	vadd.s32 v1, v4;
	_ =	sdelay $0x1  }
0xfc: {  	v3 =	vperm.xlane v3, v2;
	_ =	sdelay $0x1  }
0xfd: {  	s29 =	simm.s32 $0x6480;
	v3 =	vadd.s32 v1, v3  }
0xfe: {  	[tilespmem:s29], [sflag:$0x1] =	stream.indirect_vreg.gather [hbm4b:s3+s2], $0x80, v4, vm0, $0xb8;
	[tilespmem:$0xD680] =	vst v63  }
0xff: {  	s12 =	simm.s32 $0x6C80  }
0x100: {  	[tilespmem:s12], [sflag:$0x1] =	stream.indirect_vreg.gather [hbm4b:s6+s2], $0x80, v4, vm1, $0xb8;
	[tilespmem:$0xD680] =	vst v63  }
0x101: {  	s13 =	simm.s32 $0x7080  }
0x102: {  	[tilespmem:s13], [sflag:$0x1] =	stream.indirect_vreg.gather [hbm4b:s3+s2], $0x80, v3, vm0, $0xb8;
	[tilespmem:$0xD680] =	vst v63  }
0x103: {  	s20 =	simm.s32 $0x7880  }
0x104: {  	[tilespmem:s20], [sflag:$0x1] =	stream.indirect_vreg.gather [hbm4b:s6+s2], $0x80, v3, vm1, $0xb8;
	[tilespmem:$0xD680] =	vst v63  }
0x105: {  	v3 =	vld [tilespmem:$0x50];
	_ =	sdelay $0x4  }
0x106: {  	v45 =	vshrl.u32 v3, $0x3  }
0x107: {  	v4 =	vmul.u32 $0x18, v45  }
0x108: {  	v3 =	vand.u32 $0x7, v3  }
0x109: {  	v3 =	vor.u32 v3, v4  }
0x10a: {  	v4 =	vperm.xlane v3, v0;
	_ =	sdelay $0x1  }
0x10b: {  	v4 =	vadd.s32 v1, v4;
	_ =	sdelay $0x1  }
0x10c: {  	v3 =	vperm.xlane v3, v2;
	_ =	sdelay $0x1  }
0x10d: {  	s7 =	simm.s32 $0x7C80;
	v3 =	vadd.s32 v1, v3  }
0x10e: {  	[tilespmem:s7], [sflag:$0x1] =	stream.indirect_vreg.gather [hbm4b:s3+s2], $0x80, v4, vm0, $0xb8;
	[tilespmem:$0xD680] =	vst v63  }
0x10f: {  	s5 =	simm.s32 $0x8480  }
0x110: {  	[tilespmem:s5], [sflag:$0x1] =	stream.indirect_vreg.gather [hbm4b:s6+s2], $0x80, v4, vm1, $0xb8;
	[tilespmem:$0xD680] =	vst v63  }
0x111: {  	s5 =	simm.s32 $0x8880  }
0x112: {  	[tilespmem:s5], [sflag:$0x1] =	stream.indirect_vreg.gather [hbm4b:s3+s2], $0x80, v3, vm0, $0xb8;
	[tilespmem:$0xD680] =	vst v63  }
0x113: {  	s29 =	simm.s32 $0x9080  }
0x114: {  	[tilespmem:s29], [sflag:$0x1] =	stream.indirect_vreg.gather [hbm4b:s6+s2], $0x80, v3, vm1, $0xb8;
	[tilespmem:$0xD680] =	vst v63  }
0x115: {  	v3 =	vld [tilespmem:$0x60];
	_ =	sdelay $0x4  }
0x116: {  	v46 =	vshrl.u32 v3, $0x3  }
0x117: {  	v4 =	vmul.u32 $0x18, v46  }
0x118: {  	v3 =	vand.u32 $0x7, v3  }
0x119: {  	v3 =	vor.u32 v3, v4  }
0x11a: {  	v4 =	vperm.xlane v3, v0;
	_ =	sdelay $0x1  }
0x11b: {  	v4 =	vadd.s32 v1, v4;
	_ =	sdelay $0x1  }
0x11c: {  	v3 =	vperm.xlane v3, v2;
	_ =	sdelay $0x1  }
0x11d: {  	s14 =	simm.s32 $0x9480;
	v3 =	vadd.s32 v1, v3  }
0x11e: {  	[tilespmem:s14], [sflag:$0x1] =	stream.indirect_vreg.gather [hbm4b:s3+s2], $0x80, v4, vm0, $0xb8;
	[tilespmem:$0xD680] =	vst v63  }
0x11f: {  	s11 =	simm.s32 $0x9C80  }
0x120: {  	[tilespmem:s11], [sflag:$0x1] =	stream.indirect_vreg.gather [hbm4b:s6+s2], $0x80, v4, vm1, $0xb8;
	[tilespmem:$0xD680] =	vst v63  }
0x121: {  	s12 =	simm.s32 $0xA080  }
0x122: {  	[tilespmem:s12], [sflag:$0x1] =	stream.indirect_vreg.gather [hbm4b:s3+s2], $0x80, v3, vm0, $0xb8;
	[tilespmem:$0xD680] =	vst v63  }
0x123: {  	s15 =	simm.s32 $0xA880  }
0x124: {  	[tilespmem:s15], [sflag:$0x1] =	stream.indirect_vreg.gather [hbm4b:s6+s2], $0x80, v3, vm1, $0xb8;
	[tilespmem:$0xD680] =	vst v63  }
0x125: {  	v3 =	vld [tilespmem:$0x70];
	_ =	sdelay $0x4  }
0x126: {  	v47 =	vshrl.u32 v3, $0x3  }
0x127: {  	v4 =	vmul.u32 $0x18, v47  }
0x128: {  	v3 =	vand.u32 $0x7, v3  }
0x129: {  	v3 =	vor.u32 v3, v4  }
0x12a: {  	v4 =	vperm.xlane v3, v0;
	_ =	sdelay $0x1  }
0x12b: {  	v4 =	vadd.s32 v1, v4;
	_ =	sdelay $0x1  }
0x12c: {  	v3 =	vperm.xlane v3, v2;
	_ =	sdelay $0x1  }
0x12d: {  	s13 =	simm.s32 $0xAC80;
	v3 =	vadd.s32 v1, v3  }
0x12e: {  	[tilespmem:s13], [sflag:$0x1] =	stream.indirect_vreg.gather [hbm4b:s3+s2], $0x80, v4, vm0, $0xb8;
	[tilespmem:$0xD680] =	vst v63  }
0x12f: {  	s14 =	simm.s32 $0xB480  }
0x130: {  	[tilespmem:s14], [sflag:$0x1] =	stream.indirect_vreg.gather [hbm4b:s6+s2], $0x80, v4, vm1, $0xb8;
	[tilespmem:$0xD680] =	vst v63  }
0x131: {  	s15 =	simm.s32 $0xB880  }
0x132: {  	[tilespmem:s15], [sflag:$0x1] =	stream.indirect_vreg.gather [hbm4b:s3+s2], $0x80, v3, vm0, $0xb8;
	[tilespmem:$0xD680] =	vst v63  }
0x133: {  	s16 =	simm.s32 $0xC080  }
0x134: {  	[tilespmem:s16], [sflag:$0x1] =	stream.indirect_vreg.gather [hbm4b:s6+s2], $0x80, v3, vm1, $0xb8;
	[tilespmem:$0xD680] =	vst v63  }
0x135: {  	_ =	swait.ge [sflag:s24], $0xC000  }
0x136: {  	[sflag:s24] =	ssyncset.done $0x0  }
0x137: {  	s16 =	rddreg [dreg:$0xa];
	[sflag:s24] =	ssyncadd.s32 $0xFFFF4000  }
0x138: {  	[hbm4b:s16+s2] =	stream.linear.scatter [tilespmem:s0], [sflag:$0x2], $0xC000, $0x38;
	[tilespmem:$0xD680] =	vst v63  }
0x139: {  	_ =	swait.ge [sflag:s17], $0xC000  }
0x13a: {  	[sflag:s17] =	ssyncset.done $0x0  }
0x13b: {  	s16 =	rddreg [dreg:$0xb];
	[sflag:s17] =	ssyncadd.s32 $0xFFFF4000  }
0x13c: {  	[tilespmem:s2], [sflag:$0x2] =	stream.linear.gather [hbm4b:s16+s2], $0x80, $0x38;
	[tilespmem:$0xD680] =	vst v63  }
0x13d: {  	_ =	swait.ge [sflag:s17], $0x80  }
0x13e: {  	[sflag:s17] =	ssyncset.done $0x0  }
0x13f: {  	[sflag:s17] =	ssyncadd.s32 $0xFFFFFF80  }
0x140: {  	v3 =	vld [tilespmem:$0x0];
	_ =	sdelay $0x4  }
0x141: {  	v48 =	vshrl.u32 v3, $0x3  }
0x142: {  	v4 =	vmul.u32 $0x18, v48  }
0x143: {  	v3 =	vand.u32 $0x7, v3  }
0x144: {  	v3 =	vor.u32 v3, v4  }
0x145: {  	v4 =	vperm.xlane v3, v0;
	_ =	sdelay $0x1  }
0x146: {  	v4 =	vadd.s32 v1, v4;
	_ =	sdelay $0x1  }
0x147: {  	v3 =	vperm.xlane v3, v2;
	_ =	sdelay $0x1  }
0x148: {  	v3 =	vadd.s32 v1, v3  }
0x149: {  	[tilespmem:s0], [sflag:$0x1] =	stream.indirect_vreg.gather [hbm4b:s3+s2], $0x80, v4, vm0, $0xb8;
	[tilespmem:$0xD680] =	vst v63  }
0x14a: {  	_ = 	snop  }
0x14b: {  	[tilespmem:s30], [sflag:$0x1] =	stream.indirect_vreg.gather [hbm4b:s6+s2], $0x80, v4, vm1, $0xb8;
	[tilespmem:$0xD680] =	vst v63  }
0x14c: {  	_ = 	snop  }
0x14d: {  	[tilespmem:s8], [sflag:$0x1] =	stream.indirect_vreg.gather [hbm4b:s3+s2], $0x80, v3, vm0, $0xb8;
	[tilespmem:$0xD680] =	vst v63  }
0x14e: {  	_ = 	snop  }
0x14f: {  	[tilespmem:s9], [sflag:$0x1] =	stream.indirect_vreg.gather [hbm4b:s6+s2], $0x80, v3, vm1, $0xb8;
	[tilespmem:$0xD680] =	vst v63  }
0x150: {  	v3 =	vld [tilespmem:$0x10];
	_ =	sdelay $0x4  }
0x151: {  	v49 =	vshrl.u32 v3, $0x3  }
0x152: {  	v4 =	vmul.u32 $0x18, v49  }
0x153: {  	v3 =	vand.u32 $0x7, v3  }
0x154: {  	v3 =	vor.u32 v3, v4  }
0x155: {  	v4 =	vperm.xlane v3, v0;
	_ =	sdelay $0x1  }
0x156: {  	v4 =	vadd.s32 v1, v4;
	_ =	sdelay $0x1  }
0x157: {  	v3 =	vperm.xlane v3, v2;
	_ =	sdelay $0x1  }
0x158: {  	v3 =	vadd.s32 v1, v3  }
0x159: {  	[tilespmem:s10], [sflag:$0x1] =	stream.indirect_vreg.gather [hbm4b:s3+s2], $0x80, v4, vm0, $0xb8;
	[tilespmem:$0xD680] =	vst v63  }
0x15a: {  	s16 =	simm.s32 $0x2480  }
0x15b: {  	[tilespmem:s16], [sflag:$0x1] =	stream.indirect_vreg.gather [hbm4b:s6+s2], $0x80, v4, vm1, $0xb8;
	[tilespmem:$0xD680] =	vst v63  }
0x15c: {  	s16 =	simm.s32 $0x2880  }
0x15d: {  	[tilespmem:s16], [sflag:$0x1] =	stream.indirect_vreg.gather [hbm4b:s3+s2], $0x80, v3, vm0, $0xb8;
	[tilespmem:$0xD680] =	vst v63  }
0x15e: {  	s16 =	simm.s32 $0x3080  }
0x15f: {  	[tilespmem:s16], [sflag:$0x1] =	stream.indirect_vreg.gather [hbm4b:s6+s2], $0x80, v3, vm1, $0xb8;
	[tilespmem:$0xD680] =	vst v63  }
0x160: {  	v3 =	vld [tilespmem:$0x20];
	_ =	sdelay $0x4  }
0x161: {  	v50 =	vshrl.u32 v3, $0x3  }
0x162: {  	v4 =	vmul.u32 $0x18, v50  }
0x163: {  	v3 =	vand.u32 $0x7, v3  }
0x164: {  	v3 =	vor.u32 v3, v4  }
0x165: {  	v4 =	vperm.xlane v3, v0;
	_ =	sdelay $0x1  }
0x166: {  	v4 =	vadd.s32 v1, v4;
	_ =	sdelay $0x1  }
0x167: {  	v3 =	vperm.xlane v3, v2;
	_ =	sdelay $0x1  }
0x168: {  	v3 =	vadd.s32 v1, v3  }
0x169: {  	[tilespmem:s18], [sflag:$0x1] =	stream.indirect_vreg.gather [hbm4b:s3+s2], $0x80, v4, vm0, $0xb8;
	[tilespmem:$0xD680] =	vst v63  }
0x16a: {  	s31 =	simm.s32 $0x3C80  }
0x16b: {  	[tilespmem:s31], [sflag:$0x1] =	stream.indirect_vreg.gather [hbm4b:s6+s2], $0x80, v4, vm1, $0xb8;
	[tilespmem:$0xD680] =	vst v63  }
0x16c: {  	_ = 	snop  }
0x16d: {  	[tilespmem:s19], [sflag:$0x1] =	stream.indirect_vreg.gather [hbm4b:s3+s2], $0x80, v3, vm0, $0xb8;
	[tilespmem:$0xD680] =	vst v63  }
0x16e: {  	_ = 	snop  }
0x16f: {  	[tilespmem:s21], [sflag:$0x1] =	stream.indirect_vreg.gather [hbm4b:s6+s2], $0x80, v3, vm1, $0xb8;
	[tilespmem:$0xD680] =	vst v63  }
0x170: {  	v3 =	vld [tilespmem:$0x30];
	_ =	sdelay $0x4  }
0x171: {  	v51 =	vshrl.u32 v3, $0x3  }
0x172: {  	v4 =	vmul.u32 $0x18, v51  }
0x173: {  	v3 =	vand.u32 $0x7, v3  }
0x174: {  	v3 =	vor.u32 v3, v4  }
0x175: {  	v4 =	vperm.xlane v3, v0;
	_ =	sdelay $0x1  }
0x176: {  	v4 =	vadd.s32 v1, v4;
	_ =	sdelay $0x1  }
0x177: {  	v3 =	vperm.xlane v3, v2;
	_ =	sdelay $0x1  }
0x178: {  	s31 =	simm.s32 $0x4C80;
	v3 =	vadd.s32 v1, v3  }
0x179: {  	[tilespmem:s31], [sflag:$0x1] =	stream.indirect_vreg.gather [hbm4b:s3+s2], $0x80, v4, vm0, $0xb8;
	[tilespmem:$0xD680] =	vst v63  }
0x17a: {  	_ = 	snop  }
0x17b: {  	[tilespmem:s22], [sflag:$0x1] =	stream.indirect_vreg.gather [hbm4b:s6+s2], $0x80, v4, vm1, $0xb8;
	[tilespmem:$0xD680] =	vst v63  }
0x17c: {  	_ = 	snop  }
0x17d: {  	[tilespmem:s23], [sflag:$0x1] =	stream.indirect_vreg.gather [hbm4b:s3+s2], $0x80, v3, vm0, $0xb8;
	[tilespmem:$0xD680] =	vst v63  }
0x17e: {  	_ = 	snop  }
0x17f: {  	[tilespmem:s28], [sflag:$0x1] =	stream.indirect_vreg.gather [hbm4b:s6+s2], $0x80, v3, vm1, $0xb8;
	[tilespmem:$0xD680] =	vst v63  }
0x180: {  	v3 =	vld [tilespmem:$0x40];
	_ =	sdelay $0x4  }
0x181: {  	v52 =	vshrl.u32 v3, $0x3  }
0x182: {  	v4 =	vmul.u32 $0x18, v52  }
0x183: {  	v3 =	vand.u32 $0x7, v3  }
0x184: {  	v3 =	vor.u32 v3, v4  }
0x185: {  	v4 =	vperm.xlane v3, v0;
	_ =	sdelay $0x1  }
0x186: {  	v4 =	vadd.s32 v1, v4;
	_ =	sdelay $0x1  }
0x187: {  	v3 =	vperm.xlane v3, v2;
	_ =	sdelay $0x1  }
0x188: {  	s19 =	simm.s32 $0x6480;
	v3 =	vadd.s32 v1, v3  }
0x189: {  	[tilespmem:s19], [sflag:$0x1] =	stream.indirect_vreg.gather [hbm4b:s3+s2], $0x80, v4, vm0, $0xb8;
	[tilespmem:$0xD680] =	vst v63  }
0x18a: {  	s31 =	simm.s32 $0x6C80  }
0x18b: {  	[tilespmem:s31], [sflag:$0x1] =	stream.indirect_vreg.gather [hbm4b:s6+s2], $0x80, v4, vm1, $0xb8;
	[tilespmem:$0xD680] =	vst v63  }
0x18c: {  	s19 =	simm.s32 $0x7080  }
0x18d: {  	[tilespmem:s19], [sflag:$0x1] =	stream.indirect_vreg.gather [hbm4b:s3+s2], $0x80, v3, vm0, $0xb8;
	[tilespmem:$0xD680] =	vst v63  }
0x18e: {  	_ = 	snop  }
0x18f: {  	[tilespmem:s20], [sflag:$0x1] =	stream.indirect_vreg.gather [hbm4b:s6+s2], $0x80, v3, vm1, $0xb8;
	[tilespmem:$0xD680] =	vst v63  }
0x190: {  	v3 =	vld [tilespmem:$0x50];
	_ =	sdelay $0x4  }
0x191: {  	v53 =	vshrl.u32 v3, $0x3  }
0x192: {  	v4 =	vmul.u32 $0x18, v53  }
0x193: {  	v3 =	vand.u32 $0x7, v3  }
0x194: {  	v3 =	vor.u32 v3, v4  }
0x195: {  	v4 =	vperm.xlane v3, v0;
	_ =	sdelay $0x1  }
0x196: {  	v4 =	vadd.s32 v1, v4;
	_ =	sdelay $0x1  }
0x197: {  	v3 =	vperm.xlane v3, v2;
	_ =	sdelay $0x1  }
0x198: {  	v3 =	vadd.s32 v1, v3  }
0x199: {  	[tilespmem:s7], [sflag:$0x1] =	stream.indirect_vreg.gather [hbm4b:s3+s2], $0x80, v4, vm0, $0xb8;
	[tilespmem:$0xD680] =	vst v63  }
0x19a: {  	s20 =	simm.s32 $0x8480  }
0x19b: {  	[tilespmem:s20], [sflag:$0x1] =	stream.indirect_vreg.gather [hbm4b:s6+s2], $0x80, v4, vm1, $0xb8;
	[tilespmem:$0xD680] =	vst v63  }
0x19c: {  	_ = 	snop  }
0x19d: {  	[tilespmem:s5], [sflag:$0x1] =	stream.indirect_vreg.gather [hbm4b:s3+s2], $0x80, v3, vm0, $0xb8;
	[tilespmem:$0xD680] =	vst v63  }
0x19e: {  	_ = 	snop  }
0x19f: {  	[tilespmem:s29], [sflag:$0x1] =	stream.indirect_vreg.gather [hbm4b:s6+s2], $0x80, v3, vm1, $0xb8;
	[tilespmem:$0xD680] =	vst v63  }
0x1a0: {  	v3 =	vld [tilespmem:$0x60];
	_ =	sdelay $0x4  }
0x1a1: {  	v54 =	vshrl.u32 v3, $0x3  }
0x1a2: {  	v4 =	vmul.u32 $0x18, v54  }
0x1a3: {  	v3 =	vand.u32 $0x7, v3  }
0x1a4: {  	v3 =	vor.u32 v3, v4  }
0x1a5: {  	v4 =	vperm.xlane v3, v0;
	_ =	sdelay $0x1  }
0x1a6: {  	v4 =	vadd.s32 v1, v4;
	_ =	sdelay $0x1  }
0x1a7: {  	v3 =	vperm.xlane v3, v2;
	_ =	sdelay $0x1  }
0x1a8: {  	s29 =	simm.s32 $0x9480;
	v3 =	vadd.s32 v1, v3  }
0x1a9: {  	[tilespmem:s29], [sflag:$0x1] =	stream.indirect_vreg.gather [hbm4b:s3+s2], $0x80, v4, vm0, $0xb8;
	[tilespmem:$0xD680] =	vst v63  }
0x1aa: {  	_ = 	snop  }
0x1ab: {  	[tilespmem:s11], [sflag:$0x1] =	stream.indirect_vreg.gather [hbm4b:s6+s2], $0x80, v4, vm1, $0xb8;
	[tilespmem:$0xD680] =	vst v63  }
0x1ac: {  	_ = 	snop  }
0x1ad: {  	[tilespmem:s12], [sflag:$0x1] =	stream.indirect_vreg.gather [hbm4b:s3+s2], $0x80, v3, vm0, $0xb8;
	[tilespmem:$0xD680] =	vst v63  }
0x1ae: {  	s4 =	smov.u32 s1;
	s1 =	simm.s32 $0xA880  }
0x1af: {  	[tilespmem:s1], [sflag:$0x1] =	stream.indirect_vreg.gather [hbm4b:s6+s2], $0x80, v3, vm1, $0xb8;
	[tilespmem:$0xD680] =	vst v63  }
0x1b0: {  	v3 =	vld [tilespmem:$0x70];
	_ =	sdelay $0x4  }
0x1b1: {  	v55 =	vshrl.u32 v3, $0x3  }
0x1b2: {  	v4 =	vmul.u32 $0x18, v55  }
0x1b3: {  	v3 =	vand.u32 $0x7, v3  }
0x1b4: {  	v3 =	vor.u32 v3, v4  }
0x1b5: {  	v4 =	vperm.xlane v3, v0;
	_ =	sdelay $0x1  }
0x1b6: {  	v4 =	vadd.s32 v1, v4;
	_ =	sdelay $0x1  }
0x1b7: {  	v3 =	vperm.xlane v3, v2;
	_ =	sdelay $0x1  }
0x1b8: {  	v3 =	vadd.s32 v1, v3  }
0x1b9: {  	[tilespmem:s13], [sflag:$0x1] =	stream.indirect_vreg.gather [hbm4b:s3+s2], $0x80, v4, vm0, $0xb8;
	[tilespmem:$0xD680] =	vst v63  }
0x1ba: {  	_ = 	snop  }
0x1bb: {  	[tilespmem:s14], [sflag:$0x1] =	stream.indirect_vreg.gather [hbm4b:s6+s2], $0x80, v4, vm1, $0xb8;
	[tilespmem:$0xD680] =	vst v63  }
0x1bc: {  	_ = 	snop  }
0x1bd: {  	[tilespmem:s15], [sflag:$0x1] =	stream.indirect_vreg.gather [hbm4b:s3+s2], $0x80, v3, vm0, $0xb8;
	[tilespmem:$0xD680] =	vst v63  }
0x1be: {  	s1 =	simm.s32 $0xC080  }
0x1bf: {  	[tilespmem:s1], [sflag:$0x1] =	stream.indirect_vreg.gather [hbm4b:s6+s2], $0x80, v3, vm1, $0xb8;
	[tilespmem:$0xD680] =	vst v63  }
0x1c0: {  	_ =	swait.ge [sflag:s24], $0xC000  }
0x1c1: {  	[sflag:s24] =	ssyncset.done $0x0  }
0x1c2: {  	s1 =	rddreg [dreg:$0xc];
	[sflag:s24] =	ssyncadd.s32 $0xFFFF4000  }
0x1c3: {  	[hbm4b:s1+s2] =	stream.linear.scatter [tilespmem:s0], [sflag:$0x2], $0xC000, $0x38;
	[tilespmem:$0xD680] =	vst v63  }
0x1c4: {  	_ =	swait.ge [sflag:s17], $0xC000  }
0x1c5: {  	[sflag:s17] =	ssyncset.done $0x0  }
0x1c6: {  	[sflag:s17] =	ssyncadd.s32 $0xFFFF4000  }
0x1c7: {  	[tilespmem:s2], [sflag:$0x2] =	stream.linear.gather [hbm4b:s4+s2], $0x80, $0x38;
	[tilespmem:$0xD680] =	vst v63  }
0x1c8: {  	_ =	swait.ge [sflag:s17], $0x80  }
0x1c9: {  	[sflag:s17] =	ssyncset.done $0x0  }
0x1ca: {  	[sflag:s17] =	ssyncadd.s32 $0xFFFFFF80  }
0x1cb: {  	v3 =	vld [tilespmem:$0x0];
	_ =	sdelay $0x4  }
0x1cc: {  	v56 =	vshrl.u32 v3, $0x3  }
0x1cd: {  	v4 =	vmul.u32 $0x18, v56  }
0x1ce: {  	v3 =	vand.u32 $0x7, v3  }
0x1cf: {  	v3 =	vor.u32 v3, v4  }
0x1d0: {  	v4 =	vperm.xlane v3, v0;
	_ =	sdelay $0x1  }
0x1d1: {  	v4 =	vadd.s32 v1, v4;
	_ =	sdelay $0x1  }
0x1d2: {  	v3 =	vperm.xlane v3, v2;
	_ =	sdelay $0x1  }
0x1d3: {  	v3 =	vadd.s32 v1, v3  }
0x1d4: {  	[tilespmem:s0], [sflag:$0x1] =	stream.indirect_vreg.gather [hbm4b:s3+s2], $0x80, v4, vm0, $0xb8;
	[tilespmem:$0xD680] =	vst v63  }
0x1d5: {  	_ = 	snop  }
0x1d6: {  	[tilespmem:s30], [sflag:$0x1] =	stream.indirect_vreg.gather [hbm4b:s6+s2], $0x80, v4, vm1, $0xb8;
	[tilespmem:$0xD680] =	vst v63  }
0x1d7: {  	_ = 	snop  }
0x1d8: {  	[tilespmem:s8], [sflag:$0x1] =	stream.indirect_vreg.gather [hbm4b:s3+s2], $0x80, v3, vm0, $0xb8;
	[tilespmem:$0xD680] =	vst v63  }
0x1d9: {  	_ = 	snop  }
0x1da: {  	[tilespmem:s9], [sflag:$0x1] =	stream.indirect_vreg.gather [hbm4b:s6+s2], $0x80, v3, vm1, $0xb8;
	[tilespmem:$0xD680] =	vst v63  }
0x1db: {  	v3 =	vld [tilespmem:$0x10];
	_ =	sdelay $0x4  }
0x1dc: {  	v57 =	vshrl.u32 v3, $0x3  }
0x1dd: {  	v4 =	vmul.u32 $0x18, v57  }
0x1de: {  	v3 =	vand.u32 $0x7, v3  }
0x1df: {  	v3 =	vor.u32 v3, v4  }
0x1e0: {  	v4 =	vperm.xlane v3, v0;
	_ =	sdelay $0x1  }
0x1e1: {  	v4 =	vadd.s32 v1, v4;
	_ =	sdelay $0x1  }
0x1e2: {  	v3 =	vperm.xlane v3, v2;
	_ =	sdelay $0x1  }
0x1e3: {  	v3 =	vadd.s32 v1, v3  }
0x1e4: {  	[tilespmem:s10], [sflag:$0x1] =	stream.indirect_vreg.gather [hbm4b:s3+s2], $0x80, v4, vm0, $0xb8;
	[tilespmem:$0xD680] =	vst v63  }
0x1e5: {  	s1 =	smov.u32 s4;
	s4 =	simm.s32 $0x2480  }
0x1e6: {  	[tilespmem:s4], [sflag:$0x1] =	stream.indirect_vreg.gather [hbm4b:s6+s2], $0x80, v4, vm1, $0xb8;
	[tilespmem:$0xD680] =	vst v63  }
0x1e7: {  	s4 =	simm.s32 $0x2880  }
0x1e8: {  	[tilespmem:s4], [sflag:$0x1] =	stream.indirect_vreg.gather [hbm4b:s3+s2], $0x80, v3, vm0, $0xb8;
	[tilespmem:$0xD680] =	vst v63  }
0x1e9: {  	s4 =	simm.s32 $0x3080  }
0x1ea: {  	[tilespmem:s4], [sflag:$0x1] =	stream.indirect_vreg.gather [hbm4b:s6+s2], $0x80, v3, vm1, $0xb8;
	[tilespmem:$0xD680] =	vst v63  }
0x1eb: {  	v3 =	vld [tilespmem:$0x20];
	_ =	sdelay $0x4  }
0x1ec: {  	v58 =	vshrl.u32 v3, $0x3  }
0x1ed: {  	v4 =	vmul.u32 $0x18, v58  }
0x1ee: {  	v3 =	vand.u32 $0x7, v3  }
0x1ef: {  	v3 =	vor.u32 v3, v4  }
0x1f0: {  	v4 =	vperm.xlane v3, v0;
	_ =	sdelay $0x1  }
0x1f1: {  	v4 =	vadd.s32 v1, v4;
	_ =	sdelay $0x1  }
0x1f2: {  	v3 =	vperm.xlane v3, v2;
	_ =	sdelay $0x1  }
0x1f3: {  	s16 =	simm.s32 $0x3480;
	v3 =	vadd.s32 v1, v3  }
0x1f4: {  	[tilespmem:s16], [sflag:$0x1] =	stream.indirect_vreg.gather [hbm4b:s3+s2], $0x80, v4, vm0, $0xb8;
	[tilespmem:$0xD680] =	vst v63  }
0x1f5: {  	s4 =	simm.s32 $0x3C80  }
0x1f6: {  	[tilespmem:s4], [sflag:$0x1] =	stream.indirect_vreg.gather [hbm4b:s6+s2], $0x80, v4, vm1, $0xb8;
	[tilespmem:$0xD680] =	vst v63  }
0x1f7: {  	s18 =	simm.s32 $0x4080  }
0x1f8: {  	[tilespmem:s18], [sflag:$0x1] =	stream.indirect_vreg.gather [hbm4b:s3+s2], $0x80, v3, vm0, $0xb8;
	[tilespmem:$0xD680] =	vst v63  }
0x1f9: {  	s21 =	simm.s32 $0x4880  }
0x1fa: {  	[tilespmem:s21], [sflag:$0x1] =	stream.indirect_vreg.gather [hbm4b:s6+s2], $0x80, v3, vm1, $0xb8;
	[tilespmem:$0xD680] =	vst v63  }
0x1fb: {  	v3 =	vld [tilespmem:$0x30];
	_ =	sdelay $0x4  }
0x1fc: {  	v59 =	vshrl.u32 v3, $0x3  }
0x1fd: {  	v4 =	vmul.u32 $0x18, v59  }
0x1fe: {  	v3 =	vand.u32 $0x7, v3  }
0x1ff: {  	v3 =	vor.u32 v3, v4  }
0x200: {  	v4 =	vperm.xlane v3, v0;
	_ =	sdelay $0x1  }
0x201: {  	v4 =	vadd.s32 v1, v4;
	_ =	sdelay $0x1  }
0x202: {  	v3 =	vperm.xlane v3, v2;
	_ =	sdelay $0x1  }
0x203: {  	s18 =	simm.s32 $0x4C80;
	v3 =	vadd.s32 v1, v3  }
0x204: {  	[tilespmem:s18], [sflag:$0x1] =	stream.indirect_vreg.gather [hbm4b:s3+s2], $0x80, v4, vm0, $0xb8;
	[tilespmem:$0xD680] =	vst v63  }
0x205: {  	s22 =	simm.s32 $0x5480  }
0x206: {  	[tilespmem:s22], [sflag:$0x1] =	stream.indirect_vreg.gather [hbm4b:s6+s2], $0x80, v4, vm1, $0xb8;
	[tilespmem:$0xD680] =	vst v63  }
0x207: {  	s23 =	simm.s32 $0x5880  }
0x208: {  	[tilespmem:s23], [sflag:$0x1] =	stream.indirect_vreg.gather [hbm4b:s3+s2], $0x80, v3, vm0, $0xb8;
	[tilespmem:$0xD680] =	vst v63  }
0x209: {  	s28 =	simm.s32 $0x6080  }
0x20a: {  	[tilespmem:s28], [sflag:$0x1] =	stream.indirect_vreg.gather [hbm4b:s6+s2], $0x80, v3, vm1, $0xb8;
	[tilespmem:$0xD680] =	vst v63  }
0x20b: {  	v3 =	vld [tilespmem:$0x40];
	_ =	sdelay $0x4  }
0x20c: {  	v60 =	vshrl.u32 v3, $0x3  }
0x20d: {  	v4 =	vmul.u32 $0x18, v60  }
0x20e: {  	v3 =	vand.u32 $0x7, v3  }
0x20f: {  	v3 =	vor.u32 v3, v4  }
0x210: {  	v4 =	vperm.xlane v3, v0;
	_ =	sdelay $0x1  }
0x211: {  	v4 =	vadd.s32 v1, v4;
	_ =	sdelay $0x1  }
0x212: {  	v3 =	vperm.xlane v3, v2;
	_ =	sdelay $0x1  }
0x213: {  	s21 =	simm.s32 $0x6480;
	v3 =	vadd.s32 v1, v3  }
0x214: {  	[tilespmem:s21], [sflag:$0x1] =	stream.indirect_vreg.gather [hbm4b:s3+s2], $0x80, v4, vm0, $0xb8;
	[tilespmem:$0xD680] =	vst v63  }
0x215: {  	s22 =	simm.s32 $0x6C80  }
0x216: {  	[tilespmem:s22], [sflag:$0x1] =	stream.indirect_vreg.gather [hbm4b:s6+s2], $0x80, v4, vm1, $0xb8;
	[tilespmem:$0xD680] =	vst v63  }
0x217: {  	s23 =	simm.s32 $0x7080  }
0x218: {  	[tilespmem:s23], [sflag:$0x1] =	stream.indirect_vreg.gather [hbm4b:s3+s2], $0x80, v3, vm0, $0xb8;
	[tilespmem:$0xD680] =	vst v63  }
0x219: {  	s19 =	simm.s32 $0x7880  }
0x21a: {  	[tilespmem:s19], [sflag:$0x1] =	stream.indirect_vreg.gather [hbm4b:s6+s2], $0x80, v3, vm1, $0xb8;
	[tilespmem:$0xD680] =	vst v63  }
0x21b: {  	v3 =	vld [tilespmem:$0x50];
	_ =	sdelay $0x4  }
0x21c: {  	v61 =	vshrl.u32 v3, $0x3  }
0x21d: {  	v4 =	vmul.u32 $0x18, v61  }
0x21e: {  	v3 =	vand.u32 $0x7, v3  }
0x21f: {  	v3 =	vor.u32 v3, v4  }
0x220: {  	v4 =	vperm.xlane v3, v0;
	_ =	sdelay $0x1  }
0x221: {  	v4 =	vadd.s32 v1, v4;
	_ =	sdelay $0x1  }
0x222: {  	v3 =	vperm.xlane v3, v2;
	_ =	sdelay $0x1  }
0x223: {  	s7 =	simm.s32 $0x7C80;
	v3 =	vadd.s32 v1, v3  }
0x224: {  	[tilespmem:s7], [sflag:$0x1] =	stream.indirect_vreg.gather [hbm4b:s3+s2], $0x80, v4, vm0, $0xb8;
	[tilespmem:$0xD680] =	vst v63  }
0x225: {  	s31 =	simm.s32 $0x8480  }
0x226: {  	[tilespmem:s31], [sflag:$0x1] =	stream.indirect_vreg.gather [hbm4b:s6+s2], $0x80, v4, vm1, $0xb8;
	[tilespmem:$0xD680] =	vst v63  }
0x227: {  	s5 =	simm.s32 $0x8880  }
0x228: {  	[tilespmem:s5], [sflag:$0x1] =	stream.indirect_vreg.gather [hbm4b:s3+s2], $0x80, v3, vm0, $0xb8;
	[tilespmem:$0xD680] =	vst v63  }
0x229: {  	s20 =	simm.s32 $0x9080  }
0x22a: {  	[tilespmem:s20], [sflag:$0x1] =	stream.indirect_vreg.gather [hbm4b:s6+s2], $0x80, v3, vm1, $0xb8;
	[tilespmem:$0xD680] =	vst v63  }
0x22b: {  	v3 =	vld [tilespmem:$0x60];
	_ =	sdelay $0x4  }
0x22c: {  	v62 =	vshrl.u32 v3, $0x3  }
0x22d: {  	v4 =	vmul.u32 $0x18, v62  }
0x22e: {  	v3 =	vand.u32 $0x7, v3  }
0x22f: {  	v3 =	vor.u32 v3, v4  }
0x230: {  	v4 =	vperm.xlane v3, v0;
	_ =	sdelay $0x1  }
0x231: {  	v4 =	vadd.s32 v1, v4;
	_ =	sdelay $0x1  }
0x232: {  	v3 =	vperm.xlane v3, v2;
	_ =	sdelay $0x1  }
0x233: {  	s29 =	simm.s32 $0x9480;
	v3 =	vadd.s32 v1, v3  }
0x234: {  	[tilespmem:s29], [sflag:$0x1] =	stream.indirect_vreg.gather [hbm4b:s3+s2], $0x80, v4, vm0, $0xb8;
	[tilespmem:$0xD680] =	vst v63  }
0x235: {  	s11 =	simm.s32 $0x9C80  }
0x236: {  	[tilespmem:s11], [sflag:$0x1] =	stream.indirect_vreg.gather [hbm4b:s6+s2], $0x80, v4, vm1, $0xb8;
	[tilespmem:$0xD680] =	vst v63  }
0x237: {  	s12 =	simm.s32 $0xA080  }
0x238: {  	[tilespmem:s12], [sflag:$0x1] =	stream.indirect_vreg.gather [hbm4b:s3+s2], $0x80, v3, vm0, $0xb8;
	[tilespmem:$0xD680] =	vst v63  }
0x239: {  	s28 =	simm.s32 $0xA880  }
0x23a: {  	[tilespmem:s28], [sflag:$0x1] =	stream.indirect_vreg.gather [hbm4b:s6+s2], $0x80, v3, vm1, $0xb8;
	[tilespmem:$0xD680] =	vst v63  }
0x23b: {  	v3 =	vld [tilespmem:$0x70];
	_ =	sdelay $0x4  }
0x23c: {  	v63 =	vshrl.u32 v3, $0x3  }
0x23d: {  	v4 =	vmul.u32 $0x18, v63  }
0x23e: {  	v3 =	vand.u32 $0x7, v3  }
0x23f: {  	v3 =	vor.u32 v3, v4  }
0x240: {  	v4 =	vperm.xlane v3, v0;
	_ =	sdelay $0x1  }
0x241: {  	v4 =	vadd.s32 v1, v4;
	_ =	sdelay $0x1  }
0x242: {  	v3 =	vperm.xlane v3, v2;
	_ =	sdelay $0x1  }
0x243: {  	s13 =	simm.s32 $0xAC80;
	v3 =	vadd.s32 v1, v3  }
0x244: {  	[tilespmem:s13], [sflag:$0x1] =	stream.indirect_vreg.gather [hbm4b:s3+s2], $0x80, v4, vm0, $0xb8;
	[tilespmem:$0xD680] =	vst v63  }
0x245: {  	s14 =	simm.s32 $0xB480  }
0x246: {  	[tilespmem:s14], [sflag:$0x1] =	stream.indirect_vreg.gather [hbm4b:s6+s2], $0x80, v4, vm1, $0xb8;
	[tilespmem:$0xD680] =	vst v63  }
0x247: {  	s15 =	simm.s32 $0xB880  }
0x248: {  	[tilespmem:s15], [sflag:$0x1] =	stream.indirect_vreg.gather [hbm4b:s3+s2], $0x80, v3, vm0, $0xb8;
	[tilespmem:$0xD680] =	vst v63  }
0x249: {  	s29 =	simm.s32 $0xC080  }
0x24a: {  	[tilespmem:s29], [sflag:$0x1] =	stream.indirect_vreg.gather [hbm4b:s6+s2], $0x80, v3, vm1, $0xb8;
	[tilespmem:$0xD680] =	vst v63  }
0x24b: {  	s16 =	rddreg [dreg:$0x7];
	_ =	swait.ge [sflag:s24], $0xC000  }
0x24c: {  	[sflag:s24] =	ssyncset.done $0x0  }
.Ltmp2:
0x24d: {  	s31 =	rddreg [dreg:$0xd];
	[sflag:s24] =	ssyncadd.s32 $0xFFFF4000;
	(pc) =	sbr.rel @p0 .LBB2_5-.Ltmp2, $4  }
0x24e: {  	[hbm4b:s31+s2] =	stream.linear.scatter [tilespmem:s0], [sflag:$0x2], $0xC000, $0x38;
	[tilespmem:$0xD680] =	vst v63  }
0x24f: {  	s4 =	rddreg [dreg:$0xe];
	_ =	swait.ge [sflag:s17], $0xC000  }
0x250: {  	[sflag:s17] =	ssyncset.done $0x0  }
0x251: {  	[sflag:s17] =	ssyncadd.s32 $0xFFFF4000  }
0x252: {  	s28 =	rddreg [dreg:$0x4]  }
0x253: {  	[tilespmem:s25], [sflag:$0x2] =	stream.linear.gather [hbm4b:s28+s2], $0x1000, $0x38;
	[tilespmem:$0xD680] =	vst v63  }
0x254: {  	_ =	swait.ge [sflag:s17], $0x1000  }
0x255: {  	[sflag:s17] =	ssyncset.done $0x0  }
0x256: {  	s28 =	simm.s32 $0x80;
	[sflag:s17] =	ssyncadd.s32 $0xFFFFF000  }
0x257: {  	[tilespmem:s28], [sflag:$0x2] =	stream.linear.gather [hbm4b:s16+s2], $0x200, $0x38;
	[tilespmem:$0xD680] =	vst v63  }
0x258: {  	_ =	swait.ge [sflag:s17], $0x200  }
0x259: {  	[sflag:s17] =	ssyncset.done $0x0  }
0x25a: {  	s29 =	simm.s32 $0x280;
	s30 =	rddreg [dreg:$0x5];
	[sflag:s17] =	ssyncadd.s32 $0xFFFFFE00  }
0x25b: {  	[tilespmem:s29], [sflag:$0x2] =	stream.linear.gather [hbm4b:s30+s2], $0x200, $0x38;
	[tilespmem:$0xD680] =	vst v63  }
0x25c: {  	_ =	swait.ge [sflag:s17], $0x200  }
0x25d: {  	[sflag:s17] =	ssyncset.done $0x0  }
0x25e: {  	[sflag:s17] =	ssyncadd.s32 $0xFFFFFE00  }
0x25f: {  	v3 =	vld [tilespmem:s28+$0x0]  }
0x260: {  	v4 =	vld [tilespmem:s29+$0x0];
	_ =	sdelay $0x3  }
0x261: {  	s28 =	simm.s32 $0x90  }
0x262: {  	v6 =	vld [tilespmem:s28+$0x0];
	s28 =	simm.s32 $0x290  }
0x263: {  	v7 =	vld [tilespmem:s28+$0x0]  }
0x264: {  	v3 =	vld.idx.msk [tilespmem:v3+s25+$0x0], $0xffff  }
0x265: {  	v8 =	vld.idx.msk [tilespmem:v4+s25+$0x0], $0xffff;
	_ =	sdelay $0x1  }
0x266: {  	s28 =	simm.s32 $0xA0  }
0x267: {  	s29 =	simm.s32 $0x2A0;
	v5 =	vld [tilespmem:s28+$0x0]  }
0x268: {  	v4 =	vld [tilespmem:s29+$0x0]  }
0x269: {  	v8 =	vadd.f32 v8, v3;
	v3 =	vld.idx.msk [tilespmem:v6+s25+$0x0], $0xffff  }
0x26a: {  	v6 =	vld.idx.msk [tilespmem:v7+s25+$0x0], $0xffff;
	_ =	sdelay $0x1  }
0x26b: {  	s10 =	smov.u32 s4;
	s8 =	smov.u32 s1;
	s28 =	simm.s32 $0xD480  }
0x26c: {  	s0 =	smov.u32 s16;
	s31 =	simm.s32 $0xB0;
	s30 =	simm.s32 $0x20;
	[tilespmem:s28+$0x0] =	vst v8  }
.LBB2_3:
0x26d: {  	v7 =	vld [tilespmem:s31+$0x0];
	s29 =	sadd.s32 $0x10, s29  }
0x26e: {  	v9 =	vadd.f32 v6, v3;
	s30 =	sadd.s32 $0x10, s30;
	v8 =	vld [tilespmem:s29+$0x0]  }
0x26f: {  	s28 =	sadd.s32 $0x10, s28;
	p1 =	slt.u32 s30, $0x1F0;
	v3 =	vld.idx.msk [tilespmem:v5+s25+$0x0], $0xffff  }
.Ltmp3:
0x270: {  	v6 =	vld.idx.msk [tilespmem:v4+s25+$0x0], $0xffff;
	[tilespmem:s28+$0x0] =	vst v9;
	(pc) =	sbr.rel @p1 .LBB2_3-.Ltmp3, $4  }
0x271: {  	_ = 	snop  }
0x272: {  	v5 =	vmov v7  }
0x273: {  	v4 =	vmov v8  }
0x274: {  	s31 =	sadd.s32 $0x10, s31  }
.Ltmp4:
0x275: {  	_ = 	snop;
	(pc) =	sbr.rel .LBB2_4-.Ltmp4, $1  }
0x276: {  	_ =	sdelay $0x3  }
.LBB2_6:
0x277: {  	_ =	sfence.sel $0x180000  }
0x278: {  	[bflag:$0x0] =	sbarrier.arrive $0xFFFF  }
0x279: {  	_ =	strace $0x90000047  }
0x27a: {  	s0 =	stileid.u32;
	[bflag:$0x2] =	sbarrier.arrive $0xFFFF  }
0x27b: {  	p0 =	sne.s32 s0, $0x0;
	s0 =	rddreg [dreg:$0x3]  }
0x27c: {  	s0 =	sadd.s32 @!p0 $0x100000, s0  }
0x27d: {  	[sflag:s0] =	ssyncadd.tile.s32 @!p0 $0x1;
	_ =	shalt  }
.Lfunc_end2:
_tile_overlayer_lowered:
.L_overlay_start_2:
0x27e: {  	(tag) =	ssettag $0x2  }
0x27f: {  	s0 =	rddreg [dreg:$0x0];
	s2 =	stileid.u32  }
0x280: {  	s1 =	rddreg [dreg:$0x1];
	p0 =	sne.s32 s2, $0x0  }
0x281: {  	s3 =	rddreg [dreg:$0x2];
	[bflag:$0x3] =	sbarrier.arrive $0xFFFF;
	s2 =	simm.s32 @!p0 $0x1C02  }
0x282: {  	[timem:s3], [sflag:s2] =	dma.local @!p0 [hbm:s0], s1  }
0x283: {  	s0 =	simm.s32 @!p0 $0x2  }
0x284: {  	_ =	swait.ge @!p0 [sflag:s0], s1  }
0x285: {  	s1 =	ssub.s32 @!p0 $0x0, s1;
	[sflag:s0] =	ssyncset.done @!p0 $0x0  }
0x286: {  	[sflag:s0] =	ssyncadd.s32 @!p0 s1  }
0x287: {  	[bflag:$0x3] =	sbarrier.arrive $0xFFFF  }
0x288: {  	_ =	shalt  }

// kernel: kernel.18.cloned.1.call-start
scs
__scs_entry_jumppad:
0x0: {  	(pc) =	sbr.rel $0x88, $3  }
0x1: {  	(tag) =	ssettag $0x0;
	lr =	simm.s32 $0x1  }
0x2: {  	[smem:$0x3F76] =	sst lr;
	_ =	strace $0xD0000000  }
0x3: {  	_ = 	snop  }
0x4: {  	_ = 	snop  }
0x5: {  	_ = 	snop  }
0x6: {  	_ = 	snop  }
0x7: {  	_ = 	snop  }
__scs_overlays_trampoline_lowered:
0x8: {  	[smem:$0x3F85] =	sst s0  }
0x9: {  	[smem:$0x3F86] =	sst s1  }
0xa: {  	[smem:$0x3F87] =	sst s2  }
0xb: {  	[smem:$0x3F88] =	sst s3  }
0xc: {  	[smem:$0x3F89] =	sst s4  }
0xd: {  	[smem:$0x3F8A] =	sst s5  }
0xe: {  	[smem:$0x3F8B] =	sst s6  }
0xf: {  	[smem:$0x3F8C] =	sst s7  }
0x10: {  	[smem:$0x3F8D] =	sst s8  }
0x11: {  	[smem:$0x3F8E] =	sst s9;
	s0 =	simm.s32 @!p0 $0x0  }
0x12: {  	s1 =	sld [smem:$0x3F74];
	s0 =	simm.s32 @p0 $0x1  }
0x13: {  	[smem:$0x3F8F] =	sst s0;
	s0 =	simm.s32 @!p1 $0x0  }
0x14: {  	s2 =	sld [smem:$0x3F73];
	s0 =	simm.s32 @p1 $0x1  }
0x15: {  	[smem:$0x3F90] =	sst s0;
	s0 =	simm.s32 @!p2 $0x0  }
0x16: {  	s3 =	sld [smem:$0x3FDB];
	s0 =	simm.s32 @p2 $0x1  }
0x17: {  	s4 =	simm.s32 $0x1BF5;
	[smem:$0x3F92] =	sst s0  }
0x18: {  	s0 =	sld [smem:$0x3F75];
	_ =	swait.ge [sflag:s4], $0x0  }
0x19: {  	s7 =	sld [smem:$0x3F76]  }
0x1a: {  	s8 =	sadd.s32 $0xFFFFE003, lr  }
0x1b: {  	s9 =	sadd.s32 $0xFFFFFEF7, lr;
	s5 =	simm.s32 $0xFFFFFFFF;
	p2 =	slt.u32 s8, $0xFFFFF086  }
0x1c: {  	p1 =	slt.u32 s9, $0xF7A;
	s5 =	simm.s32 @!p2 $0x0  }
0x1d: {  	s5 =	simm.s32 @p1 $0x1;
	p0 =	seq.s32 s7, s2  }
0x1e: {  	s7 =	smul.u32 @!p0 $0xF7A, s2;
	p2 =	seq.s32 @!p0 s5, $0x0  }
0x1f: {  	s9 =	smul.u32 $0xF7A, s1;
	s8 =	simm.s32 @!p0 $0x1BF5;
	p2 =	por !p2, p0  }
0x20: {  	[sflag:s8] =	ssyncset.s32 @!p0 $0xFFFFF086;
	s6 =	sadd.s32 @!p0 s3, s7;
	s7 =	simm.s32 @!p0 $0x108  }
0x21: {  	s3 =	sadd.s32 s3, s9;
	s6 =	sadd.s32 @!p0 $0x88, s6;
	s7 =	simm.s32 @p2 $0x1082  }
0x22: {  	[simem:s7], [sflag:s8] =	dma.local @!p0 [hbm:s6], $0xF7A  }
0x23: {  	s9 =	sor.u32 $0xD0000000, s2;
	s6 =	simm.s32 $0x108;
	_ =	swait.ge @!p0 [sflag:s8], $0x0  }
0x24: {  	s3 =	sadd.s32 $0x88, s3;
	s6 =	simm.s32 @!p1 $0x1082;
	[sflag:s4] =	ssyncset.s32 $0xFFFFF086  }
0x25: {  	[simem:s6], [sflag:s4] =	dma.local [hbm:s3], $0xF7A  }
0x26: {  	[smem:$0x3F76] =	sst s1;
	(tag) =	ssettag s2;
	_ =	strace s9  }
0x27: {  	s1 =	sld [smem:$0x3F86]  }
0x28: {  	s2 =	sld [smem:$0x3F87]  }
0x29: {  	s4 =	sld [smem:$0x3F89]  }
0x2a: {  	p0 =	seq.s32 s5, $0x0;
	s5 =	sld [smem:$0x3F8A]  }
0x2b: {  	s6 =	sld [smem:$0x3F8B]  }
0x2c: {  	s7 =	sld [smem:$0x3F8C]  }
0x2d: {  	s3 =	simm.s32 $0x108;
	s8 =	sld [smem:$0x3F8D]  }
0x2e: {  	s3 =	simm.s32 @!p0 $0x1082;
	s9 =	sld [smem:$0x3F8E]  }
0x2f: {  	lr =	sadd.s32 s0, s3;
	s0 =	sld [smem:$0x3F85]  }
0x30: {  	s3 =	sld [smem:$0x3F88]  }
0x31: {  	[smem:$0x3F91] =	sst s10  }
0x32: {  	s10 =	sld [smem:$0x3F8F];
	_ =	sdelay $0x3  }
0x33: {  	p0 =	seq.s32 s10, $0x1;
	s10 =	sld [smem:$0x3F91];
	_ =	sdelay $0x3  }
0x34: {  	[smem:$0x3F91] =	sst s10  }
0x35: {  	s10 =	sld [smem:$0x3F90];
	_ =	sdelay $0x3  }
0x36: {  	p1 =	seq.s32 s10, $0x1;
	s10 =	sld [smem:$0x3F91];
	_ =	sdelay $0x3  }
0x37: {  	[smem:$0x3F91] =	sst s10  }
0x38: {  	s10 =	sld [smem:$0x3F92]  }
0x39: {  	_ = 	snop;
	(pc) =	sbr.ind lr, $3  }
0x3a: {  	_ = 	snop  }
0x3b: {  	_ = 	snop  }
0x3c: {  	p2 =	seq.s32 s10, $0x1;
	s10 =	sld [smem:$0x3F91]  }
0x3d: {  	_ =	shalt  }
0x3e: {  	_ =	shalt  }
0x3f: {  	_ =	shalt  }
0x40: {  	_ =	shalt  }
0x41: {  	_ =	shalt  }
0x42: {  	_ =	shalt  }
0x43: {  	_ =	shalt  }
0x44: {  	_ =	shalt  }
0x45: {  	_ =	shalt  }
0x46: {  	_ =	shalt  }
0x47: {  	_ =	shalt  }
0x48: {  	_ =	shalt  }
0x49: {  	_ =	shalt  }
0x4a: {  	_ =	shalt  }
0x4b: {  	_ =	shalt  }
0x4c: {  	_ =	shalt  }
0x4d: {  	_ =	shalt  }
0x4e: {  	_ =	shalt  }
0x4f: {  	_ =	shalt  }
0x50: {  	_ =	shalt  }
0x51: {  	_ =	shalt  }
0x52: {  	_ =	shalt  }
0x53: {  	_ =	shalt  }
0x54: {  	_ =	shalt  }
0x55: {  	_ =	shalt  }
0x56: {  	_ =	shalt  }
0x57: {  	_ =	shalt  }
0x58: {  	_ =	shalt  }
0x59: {  	_ =	shalt  }
0x5a: {  	_ =	shalt  }
0x5b: {  	_ =	shalt  }
0x5c: {  	_ =	shalt  }
0x5d: {  	_ =	shalt  }
0x5e: {  	_ =	shalt  }
0x5f: {  	_ =	shalt  }
0x60: {  	_ =	shalt  }
0x61: {  	_ =	shalt  }
0x62: {  	_ =	shalt  }
0x63: {  	_ =	shalt  }
0x64: {  	_ =	shalt  }
0x65: {  	_ =	shalt  }
0x66: {  	_ =	shalt  }
0x67: {  	_ =	shalt  }
0x68: {  	_ =	shalt  }
0x69: {  	_ =	shalt  }
0x6a: {  	_ =	shalt  }
0x6b: {  	_ =	shalt  }
0x6c: {  	_ =	shalt  }
0x6d: {  	_ =	shalt  }
0x6e: {  	_ =	shalt  }
0x6f: {  	_ =	shalt  }
0x70: {  	_ =	shalt  }
0x71: {  	_ =	shalt  }
0x72: {  	_ =	shalt  }
0x73: {  	_ =	shalt  }
0x74: {  	_ =	shalt  }
0x75: {  	_ =	shalt  }
0x76: {  	_ =	shalt  }
0x77: {  	_ =	shalt  }
0x78: {  	_ =	shalt  }
0x79: {  	_ =	shalt  }
0x7a: {  	_ =	shalt  }
0x7b: {  	_ =	shalt  }
0x7c: {  	_ =	shalt  }
0x7d: {  	_ =	shalt  }
0x7e: {  	_ =	shalt  }
0x7f: {  	_ =	shalt  }
0x80: {  	_ =	shalt  }
0x81: {  	_ =	shalt  }
0x82: {  	_ =	shalt  }
0x83: {  	_ =	shalt  }
0x84: {  	_ =	shalt  }
0x85: {  	_ =	shalt  }
0x86: {  	_ =	shalt  }
0x87: {  	_ =	shalt  }
.Lfunc_end0:
.L_simem_size_0:
called_computation.1_lowered:
.L_overlay_start_0:
0x88: {  	s2 =	sld [smem:$0x3FD9]  }
0x89: {  	s3 =	sld [smem:$0x3FFE];
	_ =	sdelay $0x1  }
0x8a: {  	s1 =	srdreg.scid  }
0x8b: {  	s0 =	sand.u32 $0x1, s1  }
0x8c: {  	s14 =	sshll.u32 s0, $0xA;
	s2 =	sadd.s32 s3, s2  }
0x8d: {  	s2 =	sadd.s32 s2, s14  }
0x8e: {  	[smem:$0x3F9D] =	sst s2  }
0x8f: {  	_ = 	snop  }
0x90: {  	s2 =	sld [smem:$0x3FD0];
	_ =	sdelay $0x2  }
0x91: {  	s15 =	simm.s32 $0xA;
	s4 =	simm.s32 $0x10  }
0x92: {  	[smem:s4], [sflag:s15] =	dma.local [hbm:s2], $0x1  }
0x93: {  	_ =	swait.eq [sflag:s15], $0x1  }
0x94: {  	[sflag:s15] =	ssyncset.done $0x0  }
0x95: {  	s16 =	sld [smem:$0x10];
	[sflag:s15] =	ssyncadd.s32 $0xFFFFFFFF  }
0x96: {  	s17 =	sld [smem:$0x11];
	(tm) =	ssettm $0x1  }
0x97: {  	s18 =	sld [smem:$0x3FFB];
	_ =	sdelay $0x3  }
0x98: {  	_ =	strace s18  }
0x99: {  	s4 =	sld [smem:$0x3FFC];
	_ =	sdelay $0x3  }
0x9a: {  	_ =	strace s4  }
0x9b: {  	s4 =	sld [smem:$0x3FFD];
	_ =	sdelay $0x3  }
0x9c: {  	_ =	strace s4  }
0x9d: {  	_ =	strace $0x8FFFFFFF  }
0x9e: {  	s19 =	sld [smem:$0x3FDB];
	_ =	sdelay $0x1  }
0x9f: {  	s5 =	simm.s32 $_scs_section_size  }
0xa0: {  	s6 =	simm.s32 $_size__tile_overlayer_lowered;
	s7 =	simm.s32 $_tile_overlayer_lowered  }
0xa1: {  	s22 =	simm.s32 $0x1BFF;
	s21 =	sshll.u32 s7, $0x1;
	s4 =	sadd.s32 s5, s19  }
0xa2: {  	s8 =	simm.s32 $0x0;
	s20 =	sshll.u32 s6, $0x1;
	s6 =	sadd.s32 s21, s4  }
0xa3: {  	[timem:s8], [sflag:s22] =	dma.local [hbm:s6], s20  }
0xa4: {  	_ =	swait.ge [sflag:s22], s20  }
0xa5: {  	s5 =	ssub.s32 $0x0, s20;
	[sflag:s22] =	ssyncset.done $0x0  }
0xa6: {  	[sflag:s22] =	ssyncadd.s32 s5;
	_ =	sdelay $0x1  }
0xa7: {  	s23 =	simm.s32 $0x1B8B  }
0xa8: {  	_ =	swait.ge [sflag:s23], $0x1  }
0xa9: {  	[sflag:s23] =	ssyncset.done $0x0  }
0xaa: {  	s25 =	simm.s32 $0x1B8E;
	s24 =	sld [smem:$0x3FFE];
	[sflag:s23] =	ssyncadd.s32 $0xFFFFFFFF  }
0xab: {  	s26 =	simm.s32 $execute0_lowered;
	[smem:$0x3FD2] =	sst s25  }
0xac: {  	s6 =	sshll.u32 s26, $0x1;
	_ =	strace $0x80000049;
	[dreg:$0x1] =	wrdreg $0xFFFFFFFF  }
0xad: {  	s28 =	simm.s32 $_size_execute0_lowered;
	s4 =	sadd.s32 s4, s6;
	[dreg:$0x0] =	wrdreg $0x0  }
0xae: {  	s6 =	sshll.u32 s28, $0x1;
	[dreg:$0x2] =	wrdreg s4  }
0xaf: {  	[dreg:$0x3] =	wrdreg s6  }
0xb0: {  	[dreg:$0x4] =	wrdreg $0xC0  }
0xb1: {  	_ =	task [dreg:s8], $0x5FFFF  }
0xb2: {  	[dreg:$0x1] =	wrdreg $0xFFFFFFFF  }
0xb3: {  	[dreg:$0x0] =	wrdreg $0x60  }
0xb4: {  	[dreg:$0x2] =	wrdreg s24  }
0xb5: {  	[dreg:$0x3] =	wrdreg s16  }
0xb6: {  	[dreg:$0x4] =	wrdreg s17  }
0xb7: {  	[dreg:$0x5] =	wrdreg $0x9  }
0xb8: {  	_ =	task.clear_ibuf [dreg:s8], $0x6FFFF;
	_ =	strace $0x90000049  }
0xb9: {  	s29 =	simm.s32 $0x9;
	_ =	strace $0x8000004B  }
0xba: {  	_ =	swait.ge [sflag:s29], $0x1  }
0xbb: {  	[sflag:s29] =	ssyncadd.s32 $0xFFFFFFFF  }
0xbc: {  	_ =	strace $0x9000004B  }
0xbd: {  	_ =	sfence  }
0xbe: {  	s30 =	sld [smem:$0x0];
	_ =	sdelay $0x2  }
0xbf: {  	s31 =	sshll.u32 s1, $0xD;
	s1 =	sshrl.u32 s1, $0x2  }
0xc0: {  	s3 =	sand.u32 $0x4000, s31;
	s1 =	sadd.s32 s1, s30  }
0xc1: {  	s0 =	sor.u32 s3, s0;
	s1 =	sshll.u32 s1, $0x11  }
0xc2: {  	s0 =	sor.u32 s1, s0  }
0xc3: {  	s0 =	sadd.s32 $0x8F2B, s0  }
0xc4: {  	[sflag:s0] =	ssyncadd.remote.s32 $0x1  }
0xc5: {  	_ =	sfence.sel $0xFFFF  }
0xc6: {  	[dreg:$0x0] =	wrdreg $0xFFFFFFFF;
	(pc) =	sbr.abs _section_cstart, $3  }
0xc7: {  	[dreg:$0x1] =	wrdreg $0xFFFFFFFF  }
0xc8: {  	_ =	task.clear_ibuf [dreg:s8], $0x2FFFF;
	_ =	strace $0x9FFFFFFF  }
0xc9: {  	(tm) =	ssettm $0x7FFFFFFF  }
tec
execute0_lowered:
.L_overlay_start_1:
0x0: {  	(tag) =	ssettag $0x1  }
0x1: {  	s0 =	rddreg [dreg:$0x0]  }
0x2: {  	s1 =	rddreg [dreg:$0x1]  }
0x3: {  	s4 =	rddreg [dreg:$0x2];
	s2 =	simm.s32 $0x0  }
0x4: {  	s3 =	srdreg.scid;
	s13 =	stileid.u32;
	s17 =	simm.s32 $0x2  }
0x5: {  	s30 =	simm.s32 $0xC80;
	[smem:$0x7FF] =	sst s2;
	s5 =	sand.u32 $0x1, s3  }
0x6: {  	s3 =	sadd.s32 $0x9000, s0;
	s7 =	sshll.u32 s13, $0x1;
	s8 =	sadd.s32 $0x39000, s0  }
0x7: {  	s23 =	sadd.s32 $0x39200, s0;
	p0 =	sgt.u32 s13, $0x7;
	_ =	strace $0x8000004A  }
0x8: {  	s6 =	ssub.s32 $0x2, s5;
	[dreg:$0x4] =	wrdreg s8;
	s5 =	sor.u32 s5, s7  }
0x9: {  	s22 =	sshrl.u32 s6, $0x1;
	s9 =	sshll.u32 s5, $0x6;
	s5 =	smul.u32 $0x6000, s5  }
0xa: {  	s8 =	ssub.s32 s6, s22;
	s16 =	sadd.s32 s1, s9;
	s10 =	sor.u32 $0x10, s9  }
0xb: {  	s6 =	sadd.s32 $0x9100, s0;
	s11 =	sor.u32 $0x20, s9;
	s4 =	sadd.s32 s4, s9  }
0xc: {  	s12 =	sor.u32 $0x30, s9;
	s9 =	simm.s32 $0x1880;
	[dreg:$0x6] =	wrdreg s4  }
0xd: {  	s24 =	smul.u32 $0x180, s10;
	s5 =	sadd.s32 s23, s5;
	[dreg:$0x7] =	wrdreg s16  }
0xe: {  	s25 =	smul.u32 $0x180, s11;
	s10 =	sadd.s32 s1, s10;
	[dreg:$0x8] =	wrdreg s5  }
0xf: {  	s26 =	smul.u32 $0x180, s12;
	s28 =	sadd.s32 s1, s11;
	[dreg:$0x9] =	wrdreg s10  }
0x10: {  	s1 =	sadd.s32 s1, s12;
	s29 =	sadd.s32 $0x400, s16;
	[dreg:$0xb] =	wrdreg s28  }
.Ltmp0:
0x11: {  	s31 =	smax.u32 s8, $0x1;
	[dreg:$0x5] =	wrdreg s29;
	(pc) =	sbr.rel .LBB2_1-.Ltmp0, $4  }
0x12: {  	s8 =	simm.s32 $0x1080;
	[dreg:$0xe] =	wrdreg s31;
	s0 =	sadd.s32 s23, s24  }
0x13: {  	v2 =	vlaneseq.u32;
	s10 =	simm.s32 $0x1C80;
	s5 =	sadd.s32 s23, s25;
	[dreg:$0xa] =	wrdreg s0  }
0x14: {  	vm0 =	vmmov $0xffff;
	vm1 =	vmmov $0xff;
	v1 =	vshrl.u32 v2, $0x3;
	s24 =	simm.s32 $0x1;
	[dreg:$0xc] =	wrdreg s5;
	s0 =	sadd.s32 s23, s26  }
0x15: {  	v0 =	vand.u32 $0x7, v2;
	v2 =	vor.u32 $0x8, v2;
	v1 =	vmul.u32 $0x8, v1;
	s25 =	simm.s32 $0xC480;
	s26 =	simm.s32 $0x0;
	[dreg:$0xd] =	wrdreg s0  }
.LBB2_4:
0x16: {  	_ =	sdelay $0x3  }
0x17: {  	v5 =	vld.idx.msk [tilespmem:v5+s25+$0x0], $0xffff  }
0x18: {  	v4 =	vld.idx.msk [tilespmem:v4+s25+$0x0], $0xffff;
	_ =	sdelay $0x3  }
0x19: {  	v3 =	vadd.f32 v6, v3  }
0x1a: {  	s28 =	sadd.s32 $0x10, s28;
	v4 =	vadd.f32 v4, v5  }
0x1b: {  	[tilespmem:s28+$0x0] =	vst v3;
	s28 =	sadd.s32 $0x10, s28  }
0x1c: {  	[tilespmem:s28+$0x0] =	vst v4  }
0x1d: {  	s5 =	simm.s32 $0xD480;
	s16 =	smov.u32 s0;
	s28 =	rddreg [dreg:$0x6]  }
0x1e: {  	[hbm4b:s28+s2] =	stream.linear.scatter [tilespmem:s5], [sflag:$0x2], $0x200, $0x38;
	[tilespmem:$0xD680] =	vst v63  }
0x1f: {  	s1 =	smov.u32 s8;
	s4 =	smov.u32 s10;
	_ =	swait.ge [sflag:s17], $0x200  }
0x20: {  	s30 =	simm.s32 $0xC80;
	s8 =	simm.s32 $0x1080;
	[sflag:s17] =	ssyncset.done $0x0  }
0x21: {  	s9 =	simm.s32 $0x1880;
	s10 =	simm.s32 $0x1C80;
	[sflag:s17] =	ssyncadd.s32 $0xFFFFFE00  }
.LBB2_5:
0x22: {  	s26 =	sadd.s32 $0x1, s26  }
0x23: {  	p1 =	sne.s32 s26, s4  }
.Ltmp1:
0x24: {  	_ = 	snop;
	(pc) =	sbr.rel @!p1 .LBB2_6-.Ltmp1, $1  }
0x25: {  	_ =	sdelay $0x3  }
.LBB2_1:
0x26: {  	[tilespmem:s2], [sflag:$0x2] =	stream.linear.gather [hbm4b:s16+s2], $0x80, $0x38;
	[tilespmem:$0xD680] =	vst v63  }
0x27: {  	_ =	swait.ge [sflag:s17], $0x80  }
0x28: {  	[sflag:s17] =	ssyncset.done $0x0  }
0x29: {  	[sflag:s17] =	ssyncadd.s32 $0xFFFFFF80  }
0x2a: {  	v3 =	vld [tilespmem:$0x0];
	_ =	sdelay $0x4  }
0x2b: {  	v4 =	vshrl.u32 v3, $0x3  }
0x2c: {  	v4 =	vmul.u32 $0x18, v4  }
0x2d: {  	v3 =	vand.u32 $0x7, v3  }
0x2e: {  	v3 =	vor.u32 v3, v4  }
0x2f: {  	v4 =	vperm.xlane v3, v0;
	_ =	sdelay $0x1  }
0x30: {  	v4 =	vadd.s32 v1, v4;
	_ =	sdelay $0x1  }
0x31: {  	v3 =	vperm.xlane v3, v2;
	_ =	sdelay $0x1  }
0x32: {  	s0 =	simm.s32 $0x480;
	v3 =	vadd.s32 v1, v3  }
0x33: {  	[tilespmem:s0], [sflag:$0x1] =	stream.indirect_vreg.gather [hbm4b:s3+s2], $0x80, v4, vm0, $0xb8;
	[tilespmem:$0xD680] =	vst v63  }
0x34: {  	_ = 	snop  }
0x35: {  	[tilespmem:s30], [sflag:$0x1] =	stream.indirect_vreg.gather [hbm4b:s6+s2], $0x80, v4, vm1, $0xb8;
	[tilespmem:$0xD680] =	vst v63  }
0x36: {  	_ = 	snop  }
0x37: {  	[tilespmem:s8], [sflag:$0x1] =	stream.indirect_vreg.gather [hbm4b:s3+s2], $0x80, v3, vm0, $0xb8;
	[tilespmem:$0xD680] =	vst v63  }
0x38: {  	_ = 	snop  }
0x39: {  	[tilespmem:s9], [sflag:$0x1] =	stream.indirect_vreg.gather [hbm4b:s6+s2], $0x80, v3, vm1, $0xb8;
	[tilespmem:$0xD680] =	vst v63  }
0x3a: {  	v3 =	vld [tilespmem:$0x10];
	_ =	sdelay $0x4  }
0x3b: {  	v33 =	vshrl.u32 v3, $0x3  }
0x3c: {  	v4 =	vmul.u32 $0x18, v33  }
0x3d: {  	v3 =	vand.u32 $0x7, v3  }
0x3e: {  	v3 =	vor.u32 v3, v4  }
0x3f: {  	v4 =	vperm.xlane v3, v0;
	_ =	sdelay $0x1  }
0x40: {  	v4 =	vadd.s32 v1, v4;
	_ =	sdelay $0x1  }
0x41: {  	v3 =	vperm.xlane v3, v2;
	_ =	sdelay $0x1  }
0x42: {  	v3 =	vadd.s32 v1, v3  }
0x43: {  	[tilespmem:s10], [sflag:$0x1] =	stream.indirect_vreg.gather [hbm4b:s3+s2], $0x80, v4, vm0, $0xb8;
	[tilespmem:$0xD680] =	vst v63  }
0x44: {  	s4 =	simm.s32 $0x2480  }
0x45: {  	[tilespmem:s4], [sflag:$0x1] =	stream.indirect_vreg.gather [hbm4b:s6+s2], $0x80, v4, vm1, $0xb8;
	[tilespmem:$0xD680] =	vst v63  }
0x46: {  	s18 =	simm.s32 $0x2880  }
0x47: {  	[tilespmem:s18], [sflag:$0x1] =	stream.indirect_vreg.gather [hbm4b:s3+s2], $0x80, v3, vm0, $0xb8;
	[tilespmem:$0xD680] =	vst v63  }
0x48: {  	s19 =	simm.s32 $0x3080  }
0x49: {  	[tilespmem:s19], [sflag:$0x1] =	stream.indirect_vreg.gather [hbm4b:s6+s2], $0x80, v3, vm1, $0xb8;
	[tilespmem:$0xD680] =	vst v63  }
0x4a: {  	v3 =	vld [tilespmem:$0x20];
	_ =	sdelay $0x4  }
0x4b: {  	v34 =	vshrl.u32 v3, $0x3  }
0x4c: {  	v4 =	vmul.u32 $0x18, v34  }
0x4d: {  	v3 =	vand.u32 $0x7, v3  }
0x4e: {  	v3 =	vor.u32 v3, v4  }
0x4f: {  	v4 =	vperm.xlane v3, v0;
	_ =	sdelay $0x1  }
0x50: {  	v4 =	vadd.s32 v1, v4;
	_ =	sdelay $0x1  }
0x51: {  	v3 =	vperm.xlane v3, v2;
	_ =	sdelay $0x1  }
0x52: {  	s20 =	simm.s32 $0x3480;
	v3 =	vadd.s32 v1, v3  }
0x53: {  	[tilespmem:s20], [sflag:$0x1] =	stream.indirect_vreg.gather [hbm4b:s3+s2], $0x80, v4, vm0, $0xb8;
	[tilespmem:$0xD680] =	vst v63  }
0x54: {  	s21 =	simm.s32 $0x3C80  }
0x55: {  	[tilespmem:s21], [sflag:$0x1] =	stream.indirect_vreg.gather [hbm4b:s6+s2], $0x80, v4, vm1, $0xb8;
	[tilespmem:$0xD680] =	vst v63  }
0x56: {  	s22 =	simm.s32 $0x4080  }
0x57: {  	[tilespmem:s22], [sflag:$0x1] =	stream.indirect_vreg.gather [hbm4b:s3+s2], $0x80, v3, vm0, $0xb8;
	[tilespmem:$0xD680] =	vst v63  }
0x58: {  	s23 =	simm.s32 $0x4880  }
0x59: {  	[tilespmem:s23], [sflag:$0x1] =	stream.indirect_vreg.gather [hbm4b:s6+s2], $0x80, v3, vm1, $0xb8;
	[tilespmem:$0xD680] =	vst v63  }
0x5a: {  	v3 =	vld [tilespmem:$0x30];
	_ =	sdelay $0x4  }
0x5b: {  	v35 =	vshrl.u32 v3, $0x3  }
0x5c: {  	v4 =	vmul.u32 $0x18, v35  }
0x5d: {  	v3 =	vand.u32 $0x7, v3  }
0x5e: {  	v3 =	vor.u32 v3, v4  }
0x5f: {  	v4 =	vperm.xlane v3, v0;
	_ =	sdelay $0x1  }
0x60: {  	v4 =	vadd.s32 v1, v4;
	_ =	sdelay $0x1  }
0x61: {  	v3 =	vperm.xlane v3, v2;
	_ =	sdelay $0x1  }
0x62: {  	s28 =	simm.s32 $0x4C80;
	v3 =	vadd.s32 v1, v3  }
0x63: {  	[tilespmem:s28], [sflag:$0x1] =	stream.indirect_vreg.gather [hbm4b:s3+s2], $0x80, v4, vm0, $0xb8;
	[tilespmem:$0xD680] =	vst v63  }
0x64: {  	s29 =	simm.s32 $0x5480  }
0x65: {  	[tilespmem:s29], [sflag:$0x1] =	stream.indirect_vreg.gather [hbm4b:s6+s2], $0x80, v4, vm1, $0xb8;
	[tilespmem:$0xD680] =	vst v63  }
0x66: {  	s31 =	simm.s32 $0x5880  }
0x67: {  	[tilespmem:s31], [sflag:$0x1] =	stream.indirect_vreg.gather [hbm4b:s3+s2], $0x80, v3, vm0, $0xb8;
	[tilespmem:$0xD680] =	vst v63  }
0x68: {  	s5 =	simm.s32 $0x6080  }
0x69: {  	[tilespmem:s5], [sflag:$0x1] =	stream.indirect_vreg.gather [hbm4b:s6+s2], $0x80, v3, vm1, $0xb8;
	[tilespmem:$0xD680] =	vst v63  }
0x6a: {  	v3 =	vld [tilespmem:$0x40];
	_ =	sdelay $0x4  }
0x6b: {  	v36 =	vshrl.u32 v3, $0x3  }
0x6c: {  	v4 =	vmul.u32 $0x18, v36  }
0x6d: {  	v3 =	vand.u32 $0x7, v3  }
0x6e: {  	v3 =	vor.u32 v3, v4  }
0x6f: {  	v4 =	vperm.xlane v3, v0;
	_ =	sdelay $0x1  }
0x70: {  	v4 =	vadd.s32 v1, v4;
	_ =	sdelay $0x1  }
0x71: {  	v3 =	vperm.xlane v3, v2;
	_ =	sdelay $0x1  }
0x72: {  	s13 =	simm.s32 $0x6480;
	v3 =	vadd.s32 v1, v3  }
0x73: {  	[tilespmem:s13], [sflag:$0x1] =	stream.indirect_vreg.gather [hbm4b:s3+s2], $0x80, v4, vm0, $0xb8;
	[tilespmem:$0xD680] =	vst v63  }
0x74: {  	s14 =	simm.s32 $0x6C80  }
0x75: {  	[tilespmem:s14], [sflag:$0x1] =	stream.indirect_vreg.gather [hbm4b:s6+s2], $0x80, v4, vm1, $0xb8;
	[tilespmem:$0xD680] =	vst v63  }
0x76: {  	s15 =	simm.s32 $0x7080  }
0x77: {  	[tilespmem:s15], [sflag:$0x1] =	stream.indirect_vreg.gather [hbm4b:s3+s2], $0x80, v3, vm0, $0xb8;
	[tilespmem:$0xD680] =	vst v63  }
0x78: {  	s16 =	simm.s32 $0x7880  }
0x79: {  	[tilespmem:s16], [sflag:$0x1] =	stream.indirect_vreg.gather [hbm4b:s6+s2], $0x80, v3, vm1, $0xb8;
	[tilespmem:$0xD680] =	vst v63  }
0x7a: {  	v3 =	vld [tilespmem:$0x50];
	_ =	sdelay $0x4  }
0x7b: {  	v37 =	vshrl.u32 v3, $0x3  }
0x7c: {  	v4 =	vmul.u32 $0x18, v37  }
0x7d: {  	v3 =	vand.u32 $0x7, v3  }
0x7e: {  	v3 =	vor.u32 v3, v4  }
0x7f: {  	v4 =	vperm.xlane v3, v0;
	_ =	sdelay $0x1  }
0x80: {  	v4 =	vadd.s32 v1, v4;
	_ =	sdelay $0x1  }
0x81: {  	v3 =	vperm.xlane v3, v2;
	_ =	sdelay $0x1  }
0x82: {  	s19 =	simm.s32 $0x7C80;
	v3 =	vadd.s32 v1, v3  }
0x83: {  	[tilespmem:s19], [sflag:$0x1] =	stream.indirect_vreg.gather [hbm4b:s3+s2], $0x80, v4, vm0, $0xb8;
	[tilespmem:$0xD680] =	vst v63  }
0x84: {  	s21 =	simm.s32 $0x8480  }
0x85: {  	[tilespmem:s21], [sflag:$0x1] =	stream.indirect_vreg.gather [hbm4b:s6+s2], $0x80, v4, vm1, $0xb8;
	[tilespmem:$0xD680] =	vst v63  }
0x86: {  	s22 =	simm.s32 $0x8880  }
0x87: {  	[tilespmem:s22], [sflag:$0x1] =	stream.indirect_vreg.gather [hbm4b:s3+s2], $0x80, v3, vm0, $0xb8;
	[tilespmem:$0xD680] =	vst v63  }
0x88: {  	s23 =	simm.s32 $0x9080  }
0x89: {  	[tilespmem:s23], [sflag:$0x1] =	stream.indirect_vreg.gather [hbm4b:s6+s2], $0x80, v3, vm1, $0xb8;
	[tilespmem:$0xD680] =	vst v63  }
0x8a: {  	v3 =	vld [tilespmem:$0x60];
	_ =	sdelay $0x4  }
0x8b: {  	v38 =	vshrl.u32 v3, $0x3  }
0x8c: {  	v4 =	vmul.u32 $0x18, v38  }
0x8d: {  	v3 =	vand.u32 $0x7, v3  }
0x8e: {  	v3 =	vor.u32 v3, v4  }
0x8f: {  	v4 =	vperm.xlane v3, v0;
	_ =	sdelay $0x1  }
0x90: {  	v4 =	vadd.s32 v1, v4;
	_ =	sdelay $0x1  }
0x91: {  	v3 =	vperm.xlane v3, v2;
	_ =	sdelay $0x1  }
0x92: {  	s28 =	simm.s32 $0x9480;
	v3 =	vadd.s32 v1, v3  }
0x93: {  	[tilespmem:s28], [sflag:$0x1] =	stream.indirect_vreg.gather [hbm4b:s3+s2], $0x80, v4, vm0, $0xb8;
	[tilespmem:$0xD680] =	vst v63  }
0x94: {  	s31 =	simm.s32 $0x9C80  }
0x95: {  	[tilespmem:s31], [sflag:$0x1] =	stream.indirect_vreg.gather [hbm4b:s6+s2], $0x80, v4, vm1, $0xb8;
	[tilespmem:$0xD680] =	vst v63  }
0x96: {  	s15 =	simm.s32 $0xA080  }
0x97: {  	[tilespmem:s15], [sflag:$0x1] =	stream.indirect_vreg.gather [hbm4b:s3+s2], $0x80, v3, vm0, $0xb8;
	[tilespmem:$0xD680] =	vst v63  }
0x98: {  	s16 =	simm.s32 $0xA880  }
0x99: {  	[tilespmem:s16], [sflag:$0x1] =	stream.indirect_vreg.gather [hbm4b:s6+s2], $0x80, v3, vm1, $0xb8;
	[tilespmem:$0xD680] =	vst v63  }
0x9a: {  	v3 =	vld [tilespmem:$0x70];
	_ =	sdelay $0x4  }
0x9b: {  	v39 =	vshrl.u32 v3, $0x3  }
0x9c: {  	v4 =	vmul.u32 $0x18, v39  }
0x9d: {  	v3 =	vand.u32 $0x7, v3  }
0x9e: {  	v3 =	vor.u32 v3, v4  }
0x9f: {  	v4 =	vperm.xlane v3, v0;
	_ =	sdelay $0x1  }
0xa0: {  	v4 =	vadd.s32 v1, v4;
	_ =	sdelay $0x1  }
0xa1: {  	v3 =	vperm.xlane v3, v2;
	_ =	sdelay $0x1  }
0xa2: {  	s19 =	simm.s32 $0xAC80;
	v3 =	vadd.s32 v1, v3  }
0xa3: {  	[tilespmem:s19], [sflag:$0x1] =	stream.indirect_vreg.gather [hbm4b:s3+s2], $0x80, v4, vm0, $0xb8;
	[tilespmem:$0xD680] =	vst v63  }
0xa4: {  	s21 =	simm.s32 $0xB480  }
0xa5: {  	[tilespmem:s21], [sflag:$0x1] =	stream.indirect_vreg.gather [hbm4b:s6+s2], $0x80, v4, vm1, $0xb8;
	[tilespmem:$0xD680] =	vst v63  }
0xa6: {  	s22 =	simm.s32 $0xB880  }
0xa7: {  	[tilespmem:s22], [sflag:$0x1] =	stream.indirect_vreg.gather [hbm4b:s3+s2], $0x80, v3, vm0, $0xb8;
	[tilespmem:$0xD680] =	vst v63  }
0xa8: {  	s23 =	simm.s32 $0xC080  }
0xa9: {  	[tilespmem:s23], [sflag:$0x1] =	stream.indirect_vreg.gather [hbm4b:s6+s2], $0x80, v3, vm1, $0xb8;
	[tilespmem:$0xD680] =	vst v63  }
0xaa: {  	_ =	swait.ge [sflag:s24], $0xC000  }
0xab: {  	[sflag:s24] =	ssyncset.done $0x0  }
0xac: {  	s28 =	rddreg [dreg:$0x8];
	[sflag:s24] =	ssyncadd.s32 $0xFFFF4000  }
0xad: {  	[hbm4b:s28+s2] =	stream.linear.scatter [tilespmem:s0], [sflag:$0x2], $0xC000, $0x38;
	[tilespmem:$0xD680] =	vst v63  }
0xae: {  	_ =	swait.ge [sflag:s17], $0xC000  }
0xaf: {  	[sflag:s17] =	ssyncset.done $0x0  }
0xb0: {  	s31 =	rddreg [dreg:$0x9];
	[sflag:s17] =	ssyncadd.s32 $0xFFFF4000  }
0xb1: {  	[tilespmem:s2], [sflag:$0x2] =	stream.linear.gather [hbm4b:s31+s2], $0x80, $0x38;
	[tilespmem:$0xD680] =	vst v63  }
0xb2: {  	_ =	swait.ge [sflag:s17], $0x80  }
0xb3: {  	[sflag:s17] =	ssyncset.done $0x0  }
0xb4: {  	[sflag:s17] =	ssyncadd.s32 $0xFFFFFF80  }
0xb5: {  	v3 =	vld [tilespmem:$0x0];
	_ =	sdelay $0x4  }
0xb6: {  	v40 =	vshrl.u32 v3, $0x3  }
0xb7: {  	v4 =	vmul.u32 $0x18, v40  }
0xb8: {  	v3 =	vand.u32 $0x7, v3  }
0xb9: {  	v3 =	vor.u32 v3, v4  }
0xba: {  	v4 =	vperm.xlane v3, v0;
	_ =	sdelay $0x1  }
0xbb: {  	v4 =	vadd.s32 v1, v4;
	_ =	sdelay $0x1  }
0xbc: {  	v3 =	vperm.xlane v3, v2;
	_ =	sdelay $0x1  }
0xbd: {  	v3 =	vadd.s32 v1, v3  }
0xbe: {  	[tilespmem:s0], [sflag:$0x1] =	stream.indirect_vreg.gather [hbm4b:s3+s2], $0x80, v4, vm0, $0xb8;
	[tilespmem:$0xD680] =	vst v63  }
0xbf: {  	_ = 	snop  }
0xc0: {  	[tilespmem:s30], [sflag:$0x1] =	stream.indirect_vreg.gather [hbm4b:s6+s2], $0x80, v4, vm1, $0xb8;
	[tilespmem:$0xD680] =	vst v63  }
0xc1: {  	_ = 	snop  }
0xc2: {  	[tilespmem:s8], [sflag:$0x1] =	stream.indirect_vreg.gather [hbm4b:s3+s2], $0x80, v3, vm0, $0xb8;
	[tilespmem:$0xD680] =	vst v63  }
0xc3: {  	_ = 	snop  }
0xc4: {  	[tilespmem:s9], [sflag:$0x1] =	stream.indirect_vreg.gather [hbm4b:s6+s2], $0x80, v3, vm1, $0xb8;
	[tilespmem:$0xD680] =	vst v63  }
0xc5: {  	v3 =	vld [tilespmem:$0x10];
	_ =	sdelay $0x4  }
0xc6: {  	v41 =	vshrl.u32 v3, $0x3  }
0xc7: {  	v4 =	vmul.u32 $0x18, v41  }
0xc8: {  	v3 =	vand.u32 $0x7, v3  }
0xc9: {  	v3 =	vor.u32 v3, v4  }
0xca: {  	v4 =	vperm.xlane v3, v0;
	_ =	sdelay $0x1  }
0xcb: {  	v4 =	vadd.s32 v1, v4;
	_ =	sdelay $0x1  }
0xcc: {  	v3 =	vperm.xlane v3, v2;
	_ =	sdelay $0x1  }
0xcd: {  	v3 =	vadd.s32 v1, v3  }
0xce: {  	[tilespmem:s10], [sflag:$0x1] =	stream.indirect_vreg.gather [hbm4b:s3+s2], $0x80, v4, vm0, $0xb8;
	[tilespmem:$0xD680] =	vst v63  }
0xcf: {  	s11 =	simm.s32 $0x2480  }
0xd0: {  	[tilespmem:s11], [sflag:$0x1] =	stream.indirect_vreg.gather [hbm4b:s6+s2], $0x80, v4, vm1, $0xb8;
	[tilespmem:$0xD680] =	vst v63  }
0xd1: {  	s12 =	simm.s32 $0x2880  }
0xd2: {  	[tilespmem:s12], [sflag:$0x1] =	stream.indirect_vreg.gather [hbm4b:s3+s2], $0x80, v3, vm0, $0xb8;
	[tilespmem:$0xD680] =	vst v63  }
0xd3: {  	s18 =	simm.s32 $0x3080  }
0xd4: {  	[tilespmem:s18], [sflag:$0x1] =	stream.indirect_vreg.gather [hbm4b:s6+s2], $0x80, v3, vm1, $0xb8;
	[tilespmem:$0xD680] =	vst v63  }
0xd5: {  	v3 =	vld [tilespmem:$0x20];
	_ =	sdelay $0x4  }
0xd6: {  	v42 =	vshrl.u32 v3, $0x3  }
0xd7: {  	v4 =	vmul.u32 $0x18, v42  }
0xd8: {  	v3 =	vand.u32 $0x7, v3  }
0xd9: {  	v3 =	vor.u32 v3, v4  }
0xda: {  	v4 =	vperm.xlane v3, v0;
	_ =	sdelay $0x1  }
0xdb: {  	v4 =	vadd.s32 v1, v4;
	_ =	sdelay $0x1  }
0xdc: {  	v3 =	vperm.xlane v3, v2;
	_ =	sdelay $0x1  }
0xdd: {  	s18 =	simm.s32 $0x3480;
	v3 =	vadd.s32 v1, v3  }
0xde: {  	[tilespmem:s18], [sflag:$0x1] =	stream.indirect_vreg.gather [hbm4b:s3+s2], $0x80, v4, vm0, $0xb8;
	[tilespmem:$0xD680] =	vst v63  }
0xdf: {  	s7 =	simm.s32 $0x3C80  }
0xe0: {  	[tilespmem:s7], [sflag:$0x1] =	stream.indirect_vreg.gather [hbm4b:s6+s2], $0x80, v4, vm1, $0xb8;
	[tilespmem:$0xD680] =	vst v63  }
0xe1: {  	s19 =	simm.s32 $0x4080  }
0xe2: {  	[tilespmem:s19], [sflag:$0x1] =	stream.indirect_vreg.gather [hbm4b:s3+s2], $0x80, v3, vm0, $0xb8;
	[tilespmem:$0xD680] =	vst v63  }
0xe3: {  	s21 =	simm.s32 $0x4880  }
0xe4: {  	[tilespmem:s21], [sflag:$0x1] =	stream.indirect_vreg.gather [hbm4b:s6+s2], $0x80, v3, vm1, $0xb8;
	[tilespmem:$0xD680] =	vst v63  }
0xe5: {  	v3 =	vld [tilespmem:$0x30];
	_ =	sdelay $0x4  }
0xe6: {  	v43 =	vshrl.u32 v3, $0x3  }
0xe7: {  	v4 =	vmul.u32 $0x18, v43  }
0xe8: {  	v3 =	vand.u32 $0x7, v3  }
0xe9: {  	v3 =	vor.u32 v3, v4  }
0xea: {  	v4 =	vperm.xlane v3, v0;
	_ =	sdelay $0x1  }
0xeb: {  	v4 =	vadd.s32 v1, v4;
	_ =	sdelay $0x1  }
0xec: {  	v3 =	vperm.xlane v3, v2;
	_ =	sdelay $0x1  }
0xed: {  	s20 =	simm.s32 $0x4C80;
	v3 =	vadd.s32 v1, v3  }
0xee: {  	[tilespmem:s20], [sflag:$0x1] =	stream.indirect_vreg.gather [hbm4b:s3+s2], $0x80, v4, vm0, $0xb8;
	[tilespmem:$0xD680] =	vst v63  }
0xef: {  	s22 =	simm.s32 $0x5480  }
0xf0: {  	[tilespmem:s22], [sflag:$0x1] =	stream.indirect_vreg.gather [hbm4b:s6+s2], $0x80, v4, vm1, $0xb8;
	[tilespmem:$0xD680] =	vst v63  }
0xf1: {  	s23 =	simm.s32 $0x5880  }
0xf2: {  	[tilespmem:s23], [sflag:$0x1] =	stream.indirect_vreg.gather [hbm4b:s3+s2], $0x80, v3, vm0, $0xb8;
	[tilespmem:$0xD680] =	vst v63  }
0xf3: {  	s28 =	simm.s32 $0x6080  }
0xf4: {  	[tilespmem:s28], [sflag:$0x1] =	stream.indirect_vreg.gather [hbm4b:s6+s2], $0x80, v3, vm1, $0xb8;
	[tilespmem:$0xD680] =	vst v63  }
0xf5: {  	v3 =	vld [tilespmem:$0x40];
	_ =	sdelay $0x4  }
0xf6: {  	v44 =	vshrl.u32 v3, $0x3  }
0xf7: {  	v4 =	vmul.u32 $0x18, v44  }
0xf8: {  	v3 =	vand.u32 $0x7, v3  }
0xf9: {  	v3 =	vor.u32 v3, v4  }
0xfa: {  	v4 =	vperm.xlane v3, v0;
	_ =	sdelay $0x1  }
0xfb: {  	v4 =	vadd.s32 v1, v4;
	_ =	sdelay $0x1  }
0xfc: {  	v3 =	vperm.xlane v3, v2;
	_ =	sdelay $0x1  }
0xfd: {  	s29 =	simm.s32 $0x6480;
	v3 =	vadd.s32 v1, v3  }
0xfe: {  	[tilespmem:s29], [sflag:$0x1] =	stream.indirect_vreg.gather [hbm4b:s3+s2], $0x80, v4, vm0, $0xb8;
	[tilespmem:$0xD680] =	vst v63  }
0xff: {  	s12 =	simm.s32 $0x6C80  }
0x100: {  	[tilespmem:s12], [sflag:$0x1] =	stream.indirect_vreg.gather [hbm4b:s6+s2], $0x80, v4, vm1, $0xb8;
	[tilespmem:$0xD680] =	vst v63  }
0x101: {  	s13 =	simm.s32 $0x7080  }
0x102: {  	[tilespmem:s13], [sflag:$0x1] =	stream.indirect_vreg.gather [hbm4b:s3+s2], $0x80, v3, vm0, $0xb8;
	[tilespmem:$0xD680] =	vst v63  }
0x103: {  	s20 =	simm.s32 $0x7880  }
0x104: {  	[tilespmem:s20], [sflag:$0x1] =	stream.indirect_vreg.gather [hbm4b:s6+s2], $0x80, v3, vm1, $0xb8;
	[tilespmem:$0xD680] =	vst v63  }
0x105: {  	v3 =	vld [tilespmem:$0x50];
	_ =	sdelay $0x4  }
0x106: {  	v45 =	vshrl.u32 v3, $0x3  }
0x107: {  	v4 =	vmul.u32 $0x18, v45  }
0x108: {  	v3 =	vand.u32 $0x7, v3  }
0x109: {  	v3 =	vor.u32 v3, v4  }
0x10a: {  	v4 =	vperm.xlane v3, v0;
	_ =	sdelay $0x1  }
0x10b: {  	v4 =	vadd.s32 v1, v4;
	_ =	sdelay $0x1  }
0x10c: {  	v3 =	vperm.xlane v3, v2;
	_ =	sdelay $0x1  }
0x10d: {  	s7 =	simm.s32 $0x7C80;
	v3 =	vadd.s32 v1, v3  }
0x10e: {  	[tilespmem:s7], [sflag:$0x1] =	stream.indirect_vreg.gather [hbm4b:s3+s2], $0x80, v4, vm0, $0xb8;
	[tilespmem:$0xD680] =	vst v63  }
0x10f: {  	s5 =	simm.s32 $0x8480  }
0x110: {  	[tilespmem:s5], [sflag:$0x1] =	stream.indirect_vreg.gather [hbm4b:s6+s2], $0x80, v4, vm1, $0xb8;
	[tilespmem:$0xD680] =	vst v63  }
0x111: {  	s5 =	simm.s32 $0x8880  }
0x112: {  	[tilespmem:s5], [sflag:$0x1] =	stream.indirect_vreg.gather [hbm4b:s3+s2], $0x80, v3, vm0, $0xb8;
	[tilespmem:$0xD680] =	vst v63  }
0x113: {  	s29 =	simm.s32 $0x9080  }
0x114: {  	[tilespmem:s29], [sflag:$0x1] =	stream.indirect_vreg.gather [hbm4b:s6+s2], $0x80, v3, vm1, $0xb8;
	[tilespmem:$0xD680] =	vst v63  }
0x115: {  	v3 =	vld [tilespmem:$0x60];
	_ =	sdelay $0x4  }
0x116: {  	v46 =	vshrl.u32 v3, $0x3  }
0x117: {  	v4 =	vmul.u32 $0x18, v46  }
0x118: {  	v3 =	vand.u32 $0x7, v3  }
0x119: {  	v3 =	vor.u32 v3, v4  }
0x11a: {  	v4 =	vperm.xlane v3, v0;
	_ =	sdelay $0x1  }
0x11b: {  	v4 =	vadd.s32 v1, v4;
	_ =	sdelay $0x1  }
0x11c: {  	v3 =	vperm.xlane v3, v2;
	_ =	sdelay $0x1  }
0x11d: {  	s14 =	simm.s32 $0x9480;
	v3 =	vadd.s32 v1, v3  }
0x11e: {  	[tilespmem:s14], [sflag:$0x1] =	stream.indirect_vreg.gather [hbm4b:s3+s2], $0x80, v4, vm0, $0xb8;
	[tilespmem:$0xD680] =	vst v63  }
0x11f: {  	s11 =	simm.s32 $0x9C80  }
0x120: {  	[tilespmem:s11], [sflag:$0x1] =	stream.indirect_vreg.gather [hbm4b:s6+s2], $0x80, v4, vm1, $0xb8;
	[tilespmem:$0xD680] =	vst v63  }
0x121: {  	s12 =	simm.s32 $0xA080  }
0x122: {  	[tilespmem:s12], [sflag:$0x1] =	stream.indirect_vreg.gather [hbm4b:s3+s2], $0x80, v3, vm0, $0xb8;
	[tilespmem:$0xD680] =	vst v63  }
0x123: {  	s15 =	simm.s32 $0xA880  }
0x124: {  	[tilespmem:s15], [sflag:$0x1] =	stream.indirect_vreg.gather [hbm4b:s6+s2], $0x80, v3, vm1, $0xb8;
	[tilespmem:$0xD680] =	vst v63  }
0x125: {  	v3 =	vld [tilespmem:$0x70];
	_ =	sdelay $0x4  }
0x126: {  	v47 =	vshrl.u32 v3, $0x3  }
0x127: {  	v4 =	vmul.u32 $0x18, v47  }
0x128: {  	v3 =	vand.u32 $0x7, v3  }
0x129: {  	v3 =	vor.u32 v3, v4  }
0x12a: {  	v4 =	vperm.xlane v3, v0;
	_ =	sdelay $0x1  }
0x12b: {  	v4 =	vadd.s32 v1, v4;
	_ =	sdelay $0x1  }
0x12c: {  	v3 =	vperm.xlane v3, v2;
	_ =	sdelay $0x1  }
0x12d: {  	s13 =	simm.s32 $0xAC80;
	v3 =	vadd.s32 v1, v3  }
0x12e: {  	[tilespmem:s13], [sflag:$0x1] =	stream.indirect_vreg.gather [hbm4b:s3+s2], $0x80, v4, vm0, $0xb8;
	[tilespmem:$0xD680] =	vst v63  }
0x12f: {  	s14 =	simm.s32 $0xB480  }
0x130: {  	[tilespmem:s14], [sflag:$0x1] =	stream.indirect_vreg.gather [hbm4b:s6+s2], $0x80, v4, vm1, $0xb8;
	[tilespmem:$0xD680] =	vst v63  }
0x131: {  	s15 =	simm.s32 $0xB880  }
0x132: {  	[tilespmem:s15], [sflag:$0x1] =	stream.indirect_vreg.gather [hbm4b:s3+s2], $0x80, v3, vm0, $0xb8;
	[tilespmem:$0xD680] =	vst v63  }
0x133: {  	s16 =	simm.s32 $0xC080  }
0x134: {  	[tilespmem:s16], [sflag:$0x1] =	stream.indirect_vreg.gather [hbm4b:s6+s2], $0x80, v3, vm1, $0xb8;
	[tilespmem:$0xD680] =	vst v63  }
0x135: {  	_ =	swait.ge [sflag:s24], $0xC000  }
0x136: {  	[sflag:s24] =	ssyncset.done $0x0  }
0x137: {  	s16 =	rddreg [dreg:$0xa];
	[sflag:s24] =	ssyncadd.s32 $0xFFFF4000  }
0x138: {  	[hbm4b:s16+s2] =	stream.linear.scatter [tilespmem:s0], [sflag:$0x2], $0xC000, $0x38;
	[tilespmem:$0xD680] =	vst v63  }
0x139: {  	_ =	swait.ge [sflag:s17], $0xC000  }
0x13a: {  	[sflag:s17] =	ssyncset.done $0x0  }
0x13b: {  	s16 =	rddreg [dreg:$0xb];
	[sflag:s17] =	ssyncadd.s32 $0xFFFF4000  }
0x13c: {  	[tilespmem:s2], [sflag:$0x2] =	stream.linear.gather [hbm4b:s16+s2], $0x80, $0x38;
	[tilespmem:$0xD680] =	vst v63  }
0x13d: {  	_ =	swait.ge [sflag:s17], $0x80  }
0x13e: {  	[sflag:s17] =	ssyncset.done $0x0  }
0x13f: {  	[sflag:s17] =	ssyncadd.s32 $0xFFFFFF80  }
0x140: {  	v3 =	vld [tilespmem:$0x0];
	_ =	sdelay $0x4  }
0x141: {  	v48 =	vshrl.u32 v3, $0x3  }
0x142: {  	v4 =	vmul.u32 $0x18, v48  }
0x143: {  	v3 =	vand.u32 $0x7, v3  }
0x144: {  	v3 =	vor.u32 v3, v4  }
0x145: {  	v4 =	vperm.xlane v3, v0;
	_ =	sdelay $0x1  }
0x146: {  	v4 =	vadd.s32 v1, v4;
	_ =	sdelay $0x1  }
0x147: {  	v3 =	vperm.xlane v3, v2;
	_ =	sdelay $0x1  }
0x148: {  	v3 =	vadd.s32 v1, v3  }
0x149: {  	[tilespmem:s0], [sflag:$0x1] =	stream.indirect_vreg.gather [hbm4b:s3+s2], $0x80, v4, vm0, $0xb8;
	[tilespmem:$0xD680] =	vst v63  }
0x14a: {  	_ = 	snop  }
0x14b: {  	[tilespmem:s30], [sflag:$0x1] =	stream.indirect_vreg.gather [hbm4b:s6+s2], $0x80, v4, vm1, $0xb8;
	[tilespmem:$0xD680] =	vst v63  }
0x14c: {  	_ = 	snop  }
0x14d: {  	[tilespmem:s8], [sflag:$0x1] =	stream.indirect_vreg.gather [hbm4b:s3+s2], $0x80, v3, vm0, $0xb8;
	[tilespmem:$0xD680] =	vst v63  }
0x14e: {  	_ = 	snop  }
0x14f: {  	[tilespmem:s9], [sflag:$0x1] =	stream.indirect_vreg.gather [hbm4b:s6+s2], $0x80, v3, vm1, $0xb8;
	[tilespmem:$0xD680] =	vst v63  }
0x150: {  	v3 =	vld [tilespmem:$0x10];
	_ =	sdelay $0x4  }
0x151: {  	v49 =	vshrl.u32 v3, $0x3  }
0x152: {  	v4 =	vmul.u32 $0x18, v49  }
0x153: {  	v3 =	vand.u32 $0x7, v3  }
0x154: {  	v3 =	vor.u32 v3, v4  }
0x155: {  	v4 =	vperm.xlane v3, v0;
	_ =	sdelay $0x1  }
0x156: {  	v4 =	vadd.s32 v1, v4;
	_ =	sdelay $0x1  }
0x157: {  	v3 =	vperm.xlane v3, v2;
	_ =	sdelay $0x1  }
0x158: {  	v3 =	vadd.s32 v1, v3  }
0x159: {  	[tilespmem:s10], [sflag:$0x1] =	stream.indirect_vreg.gather [hbm4b:s3+s2], $0x80, v4, vm0, $0xb8;
	[tilespmem:$0xD680] =	vst v63  }
0x15a: {  	s16 =	simm.s32 $0x2480  }
0x15b: {  	[tilespmem:s16], [sflag:$0x1] =	stream.indirect_vreg.gather [hbm4b:s6+s2], $0x80, v4, vm1, $0xb8;
	[tilespmem:$0xD680] =	vst v63  }
0x15c: {  	s16 =	simm.s32 $0x2880  }
0x15d: {  	[tilespmem:s16], [sflag:$0x1] =	stream.indirect_vreg.gather [hbm4b:s3+s2], $0x80, v3, vm0, $0xb8;
	[tilespmem:$0xD680] =	vst v63  }
0x15e: {  	s16 =	simm.s32 $0x3080  }
0x15f: {  	[tilespmem:s16], [sflag:$0x1] =	stream.indirect_vreg.gather [hbm4b:s6+s2], $0x80, v3, vm1, $0xb8;
	[tilespmem:$0xD680] =	vst v63  }
0x160: {  	v3 =	vld [tilespmem:$0x20];
	_ =	sdelay $0x4  }
0x161: {  	v50 =	vshrl.u32 v3, $0x3  }
0x162: {  	v4 =	vmul.u32 $0x18, v50  }
0x163: {  	v3 =	vand.u32 $0x7, v3  }
0x164: {  	v3 =	vor.u32 v3, v4  }
0x165: {  	v4 =	vperm.xlane v3, v0;
	_ =	sdelay $0x1  }
0x166: {  	v4 =	vadd.s32 v1, v4;
	_ =	sdelay $0x1  }
0x167: {  	v3 =	vperm.xlane v3, v2;
	_ =	sdelay $0x1  }
0x168: {  	v3 =	vadd.s32 v1, v3  }
0x169: {  	[tilespmem:s18], [sflag:$0x1] =	stream.indirect_vreg.gather [hbm4b:s3+s2], $0x80, v4, vm0, $0xb8;
	[tilespmem:$0xD680] =	vst v63  }
0x16a: {  	s31 =	simm.s32 $0x3C80  }
0x16b: {  	[tilespmem:s31], [sflag:$0x1] =	stream.indirect_vreg.gather [hbm4b:s6+s2], $0x80, v4, vm1, $0xb8;
	[tilespmem:$0xD680] =	vst v63  }
0x16c: {  	_ = 	snop  }
0x16d: {  	[tilespmem:s19], [sflag:$0x1] =	stream.indirect_vreg.gather [hbm4b:s3+s2], $0x80, v3, vm0, $0xb8;
	[tilespmem:$0xD680] =	vst v63  }
0x16e: {  	_ = 	snop  }
0x16f: {  	[tilespmem:s21], [sflag:$0x1] =	stream.indirect_vreg.gather [hbm4b:s6+s2], $0x80, v3, vm1, $0xb8;
	[tilespmem:$0xD680] =	vst v63  }
0x170: {  	v3 =	vld [tilespmem:$0x30];
	_ =	sdelay $0x4  }
0x171: {  	v51 =	vshrl.u32 v3, $0x3  }
0x172: {  	v4 =	vmul.u32 $0x18, v51  }
0x173: {  	v3 =	vand.u32 $0x7, v3  }
0x174: {  	v3 =	vor.u32 v3, v4  }
0x175: {  	v4 =	vperm.xlane v3, v0;
	_ =	sdelay $0x1  }
0x176: {  	v4 =	vadd.s32 v1, v4;
	_ =	sdelay $0x1  }
0x177: {  	v3 =	vperm.xlane v3, v2;
	_ =	sdelay $0x1  }
0x178: {  	s31 =	simm.s32 $0x4C80;
	v3 =	vadd.s32 v1, v3  }
0x179: {  	[tilespmem:s31], [sflag:$0x1] =	stream.indirect_vreg.gather [hbm4b:s3+s2], $0x80, v4, vm0, $0xb8;
	[tilespmem:$0xD680] =	vst v63  }
0x17a: {  	_ = 	snop  }
0x17b: {  	[tilespmem:s22], [sflag:$0x1] =	stream.indirect_vreg.gather [hbm4b:s6+s2], $0x80, v4, vm1, $0xb8;
	[tilespmem:$0xD680] =	vst v63  }
0x17c: {  	_ = 	snop  }
0x17d: {  	[tilespmem:s23], [sflag:$0x1] =	stream.indirect_vreg.gather [hbm4b:s3+s2], $0x80, v3, vm0, $0xb8;
	[tilespmem:$0xD680] =	vst v63  }
0x17e: {  	_ = 	snop  }
0x17f: {  	[tilespmem:s28], [sflag:$0x1] =	stream.indirect_vreg.gather [hbm4b:s6+s2], $0x80, v3, vm1, $0xb8;
	[tilespmem:$0xD680] =	vst v63  }
0x180: {  	v3 =	vld [tilespmem:$0x40];
	_ =	sdelay $0x4  }
0x181: {  	v52 =	vshrl.u32 v3, $0x3  }
0x182: {  	v4 =	vmul.u32 $0x18, v52  }
0x183: {  	v3 =	vand.u32 $0x7, v3  }
0x184: {  	v3 =	vor.u32 v3, v4  }
0x185: {  	v4 =	vperm.xlane v3, v0;
	_ =	sdelay $0x1  }
0x186: {  	v4 =	vadd.s32 v1, v4;
	_ =	sdelay $0x1  }
0x187: {  	v3 =	vperm.xlane v3, v2;
	_ =	sdelay $0x1  }
0x188: {  	s19 =	simm.s32 $0x6480;
	v3 =	vadd.s32 v1, v3  }
0x189: {  	[tilespmem:s19], [sflag:$0x1] =	stream.indirect_vreg.gather [hbm4b:s3+s2], $0x80, v4, vm0, $0xb8;
	[tilespmem:$0xD680] =	vst v63  }
0x18a: {  	s31 =	simm.s32 $0x6C80  }
0x18b: {  	[tilespmem:s31], [sflag:$0x1] =	stream.indirect_vreg.gather [hbm4b:s6+s2], $0x80, v4, vm1, $0xb8;
	[tilespmem:$0xD680] =	vst v63  }
0x18c: {  	s19 =	simm.s32 $0x7080  }
0x18d: {  	[tilespmem:s19], [sflag:$0x1] =	stream.indirect_vreg.gather [hbm4b:s3+s2], $0x80, v3, vm0, $0xb8;
	[tilespmem:$0xD680] =	vst v63  }
0x18e: {  	_ = 	snop  }
0x18f: {  	[tilespmem:s20], [sflag:$0x1] =	stream.indirect_vreg.gather [hbm4b:s6+s2], $0x80, v3, vm1, $0xb8;
	[tilespmem:$0xD680] =	vst v63  }
0x190: {  	v3 =	vld [tilespmem:$0x50];
	_ =	sdelay $0x4  }
0x191: {  	v53 =	vshrl.u32 v3, $0x3  }
0x192: {  	v4 =	vmul.u32 $0x18, v53  }
0x193: {  	v3 =	vand.u32 $0x7, v3  }
0x194: {  	v3 =	vor.u32 v3, v4  }
0x195: {  	v4 =	vperm.xlane v3, v0;
	_ =	sdelay $0x1  }
0x196: {  	v4 =	vadd.s32 v1, v4;
	_ =	sdelay $0x1  }
0x197: {  	v3 =	vperm.xlane v3, v2;
	_ =	sdelay $0x1  }
0x198: {  	v3 =	vadd.s32 v1, v3  }
0x199: {  	[tilespmem:s7], [sflag:$0x1] =	stream.indirect_vreg.gather [hbm4b:s3+s2], $0x80, v4, vm0, $0xb8;
	[tilespmem:$0xD680] =	vst v63  }
0x19a: {  	s20 =	simm.s32 $0x8480  }
0x19b: {  	[tilespmem:s20], [sflag:$0x1] =	stream.indirect_vreg.gather [hbm4b:s6+s2], $0x80, v4, vm1, $0xb8;
	[tilespmem:$0xD680] =	vst v63  }
0x19c: {  	_ = 	snop  }
0x19d: {  	[tilespmem:s5], [sflag:$0x1] =	stream.indirect_vreg.gather [hbm4b:s3+s2], $0x80, v3, vm0, $0xb8;
	[tilespmem:$0xD680] =	vst v63  }
0x19e: {  	_ = 	snop  }
0x19f: {  	[tilespmem:s29], [sflag:$0x1] =	stream.indirect_vreg.gather [hbm4b:s6+s2], $0x80, v3, vm1, $0xb8;
	[tilespmem:$0xD680] =	vst v63  }
0x1a0: {  	v3 =	vld [tilespmem:$0x60];
	_ =	sdelay $0x4  }
0x1a1: {  	v54 =	vshrl.u32 v3, $0x3  }
0x1a2: {  	v4 =	vmul.u32 $0x18, v54  }
0x1a3: {  	v3 =	vand.u32 $0x7, v3  }
0x1a4: {  	v3 =	vor.u32 v3, v4  }
0x1a5: {  	v4 =	vperm.xlane v3, v0;
	_ =	sdelay $0x1  }
0x1a6: {  	v4 =	vadd.s32 v1, v4;
	_ =	sdelay $0x1  }
0x1a7: {  	v3 =	vperm.xlane v3, v2;
	_ =	sdelay $0x1  }
0x1a8: {  	s29 =	simm.s32 $0x9480;
	v3 =	vadd.s32 v1, v3  }
0x1a9: {  	[tilespmem:s29], [sflag:$0x1] =	stream.indirect_vreg.gather [hbm4b:s3+s2], $0x80, v4, vm0, $0xb8;
	[tilespmem:$0xD680] =	vst v63  }
0x1aa: {  	_ = 	snop  }
0x1ab: {  	[tilespmem:s11], [sflag:$0x1] =	stream.indirect_vreg.gather [hbm4b:s6+s2], $0x80, v4, vm1, $0xb8;
	[tilespmem:$0xD680] =	vst v63  }
0x1ac: {  	_ = 	snop  }
0x1ad: {  	[tilespmem:s12], [sflag:$0x1] =	stream.indirect_vreg.gather [hbm4b:s3+s2], $0x80, v3, vm0, $0xb8;
	[tilespmem:$0xD680] =	vst v63  }
0x1ae: {  	s4 =	smov.u32 s1;
	s1 =	simm.s32 $0xA880  }
0x1af: {  	[tilespmem:s1], [sflag:$0x1] =	stream.indirect_vreg.gather [hbm4b:s6+s2], $0x80, v3, vm1, $0xb8;
	[tilespmem:$0xD680] =	vst v63  }
0x1b0: {  	v3 =	vld [tilespmem:$0x70];
	_ =	sdelay $0x4  }
0x1b1: {  	v55 =	vshrl.u32 v3, $0x3  }
0x1b2: {  	v4 =	vmul.u32 $0x18, v55  }
0x1b3: {  	v3 =	vand.u32 $0x7, v3  }
0x1b4: {  	v3 =	vor.u32 v3, v4  }
0x1b5: {  	v4 =	vperm.xlane v3, v0;
	_ =	sdelay $0x1  }
0x1b6: {  	v4 =	vadd.s32 v1, v4;
	_ =	sdelay $0x1  }
0x1b7: {  	v3 =	vperm.xlane v3, v2;
	_ =	sdelay $0x1  }
0x1b8: {  	v3 =	vadd.s32 v1, v3  }
0x1b9: {  	[tilespmem:s13], [sflag:$0x1] =	stream.indirect_vreg.gather [hbm4b:s3+s2], $0x80, v4, vm0, $0xb8;
	[tilespmem:$0xD680] =	vst v63  }
0x1ba: {  	_ = 	snop  }
0x1bb: {  	[tilespmem:s14], [sflag:$0x1] =	stream.indirect_vreg.gather [hbm4b:s6+s2], $0x80, v4, vm1, $0xb8;
	[tilespmem:$0xD680] =	vst v63  }
0x1bc: {  	_ = 	snop  }
0x1bd: {  	[tilespmem:s15], [sflag:$0x1] =	stream.indirect_vreg.gather [hbm4b:s3+s2], $0x80, v3, vm0, $0xb8;
	[tilespmem:$0xD680] =	vst v63  }
0x1be: {  	s1 =	simm.s32 $0xC080  }
0x1bf: {  	[tilespmem:s1], [sflag:$0x1] =	stream.indirect_vreg.gather [hbm4b:s6+s2], $0x80, v3, vm1, $0xb8;
	[tilespmem:$0xD680] =	vst v63  }
0x1c0: {  	_ =	swait.ge [sflag:s24], $0xC000  }
0x1c1: {  	[sflag:s24] =	ssyncset.done $0x0  }
0x1c2: {  	s1 =	rddreg [dreg:$0xc];
	[sflag:s24] =	ssyncadd.s32 $0xFFFF4000  }
0x1c3: {  	[hbm4b:s1+s2] =	stream.linear.scatter [tilespmem:s0], [sflag:$0x2], $0xC000, $0x38;
	[tilespmem:$0xD680] =	vst v63  }
0x1c4: {  	_ =	swait.ge [sflag:s17], $0xC000  }
0x1c5: {  	[sflag:s17] =	ssyncset.done $0x0  }
0x1c6: {  	[sflag:s17] =	ssyncadd.s32 $0xFFFF4000  }
0x1c7: {  	[tilespmem:s2], [sflag:$0x2] =	stream.linear.gather [hbm4b:s4+s2], $0x80, $0x38;
	[tilespmem:$0xD680] =	vst v63  }
0x1c8: {  	_ =	swait.ge [sflag:s17], $0x80  }
0x1c9: {  	[sflag:s17] =	ssyncset.done $0x0  }
0x1ca: {  	[sflag:s17] =	ssyncadd.s32 $0xFFFFFF80  }
0x1cb: {  	v3 =	vld [tilespmem:$0x0];
	_ =	sdelay $0x4  }
0x1cc: {  	v56 =	vshrl.u32 v3, $0x3  }
0x1cd: {  	v4 =	vmul.u32 $0x18, v56  }
0x1ce: {  	v3 =	vand.u32 $0x7, v3  }
0x1cf: {  	v3 =	vor.u32 v3, v4  }
0x1d0: {  	v4 =	vperm.xlane v3, v0;
	_ =	sdelay $0x1  }
0x1d1: {  	v4 =	vadd.s32 v1, v4;
	_ =	sdelay $0x1  }
0x1d2: {  	v3 =	vperm.xlane v3, v2;
	_ =	sdelay $0x1  }
0x1d3: {  	v3 =	vadd.s32 v1, v3  }
0x1d4: {  	[tilespmem:s0], [sflag:$0x1] =	stream.indirect_vreg.gather [hbm4b:s3+s2], $0x80, v4, vm0, $0xb8;
	[tilespmem:$0xD680] =	vst v63  }
0x1d5: {  	_ = 	snop  }
0x1d6: {  	[tilespmem:s30], [sflag:$0x1] =	stream.indirect_vreg.gather [hbm4b:s6+s2], $0x80, v4, vm1, $0xb8;
	[tilespmem:$0xD680] =	vst v63  }
0x1d7: {  	_ = 	snop  }
0x1d8: {  	[tilespmem:s8], [sflag:$0x1] =	stream.indirect_vreg.gather [hbm4b:s3+s2], $0x80, v3, vm0, $0xb8;
	[tilespmem:$0xD680] =	vst v63  }
0x1d9: {  	_ = 	snop  }
0x1da: {  	[tilespmem:s9], [sflag:$0x1] =	stream.indirect_vreg.gather [hbm4b:s6+s2], $0x80, v3, vm1, $0xb8;
	[tilespmem:$0xD680] =	vst v63  }
0x1db: {  	v3 =	vld [tilespmem:$0x10];
	_ =	sdelay $0x4  }
0x1dc: {  	v57 =	vshrl.u32 v3, $0x3  }
0x1dd: {  	v4 =	vmul.u32 $0x18, v57  }
0x1de: {  	v3 =	vand.u32 $0x7, v3  }
0x1df: {  	v3 =	vor.u32 v3, v4  }
0x1e0: {  	v4 =	vperm.xlane v3, v0;
	_ =	sdelay $0x1  }
0x1e1: {  	v4 =	vadd.s32 v1, v4;
	_ =	sdelay $0x1  }
0x1e2: {  	v3 =	vperm.xlane v3, v2;
	_ =	sdelay $0x1  }
0x1e3: {  	v3 =	vadd.s32 v1, v3  }
0x1e4: {  	[tilespmem:s10], [sflag:$0x1] =	stream.indirect_vreg.gather [hbm4b:s3+s2], $0x80, v4, vm0, $0xb8;
	[tilespmem:$0xD680] =	vst v63  }
0x1e5: {  	s1 =	smov.u32 s4;
	s4 =	simm.s32 $0x2480  }
0x1e6: {  	[tilespmem:s4], [sflag:$0x1] =	stream.indirect_vreg.gather [hbm4b:s6+s2], $0x80, v4, vm1, $0xb8;
	[tilespmem:$0xD680] =	vst v63  }
0x1e7: {  	s4 =	simm.s32 $0x2880  }
0x1e8: {  	[tilespmem:s4], [sflag:$0x1] =	stream.indirect_vreg.gather [hbm4b:s3+s2], $0x80, v3, vm0, $0xb8;
	[tilespmem:$0xD680] =	vst v63  }
0x1e9: {  	s4 =	simm.s32 $0x3080  }
0x1ea: {  	[tilespmem:s4], [sflag:$0x1] =	stream.indirect_vreg.gather [hbm4b:s6+s2], $0x80, v3, vm1, $0xb8;
	[tilespmem:$0xD680] =	vst v63  }
0x1eb: {  	v3 =	vld [tilespmem:$0x20];
	_ =	sdelay $0x4  }
0x1ec: {  	v58 =	vshrl.u32 v3, $0x3  }
0x1ed: {  	v4 =	vmul.u32 $0x18, v58  }
0x1ee: {  	v3 =	vand.u32 $0x7, v3  }
0x1ef: {  	v3 =	vor.u32 v3, v4  }
0x1f0: {  	v4 =	vperm.xlane v3, v0;
	_ =	sdelay $0x1  }
0x1f1: {  	v4 =	vadd.s32 v1, v4;
	_ =	sdelay $0x1  }
0x1f2: {  	v3 =	vperm.xlane v3, v2;
	_ =	sdelay $0x1  }
0x1f3: {  	s16 =	simm.s32 $0x3480;
	v3 =	vadd.s32 v1, v3  }
0x1f4: {  	[tilespmem:s16], [sflag:$0x1] =	stream.indirect_vreg.gather [hbm4b:s3+s2], $0x80, v4, vm0, $0xb8;
	[tilespmem:$0xD680] =	vst v63  }
0x1f5: {  	s4 =	simm.s32 $0x3C80  }
0x1f6: {  	[tilespmem:s4], [sflag:$0x1] =	stream.indirect_vreg.gather [hbm4b:s6+s2], $0x80, v4, vm1, $0xb8;
	[tilespmem:$0xD680] =	vst v63  }
0x1f7: {  	s18 =	simm.s32 $0x4080  }
0x1f8: {  	[tilespmem:s18], [sflag:$0x1] =	stream.indirect_vreg.gather [hbm4b:s3+s2], $0x80, v3, vm0, $0xb8;
	[tilespmem:$0xD680] =	vst v63  }
0x1f9: {  	s21 =	simm.s32 $0x4880  }
0x1fa: {  	[tilespmem:s21], [sflag:$0x1] =	stream.indirect_vreg.gather [hbm4b:s6+s2], $0x80, v3, vm1, $0xb8;
	[tilespmem:$0xD680] =	vst v63  }
0x1fb: {  	v3 =	vld [tilespmem:$0x30];
	_ =	sdelay $0x4  }
0x1fc: {  	v59 =	vshrl.u32 v3, $0x3  }
0x1fd: {  	v4 =	vmul.u32 $0x18, v59  }
0x1fe: {  	v3 =	vand.u32 $0x7, v3  }
0x1ff: {  	v3 =	vor.u32 v3, v4  }
0x200: {  	v4 =	vperm.xlane v3, v0;
	_ =	sdelay $0x1  }
0x201: {  	v4 =	vadd.s32 v1, v4;
	_ =	sdelay $0x1  }
0x202: {  	v3 =	vperm.xlane v3, v2;
	_ =	sdelay $0x1  }
0x203: {  	s18 =	simm.s32 $0x4C80;
	v3 =	vadd.s32 v1, v3  }
0x204: {  	[tilespmem:s18], [sflag:$0x1] =	stream.indirect_vreg.gather [hbm4b:s3+s2], $0x80, v4, vm0, $0xb8;
	[tilespmem:$0xD680] =	vst v63  }
0x205: {  	s22 =	simm.s32 $0x5480  }
0x206: {  	[tilespmem:s22], [sflag:$0x1] =	stream.indirect_vreg.gather [hbm4b:s6+s2], $0x80, v4, vm1, $0xb8;
	[tilespmem:$0xD680] =	vst v63  }
0x207: {  	s23 =	simm.s32 $0x5880  }
0x208: {  	[tilespmem:s23], [sflag:$0x1] =	stream.indirect_vreg.gather [hbm4b:s3+s2], $0x80, v3, vm0, $0xb8;
	[tilespmem:$0xD680] =	vst v63  }
0x209: {  	s28 =	simm.s32 $0x6080  }
0x20a: {  	[tilespmem:s28], [sflag:$0x1] =	stream.indirect_vreg.gather [hbm4b:s6+s2], $0x80, v3, vm1, $0xb8;
	[tilespmem:$0xD680] =	vst v63  }
0x20b: {  	v3 =	vld [tilespmem:$0x40];
	_ =	sdelay $0x4  }
0x20c: {  	v60 =	vshrl.u32 v3, $0x3  }
0x20d: {  	v4 =	vmul.u32 $0x18, v60  }
0x20e: {  	v3 =	vand.u32 $0x7, v3  }
0x20f: {  	v3 =	vor.u32 v3, v4  }
0x210: {  	v4 =	vperm.xlane v3, v0;
	_ =	sdelay $0x1  }
0x211: {  	v4 =	vadd.s32 v1, v4;
	_ =	sdelay $0x1  }
0x212: {  	v3 =	vperm.xlane v3, v2;
	_ =	sdelay $0x1  }
0x213: {  	s21 =	simm.s32 $0x6480;
	v3 =	vadd.s32 v1, v3  }
0x214: {  	[tilespmem:s21], [sflag:$0x1] =	stream.indirect_vreg.gather [hbm4b:s3+s2], $0x80, v4, vm0, $0xb8;
	[tilespmem:$0xD680] =	vst v63  }
0x215: {  	s22 =	simm.s32 $0x6C80  }
0x216: {  	[tilespmem:s22], [sflag:$0x1] =	stream.indirect_vreg.gather [hbm4b:s6+s2], $0x80, v4, vm1, $0xb8;
	[tilespmem:$0xD680] =	vst v63  }
0x217: {  	s23 =	simm.s32 $0x7080  }
0x218: {  	[tilespmem:s23], [sflag:$0x1] =	stream.indirect_vreg.gather [hbm4b:s3+s2], $0x80, v3, vm0, $0xb8;
	[tilespmem:$0xD680] =	vst v63  }
0x219: {  	s19 =	simm.s32 $0x7880  }
0x21a: {  	[tilespmem:s19], [sflag:$0x1] =	stream.indirect_vreg.gather [hbm4b:s6+s2], $0x80, v3, vm1, $0xb8;
	[tilespmem:$0xD680] =	vst v63  }
0x21b: {  	v3 =	vld [tilespmem:$0x50];
	_ =	sdelay $0x4  }
0x21c: {  	v61 =	vshrl.u32 v3, $0x3  }
0x21d: {  	v4 =	vmul.u32 $0x18, v61  }
0x21e: {  	v3 =	vand.u32 $0x7, v3  }
0x21f: {  	v3 =	vor.u32 v3, v4  }
0x220: {  	v4 =	vperm.xlane v3, v0;
	_ =	sdelay $0x1  }
0x221: {  	v4 =	vadd.s32 v1, v4;
	_ =	sdelay $0x1  }
0x222: {  	v3 =	vperm.xlane v3, v2;
	_ =	sdelay $0x1  }
0x223: {  	s7 =	simm.s32 $0x7C80;
	v3 =	vadd.s32 v1, v3  }
0x224: {  	[tilespmem:s7], [sflag:$0x1] =	stream.indirect_vreg.gather [hbm4b:s3+s2], $0x80, v4, vm0, $0xb8;
	[tilespmem:$0xD680] =	vst v63  }
0x225: {  	s31 =	simm.s32 $0x8480  }
0x226: {  	[tilespmem:s31], [sflag:$0x1] =	stream.indirect_vreg.gather [hbm4b:s6+s2], $0x80, v4, vm1, $0xb8;
	[tilespmem:$0xD680] =	vst v63  }
0x227: {  	s5 =	simm.s32 $0x8880  }
0x228: {  	[tilespmem:s5], [sflag:$0x1] =	stream.indirect_vreg.gather [hbm4b:s3+s2], $0x80, v3, vm0, $0xb8;
	[tilespmem:$0xD680] =	vst v63  }
0x229: {  	s20 =	simm.s32 $0x9080  }
0x22a: {  	[tilespmem:s20], [sflag:$0x1] =	stream.indirect_vreg.gather [hbm4b:s6+s2], $0x80, v3, vm1, $0xb8;
	[tilespmem:$0xD680] =	vst v63  }
0x22b: {  	v3 =	vld [tilespmem:$0x60];
	_ =	sdelay $0x4  }
0x22c: {  	v62 =	vshrl.u32 v3, $0x3  }
0x22d: {  	v4 =	vmul.u32 $0x18, v62  }
0x22e: {  	v3 =	vand.u32 $0x7, v3  }
0x22f: {  	v3 =	vor.u32 v3, v4  }
0x230: {  	v4 =	vperm.xlane v3, v0;
	_ =	sdelay $0x1  }
0x231: {  	v4 =	vadd.s32 v1, v4;
	_ =	sdelay $0x1  }
0x232: {  	v3 =	vperm.xlane v3, v2;
	_ =	sdelay $0x1  }
0x233: {  	s29 =	simm.s32 $0x9480;
	v3 =	vadd.s32 v1, v3  }
0x234: {  	[tilespmem:s29], [sflag:$0x1] =	stream.indirect_vreg.gather [hbm4b:s3+s2], $0x80, v4, vm0, $0xb8;
	[tilespmem:$0xD680] =	vst v63  }
0x235: {  	s11 =	simm.s32 $0x9C80  }
0x236: {  	[tilespmem:s11], [sflag:$0x1] =	stream.indirect_vreg.gather [hbm4b:s6+s2], $0x80, v4, vm1, $0xb8;
	[tilespmem:$0xD680] =	vst v63  }
0x237: {  	s12 =	simm.s32 $0xA080  }
0x238: {  	[tilespmem:s12], [sflag:$0x1] =	stream.indirect_vreg.gather [hbm4b:s3+s2], $0x80, v3, vm0, $0xb8;
	[tilespmem:$0xD680] =	vst v63  }
0x239: {  	s28 =	simm.s32 $0xA880  }
0x23a: {  	[tilespmem:s28], [sflag:$0x1] =	stream.indirect_vreg.gather [hbm4b:s6+s2], $0x80, v3, vm1, $0xb8;
	[tilespmem:$0xD680] =	vst v63  }
0x23b: {  	v3 =	vld [tilespmem:$0x70];
	_ =	sdelay $0x4  }
0x23c: {  	v63 =	vshrl.u32 v3, $0x3  }
0x23d: {  	v4 =	vmul.u32 $0x18, v63  }
0x23e: {  	v3 =	vand.u32 $0x7, v3  }
0x23f: {  	v3 =	vor.u32 v3, v4  }
0x240: {  	v4 =	vperm.xlane v3, v0;
	_ =	sdelay $0x1  }
0x241: {  	v4 =	vadd.s32 v1, v4;
	_ =	sdelay $0x1  }
0x242: {  	v3 =	vperm.xlane v3, v2;
	_ =	sdelay $0x1  }
0x243: {  	s13 =	simm.s32 $0xAC80;
	v3 =	vadd.s32 v1, v3  }
0x244: {  	[tilespmem:s13], [sflag:$0x1] =	stream.indirect_vreg.gather [hbm4b:s3+s2], $0x80, v4, vm0, $0xb8;
	[tilespmem:$0xD680] =	vst v63  }
0x245: {  	s14 =	simm.s32 $0xB480  }
0x246: {  	[tilespmem:s14], [sflag:$0x1] =	stream.indirect_vreg.gather [hbm4b:s6+s2], $0x80, v4, vm1, $0xb8;
	[tilespmem:$0xD680] =	vst v63  }
0x247: {  	s15 =	simm.s32 $0xB880  }
0x248: {  	[tilespmem:s15], [sflag:$0x1] =	stream.indirect_vreg.gather [hbm4b:s3+s2], $0x80, v3, vm0, $0xb8;
	[tilespmem:$0xD680] =	vst v63  }
0x249: {  	s29 =	simm.s32 $0xC080  }
0x24a: {  	[tilespmem:s29], [sflag:$0x1] =	stream.indirect_vreg.gather [hbm4b:s6+s2], $0x80, v3, vm1, $0xb8;
	[tilespmem:$0xD680] =	vst v63  }
0x24b: {  	s16 =	rddreg [dreg:$0x7];
	_ =	swait.ge [sflag:s24], $0xC000  }
0x24c: {  	[sflag:s24] =	ssyncset.done $0x0  }
.Ltmp2:
0x24d: {  	s31 =	rddreg [dreg:$0xd];
	[sflag:s24] =	ssyncadd.s32 $0xFFFF4000;
	(pc) =	sbr.rel @p0 .LBB2_5-.Ltmp2, $4  }
0x24e: {  	[hbm4b:s31+s2] =	stream.linear.scatter [tilespmem:s0], [sflag:$0x2], $0xC000, $0x38;
	[tilespmem:$0xD680] =	vst v63  }
0x24f: {  	s4 =	rddreg [dreg:$0xe];
	_ =	swait.ge [sflag:s17], $0xC000  }
0x250: {  	[sflag:s17] =	ssyncset.done $0x0  }
0x251: {  	[sflag:s17] =	ssyncadd.s32 $0xFFFF4000  }
0x252: {  	s28 =	rddreg [dreg:$0x4]  }
0x253: {  	[tilespmem:s25], [sflag:$0x2] =	stream.linear.gather [hbm4b:s28+s2], $0x1000, $0x38;
	[tilespmem:$0xD680] =	vst v63  }
0x254: {  	_ =	swait.ge [sflag:s17], $0x1000  }
0x255: {  	[sflag:s17] =	ssyncset.done $0x0  }
0x256: {  	s28 =	simm.s32 $0x80;
	[sflag:s17] =	ssyncadd.s32 $0xFFFFF000  }
0x257: {  	[tilespmem:s28], [sflag:$0x2] =	stream.linear.gather [hbm4b:s16+s2], $0x200, $0x38;
	[tilespmem:$0xD680] =	vst v63  }
0x258: {  	_ =	swait.ge [sflag:s17], $0x200  }
0x259: {  	[sflag:s17] =	ssyncset.done $0x0  }
0x25a: {  	s29 =	simm.s32 $0x280;
	s30 =	rddreg [dreg:$0x5];
	[sflag:s17] =	ssyncadd.s32 $0xFFFFFE00  }
0x25b: {  	[tilespmem:s29], [sflag:$0x2] =	stream.linear.gather [hbm4b:s30+s2], $0x200, $0x38;
	[tilespmem:$0xD680] =	vst v63  }
0x25c: {  	_ =	swait.ge [sflag:s17], $0x200  }
0x25d: {  	[sflag:s17] =	ssyncset.done $0x0  }
0x25e: {  	[sflag:s17] =	ssyncadd.s32 $0xFFFFFE00  }
0x25f: {  	v3 =	vld [tilespmem:s28+$0x0]  }
0x260: {  	v4 =	vld [tilespmem:s29+$0x0];
	_ =	sdelay $0x3  }
0x261: {  	s28 =	simm.s32 $0x90  }
0x262: {  	v6 =	vld [tilespmem:s28+$0x0];
	s28 =	simm.s32 $0x290  }
0x263: {  	v7 =	vld [tilespmem:s28+$0x0]  }
0x264: {  	v3 =	vld.idx.msk [tilespmem:v3+s25+$0x0], $0xffff  }
0x265: {  	v8 =	vld.idx.msk [tilespmem:v4+s25+$0x0], $0xffff;
	_ =	sdelay $0x1  }
0x266: {  	s28 =	simm.s32 $0xA0  }
0x267: {  	s29 =	simm.s32 $0x2A0;
	v5 =	vld [tilespmem:s28+$0x0]  }
0x268: {  	v4 =	vld [tilespmem:s29+$0x0]  }
0x269: {  	v8 =	vadd.f32 v8, v3;
	v3 =	vld.idx.msk [tilespmem:v6+s25+$0x0], $0xffff  }
0x26a: {  	v6 =	vld.idx.msk [tilespmem:v7+s25+$0x0], $0xffff;
	_ =	sdelay $0x1  }
0x26b: {  	s10 =	smov.u32 s4;
	s8 =	smov.u32 s1;
	s28 =	simm.s32 $0xD480  }
0x26c: {  	s0 =	smov.u32 s16;
	s31 =	simm.s32 $0xB0;
	s30 =	simm.s32 $0x20;
	[tilespmem:s28+$0x0] =	vst v8  }
.LBB2_3:
0x26d: {  	v7 =	vld [tilespmem:s31+$0x0];
	s29 =	sadd.s32 $0x10, s29  }
0x26e: {  	v9 =	vadd.f32 v6, v3;
	s30 =	sadd.s32 $0x10, s30;
	v8 =	vld [tilespmem:s29+$0x0]  }
0x26f: {  	s28 =	sadd.s32 $0x10, s28;
	p1 =	slt.u32 s30, $0x1F0;
	v3 =	vld.idx.msk [tilespmem:v5+s25+$0x0], $0xffff  }
.Ltmp3:
0x270: {  	v6 =	vld.idx.msk [tilespmem:v4+s25+$0x0], $0xffff;
	[tilespmem:s28+$0x0] =	vst v9;
	(pc) =	sbr.rel @p1 .LBB2_3-.Ltmp3, $4  }
0x271: {  	_ = 	snop  }
0x272: {  	v5 =	vmov v7  }
0x273: {  	v4 =	vmov v8  }
0x274: {  	s31 =	sadd.s32 $0x10, s31  }
.Ltmp4:
0x275: {  	_ = 	snop;
	(pc) =	sbr.rel .LBB2_4-.Ltmp4, $1  }
0x276: {  	_ =	sdelay $0x3  }
.LBB2_6:
0x277: {  	_ =	sfence.sel $0x180000  }
0x278: {  	[bflag:$0x0] =	sbarrier.arrive $0xFFFF  }
0x279: {  	_ =	strace $0x9000004A  }
0x27a: {  	s0 =	stileid.u32;
	[bflag:$0x2] =	sbarrier.arrive $0xFFFF  }
0x27b: {  	p0 =	sne.s32 s0, $0x0;
	s0 =	rddreg [dreg:$0x3]  }
0x27c: {  	s0 =	sadd.s32 @!p0 $0x100000, s0  }
0x27d: {  	[sflag:s0] =	ssyncadd.tile.s32 @!p0 $0x1;
	_ =	shalt  }
.Lfunc_end2:
_tile_overlayer_lowered:
.L_overlay_start_2:
0x27e: {  	(tag) =	ssettag $0x2  }
0x27f: {  	s0 =	rddreg [dreg:$0x0];
	s2 =	stileid.u32  }
0x280: {  	s1 =	rddreg [dreg:$0x1];
	p0 =	sne.s32 s2, $0x0  }
0x281: {  	s3 =	rddreg [dreg:$0x2];
	[bflag:$0x3] =	sbarrier.arrive $0xFFFF;
	s2 =	simm.s32 @!p0 $0x1C02  }
0x282: {  	[timem:s3], [sflag:s2] =	dma.local @!p0 [hbm:s0], s1  }
0x283: {  	s0 =	simm.s32 @!p0 $0x2  }
0x284: {  	_ =	swait.ge @!p0 [sflag:s0], s1  }
0x285: {  	s1 =	ssub.s32 @!p0 $0x0, s1;
	[sflag:s0] =	ssyncset.done @!p0 $0x0  }
0x286: {  	[sflag:s0] =	ssyncadd.s32 @!p0 s1  }
0x287: {  	[bflag:$0x3] =	sbarrier.arrive $0xFFFF  }
0x288: {  	_ =	shalt  }

</sc_bundles>
